<compile_context>
chip_gen: v7x
topology: tpu7x:2x2x1
jax: 0.10.2.dev20260603
libtpu: 0.0.44.dev20260713+nightly
codegen_flags: <defaults>
</compile_context>

<pallas_src>
import functools

import jax
import jax.numpy as jnp
import numpy as np
from jax import lax
from jax.experimental import pallas as pl
from jax.experimental.pallas import tpu as pltpu
from jax.experimental.pallas import tpu_sc as plsc

HID = 16
CELLS = 100000
BATCH = 1024
TOPK = 10

C_BLK = 4096
NCB = 25
CPAD = NCB * C_BLK
KC_BLK = 1024
NKB = CPAD // KC_BLK
B_BLK = 512
NB = BATCH // B_BLK
MERGE_EVERY = 8

INV_SCALE = 1.0 / np.power(128.0, 0.5)
BIG = np.int32(0x3FFFFFFF)
BIGF = np.float32(2.0**30)

NWORK = 32
ROWS_PER_W = BATCH // NWORK
ROW_CHUNK = 8
IDX_CHUNK = ROW_CHUNK * TOPK
KV_W = 128


def _linear_relu_body(x_ref, w_ref, b_ref, o_ref):
    y = lax.dot_general(x_ref[...], w_ref[...], (((1,), (1,)), ((), ())),
                        preferred_element_type=jnp.float32)
    o_ref[...] = jnp.maximum(y + b_ref[...], 0.0)


def _linear_relu(x, w, b2):
    return pl.pallas_call(
        _linear_relu_body,
        out_shape=jax.ShapeDtypeStruct((x.shape[0], w.shape[0]), jnp.float32),
    )(x, w, b2)


def _keys_body(mem_ref, wk_ref, bk_col_ref, bk_row_ref, kt_ref, kr_ref):
    mem = mem_ref[...]
    wk = wk_ref[...]
    kt = lax.dot_general(wk, mem, (((1,), (1,)), ((), ())),
                         preferred_element_type=jnp.float32)
    kt_ref[...] = jnp.maximum(kt + bk_col_ref[...], 0.0)
    kr = lax.dot_general(mem, wk, (((1,), (1,)), ((), ())),
                         preferred_element_type=jnp.float32)
    kr = jnp.maximum(kr + bk_row_ref[...], 0.0)
    kr_ref[...] = jnp.concatenate(
        [kr, jnp.zeros((KC_BLK, KV_W - HID), jnp.float32)], axis=1)


def _keys(mem_p, wk, bk_col, bk_row):
    return pl.pallas_call(
        _keys_body,
        grid=(NKB,),
        in_specs=[
            pl.BlockSpec((KC_BLK, HID), lambda i: (i, 0)),
            pl.BlockSpec((HID, HID), lambda i: (0, 0)),
            pl.BlockSpec((HID, 1), lambda i: (0, 0)),
            pl.BlockSpec((1, HID), lambda i: (0, 0)),
        ],
        out_specs=[
            pl.BlockSpec((HID, KC_BLK), lambda i: (0, i)),
            pl.BlockSpec((KC_BLK, KV_W), lambda i: (i, 0)),
        ],
        out_shape=[
            jax.ShapeDtypeStruct((HID, CPAD), jnp.float32),
            jax.ShapeDtypeStruct((CPAD, KV_W), jnp.float32),
        ],
    )(mem_p, wk, bk_col, bk_row)


def _pass1_body(q_ref, kt_ref, m_ref, s_ref, ti_ref, tv_ref, tif_ref,
                av_ref, ai_ref):
    c = pl.program_id(1)
    u = lax.dot_general(q_ref[...], kt_ref[...], (((1,), (0,)), ((), ())),
                        preferred_element_type=jnp.float32) * INV_SCALE
    gidxf = (lax.broadcasted_iota(jnp.int32, (1, C_BLK), 1).astype(jnp.float32)
             + jnp.float32(c * C_BLK))
    limit = jnp.float32(CELLS)
    u = jnp.where(gidxf < limit, u, -1e30)

    @pl.when(c == 0)
    def _init():
        m_ref[...] = jnp.zeros_like(m_ref)
        s_ref[...] = jnp.zeros_like(s_ref)
        tv_ref[...] = jnp.full_like(tv_ref, -1.0)
        tif_ref[...] = jnp.full_like(tif_ref, BIGF)

    m_old = m_ref[...]
    s_old = s_ref[...]
    bm = jnp.max(u, axis=1, keepdims=True)
    m_new = jnp.maximum(m_old, bm)
    p = jnp.exp(u - m_new)
    s_ref[...] = s_old * jnp.exp(m_old - m_new) + jnp.sum(p, axis=1, keepdims=True)
    m_ref[...] = m_new

    bvs, bis = [], []
    for it in range(TOPK):
        bv = bm if it == 0 else jnp.max(u, axis=1, keepdims=True)
        bi = jnp.min(jnp.where(u == bv, gidxf, BIGF), axis=1, keepdims=True)
        bvs.append(bv)
        bis.append(bi)
        u = jnp.where(gidxf == bi, -2.0, u)
    s = c % MERGE_EVERY
    av_ref[s] = jnp.concatenate(bvs, axis=1)
    ai_ref[s] = jnp.concatenate(bis, axis=1)

    @pl.when((s == MERGE_EVERY - 1) | (c == NCB - 1))
    def _merge():
        cv = jnp.concatenate(
            [tv_ref[...]] + [av_ref[i] for i in range(MERGE_EVERY)], axis=1)
        ci = jnp.concatenate(
            [tif_ref[...]] + [ai_ref[i] for i in range(MERGE_EVERY)], axis=1)
        nvs, nis = [], []
        for _ in range(TOPK):
            mv = jnp.max(cv, axis=1, keepdims=True)
            mi = jnp.min(jnp.where(cv == mv, ci, BIGF),
                         axis=1, keepdims=True)
            nvs.append(mv)
            nis.append(mi)
            cv = jnp.where(ci == mi, -3.0, cv)
        tv_ref[...] = jnp.concatenate(nvs, axis=1)
        tif_ref[...] = jnp.concatenate(nis, axis=1)
        ti_ref[...] = jnp.concatenate(nis, axis=1).astype(jnp.int32)


def _pass1(q, kt):
    return pl.pallas_call(
        _pass1_body,
        grid=(NB, NCB),
        in_specs=[
            pl.BlockSpec((B_BLK, HID), lambda b, c: (b, 0)),
            pl.BlockSpec((HID, C_BLK), lambda b, c: (0, c)),
        ],
        out_specs=[
            pl.BlockSpec((B_BLK, 1), lambda b, c: (b, 0)),
            pl.BlockSpec((B_BLK, 1), lambda b, c: (b, 0)),
            pl.BlockSpec((B_BLK, TOPK), lambda b, c: (b, 0)),
        ],
        out_shape=[
            jax.ShapeDtypeStruct((BATCH, 1), jnp.float32),
            jax.ShapeDtypeStruct((BATCH, 1), jnp.float32),
            jax.ShapeDtypeStruct((BATCH, TOPK), jnp.int32),
        ],
        scratch_shapes=[pltpu.VMEM((B_BLK, TOPK), jnp.float32),
                        pltpu.VMEM((B_BLK, TOPK), jnp.float32),
                        pltpu.VMEM((MERGE_EVERY, B_BLK, TOPK), jnp.float32),
                        pltpu.VMEM((MERGE_EVERY, B_BLK, TOPK), jnp.float32)],
    )(q, kt)


def _pass2_body(q_ref, kt_ref, m_ref, s_ref, attn_ref):
    u = lax.dot_general(q_ref[...], kt_ref[...], (((1,), (0,)), ((), ())),
                        preferred_element_type=jnp.float32) * INV_SCALE
    attn_ref[...] = jnp.exp(u - m_ref[...]) / s_ref[...]


def _pass2(q, kt, m_row, s_row):
    return pl.pallas_call(
        _pass2_body,
        grid=(NB, NCB),
        in_specs=[
            pl.BlockSpec((B_BLK, HID), lambda b, c: (b, 0)),
            pl.BlockSpec((HID, C_BLK), lambda b, c: (0, c)),
            pl.BlockSpec((B_BLK, 1), lambda b, c: (b, 0)),
            pl.BlockSpec((B_BLK, 1), lambda b, c: (b, 0)),
        ],
        out_specs=pl.BlockSpec((B_BLK, C_BLK), lambda b, c: (b, c)),
        out_shape=jax.ShapeDtypeStruct((BATCH, CELLS), jnp.float32),
    )(q, kt, m_row, s_row)


def _gather_mean_body(kr_hbm, ti_hbm, out_hbm, idx_v, rows_v, out_v, sem):
    wid = lax.axis_index("s") * 2 + lax.axis_index("c")
    base = wid * ROWS_PER_W * TOPK
    for g in range(ROWS_PER_W // ROW_CHUNK):
        pltpu.sync_copy(ti_hbm.at[pl.ds(base + g * IDX_CHUNK, IDX_CHUNK)], idx_v)
        pltpu.async_copy(kr_hbm.at[idx_v], rows_v, sem).wait()
        for r in range(ROW_CHUNK):
            acc = rows_v[r * TOPK, pl.ds(0, HID)]
            for j in range(1, TOPK):
                acc = acc + rows_v[r * TOPK + j, pl.ds(0, HID)]
            out_v[g * ROW_CHUNK + r, :] = acc * np.float32(1.0 / TOPK)
    pltpu.sync_copy(out_v, out_hbm.at[pl.ds(wid * ROWS_PER_W, ROWS_PER_W)])


def _gather_mean(kr, ti_flat):
    mesh = plsc.VectorSubcoreMesh(core_axis_name="c", subcore_axis_name="s")
    f = functools.partial(
        pl.kernel,
        mesh=mesh,
        out_type=jax.ShapeDtypeStruct((BATCH, HID), jnp.float32),
        scratch_types=[
            pltpu.VMEM((IDX_CHUNK,), jnp.int32),
            pltpu.VMEM((IDX_CHUNK, KV_W), jnp.float32),
            pltpu.VMEM((ROWS_PER_W, HID), jnp.float32),
            pltpu.SemaphoreType.DMA,
        ],
    )(_gather_mean_body)
    return f(kr, ti_flat)


def kernel(h, Wq, bq, Wk, bk, memory_cell, Wfc, bfc, m):
    mem2 = memory_cell.reshape(CELLS, HID)
    mem_p = jnp.pad(mem2, ((0, CPAD - CELLS), (0, 0)))
    q = _linear_relu(h, Wq, bq.reshape(1, HID))
    kt, kr = _keys(mem_p, Wk, bk.reshape(HID, 1), bk.reshape(1, HID))
    m_row, s_row, ti = _pass1(q, kt)
    attn = _pass2(q, kt, m_row, s_row)
    sel = _gather_mean(kr, ti.reshape(-1))
    out = _linear_relu(sel, Wfc, bfc.reshape(1, HID))
    return out, attn, 0.0

# --- scband reference (transcript-rebuilt; emitter-appended) ---
"""Pipeline reference for scband-external-attention-83296595738811 (READ-ONLY COPY).

The authoritative reference and input builder live on the scoring server;
editing this copy changes nothing except your own understanding.
"""

import jax, jax.numpy as jnp
import numpy as np

HID = 16
HEAD = 1
CELLS = 100000
BATCH = 1024
TOPK = 10


def setup_inputs(seed: int = 0) -> dict:
    key = jax.random.key(seed)
    ks = jax.random.split(key, 8)
    h = jax.random.normal(ks[0], (BATCH, HID), dtype=jnp.float32)
    lim = 1.0 / np.sqrt(HID)
    # nn.Linear(hid_dim, head_num*hid_dim) weights: [out=HEAD*HID, in=HID]
    Wq = jax.random.uniform(ks[1], (HEAD * HID, HID), minval=-lim, maxval=lim, dtype=jnp.float32)
    bq = jax.random.uniform(ks[2], (HEAD * HID,), minval=-lim, maxval=lim, dtype=jnp.float32)
    Wk = jax.random.uniform(ks[3], (HEAD * HID, HID), minval=-lim, maxval=lim, dtype=jnp.float32)
    bk = jax.random.uniform(ks[4], (HEAD * HID,), minval=-lim, maxval=lim, dtype=jnp.float32)
    # memory_cell init: uniform(-1, 1), shape [cell_num, head_num, hid_dim]
    memory_cell = jax.random.uniform(ks[5], (CELLS, HEAD, HID), minval=-1.0, maxval=1.0, dtype=jnp.float32)
    # general_module.fc_out: Linear(hid_dim*head_num, hid_dim)
    Wfc = jax.random.uniform(ks[6], (HID, HID * HEAD), minval=-lim, maxval=lim, dtype=jnp.float32)
    bfc = jax.random.uniform(ks[7], (HID,), minval=-lim, maxval=lim, dtype=jnp.float32)
    return {"h": h, "Wq": Wq, "bq": bq, "Wk": Wk, "bk": bk,
            "memory_cell": memory_cell, "Wfc": Wfc, "bfc": bfc, "m": 0}


def reference(h, Wq, bq, Wk, bk, memory_cell, Wfc, bfc, m=0):
    # External_Attention.forward with dependence=False, add_cell=0, pretrain_mode=False
    scale = np.power(128, 0.5)
    batch_num = h.shape[0]
    # q = relu(queries(z)).view(-1, hid_dim)
    q = jax.nn.relu(h @ Wq.T + bq).reshape(-1, HID)
    # PreCells: k = relu(keys(memory_cell).view(-1, hid_dim)); returns (k, k)
    k = jax.nn.relu((memory_cell @ Wk.T + bk).reshape(-1, HID))
    v = k
    # ScaledDotProductAttention
    u = (q @ k.T) / scale                      # [B, CELLS]
    attn = jax.nn.softmax(u, axis=1)           # softmax dim=1
    attn_output = attn @ v                     # computed but unused downstream (matches torch)
    top_vals, top_idx = jax.lax.top_k(u, TOPK * HEAD)  # [B, topk]
    selected_value = jnp.take(v, top_idx, axis=0)       # [B, topk, HID] gather
    selected_value = selected_value.mean(axis=1)        # [B, HID]
    attn_output = attn_output.reshape(batch_num, -1)
    selected_top = selected_value.reshape(batch_num, -1)
    # pretrain_mode=False -> output = relu(fc_out(selected_top))
    output = jax.nn.relu(selected_top @ Wfc.T + bfc)
    c_loss = 0.0
    return (output, attn, c_loss)

if __name__ == "__main__":
    import jax
    _d = setup_inputs()
    print(jax.jit(kernel)(*tuple(_d.values())))

</pallas_src>

<mosaic_0001>
#map = affine_map<(d0, d1) -> (0, 0)>
#map1 = affine_map<(d0, d1) -> (0)>
module attributes {stable_mosaic.version = 14 : i64} {
  func.func @_gather_mean_body(%arg0: i32, %arg1: i32, %arg2: memref<102400x128xf32, #tpu.memory_space<hbm>>, %arg3: memref<10240xi32, #tpu.memory_space<hbm>>, %arg4: memref<1024x16xf32, #tpu.memory_space<hbm>>, %arg5: memref<80xi32, #tpu.memory_space<vmem>>, %arg6: memref<80x128xf32, #tpu.memory_space<vmem>>, %arg7: memref<32x16xf32, #tpu.memory_space<vmem>>, %arg8: memref<!tpu.dma_semaphore, #tpu.memory_space<semaphore_mem>>) attributes {dimension_semantics = [#tpu.dimension_semantics<core_parallel>, #tpu.dimension_semantics<subcore_parallel>], iteration_bounds = array<i64: 2, 16>, scalar_prefetch = 0 : i64, scratch_operands = 4 : i64, tpu.core_type = #tpu.core_type<sc_vector_subcore>, window_params = [{transform_indices = #map}, {transform_indices = #map1}, {transform_indices = #map}]} {
    %mul3A = arith.constant 2 : i32
    %mul3A_0 = arith.muli %arg1, %mul3A : i32
    %add3A = arith.addi %mul3A_0, %arg0 : i32
    %mul3A_1 = arith.constant 32 : i32
    %mul3A_2 = arith.muli %add3A, %mul3A_1 : i32
    %mul3A_3 = arith.constant 10 : i32
    %mul3A_4 = arith.muli %mul3A_2, %mul3A_3 : i32
    %add3A_5 = arith.constant 0 : i32
    %add3A_6 = arith.addi %mul3A_4, %add3A_5 : i32
    "tpu.region"() ({
      %run_scoped3A = tpu.sem_alloc : memref<!tpu.dma_semaphore, #tpu.memory_space<semaphore_mem>>
      %dma_start3A_2211 = tpu.memref_slice %arg3[%add3A_6] : memref<10240xi32, #tpu.memory_space<hbm>> -> memref<80xi32, #tpu.memory_space<hbm>>
      %dma_start3A_2212 = tpu.memref_slice %arg3[%add3A_6] : memref<10240xi32, #tpu.memory_space<hbm>> -> memref<80xi32, #tpu.memory_space<hbm>>
      tpu.enqueue_dma source(%dma_start3A_2212 : memref<80xi32, #tpu.memory_space<hbm>>) target(%arg5 : memref<80xi32, #tpu.memory_space<vmem>>) target_semaphore(%run_scoped3A : memref<!tpu.dma_semaphore, #tpu.memory_space<semaphore_mem>>)
      %dma_wait3A_2213 = tpu.memref_slice %arg3[%add3A_6] : memref<10240xi32, #tpu.memory_space<hbm>> -> memref<80xi32, #tpu.memory_space<hbm>>
      %dma_wait3A_2214 = tpu.memref_slice %arg3[%add3A_6] : memref<10240xi32, #tpu.memory_space<hbm>> -> memref<80xi32, #tpu.memory_space<hbm>>
      tpu.wait_dma2 semaphore(%run_scoped3A : memref<!tpu.dma_semaphore, #tpu.memory_space<semaphore_mem>>) src(%dma_wait3A_2214 : memref<80xi32, #tpu.memory_space<hbm>>) dst(%arg5 : memref<80xi32, #tpu.memory_space<vmem>>)
      tpu.yield
    }) : () -> ()
    %dma_start3A = arith.constant 0 : i32
    %dma_start3A_7 = arith.constant 0 : i32
    %dma_start3A_8 = tpu.memref_slice %arg2[%dma_start3A, %dma_start3A_7] : memref<102400x128xf32, #tpu.memory_space<hbm>> -> memref<102400x128xf32, #tpu.memory_space<hbm>>
    tpu.enqueue_indirect_dma source(%dma_start3A_8 : memref<102400x128xf32, #tpu.memory_space<hbm>>) target(%arg6 : memref<80x128xf32, #tpu.memory_space<vmem>>) offsets(%arg5 : memref<80xi32, #tpu.memory_space<vmem>>) semaphore(%arg8 : memref<!tpu.dma_semaphore, #tpu.memory_space<semaphore_mem>>)
    %dma_wait3A = arith.constant 0 : i32
    %dma_wait3A_9 = arith.constant 0 : i32
    %dma_wait3A_10 = tpu.memref_slice %arg2[%dma_wait3A, %dma_wait3A_9] : memref<102400x128xf32, #tpu.memory_space<hbm>> -> memref<102400x128xf32, #tpu.memory_space<hbm>>
    tpu.wait_indirect_dma semaphore(%arg8 : memref<!tpu.dma_semaphore, #tpu.memory_space<semaphore_mem>>) src(%dma_wait3A_10 : memref<102400x128xf32, #tpu.memory_space<hbm>>) dst(%arg6 : memref<80x128xf32, #tpu.memory_space<vmem>>)
    %get3A = arith.constant 0 : i32
    %get3A_11 = arith.index_cast %get3A : i32 to index
    %get3A_12 = arith.constant 0 : index
    %get3A_13 = tpu.vector_load %arg6[%get3A_11, %get3A_12] {strides = array<i32>} : memref<80x128xf32, #tpu.memory_space<vmem>>, vector<1x16xf32>,
    %get3A_14 = vector.shape_cast %get3A_13 : vector<1x16xf32> to vector<16xf32>
    %get3A_15 = arith.constant 1 : i32
    %get3A_16 = arith.index_cast %get3A_15 : i32 to index
    %get3A_17 = arith.constant 0 : index
    %get3A_18 = tpu.vector_load %arg6[%get3A_16, %get3A_17] {strides = array<i32>} : memref<80x128xf32, #tpu.memory_space<vmem>>, vector<1x16xf32>,
    %get3A_19 = vector.shape_cast %get3A_18 : vector<1x16xf32> to vector<16xf32>
    %add3A_20 = arith.addf %get3A_14, %get3A_19 : vector<16xf32>
    %get3A_21 = arith.constant 2 : i32
    %get3A_22 = arith.index_cast %get3A_21 : i32 to index
    %get3A_23 = arith.constant 0 : index
    %get3A_24 = tpu.vector_load %arg6[%get3A_22, %get3A_23] {strides = array<i32>} : memref<80x128xf32, #tpu.memory_space<vmem>>, vector<1x16xf32>,
    %get3A_25 = vector.shape_cast %get3A_24 : vector<1x16xf32> to vector<16xf32>
    %add3A_26 = arith.addf %add3A_20, %get3A_25 : vector<16xf32>
    %get3A_27 = arith.constant 3 : i32
    %get3A_28 = arith.index_cast %get3A_27 : i32 to index
    %get3A_29 = arith.constant 0 : index
    %get3A_30 = tpu.vector_load %arg6[%get3A_28, %get3A_29] {strides = array<i32>} : memref<80x128xf32, #tpu.memory_space<vmem>>, vector<1x16xf32>,
    %get3A_31 = vector.shape_cast %get3A_30 : vector<1x16xf32> to vector<16xf32>
    %add3A_32 = arith.addf %add3A_26, %get3A_31 : vector<16xf32>
    %get3A_33 = arith.constant 4 : i32
    %get3A_34 = arith.index_cast %get3A_33 : i32 to index
    %get3A_35 = arith.constant 0 : index
    %get3A_36 = tpu.vector_load %arg6[%get3A_34, %get3A_35] {strides = array<i32>} : memref<80x128xf32, #tpu.memory_space<vmem>>, vector<1x16xf32>,
    %get3A_37 = vector.shape_cast %get3A_36 : vector<1x16xf32> to vector<16xf32>
    %add3A_38 = arith.addf %add3A_32, %get3A_37 : vector<16xf32>
    %get3A_39 = arith.constant 5 : i32
    %get3A_40 = arith.index_cast %get3A_39 : i32 to index
    %get3A_41 = arith.constant 0 : index
    %get3A_42 = tpu.vector_load %arg6[%get3A_40, %get3A_41] {strides = array<i32>} : memref<80x128xf32, #tpu.memory_space<vmem>>, vector<1x16xf32>,
    %get3A_43 = vector.shape_cast %get3A_42 : vector<1x16xf32> to vector<16xf32>
    %add3A_44 = arith.addf %add3A_38, %get3A_43 : vector<16xf32>
    %get3A_45 = arith.constant 6 : i32
    %get3A_46 = arith.index_cast %get3A_45 : i32 to index
    %get3A_47 = arith.constant 0 : index
    %get3A_48 = tpu.vector_load %arg6[%get3A_46, %get3A_47] {strides = array<i32>} : memref<80x128xf32, #tpu.memory_space<vmem>>, vector<1x16xf32>,
    %get3A_49 = vector.shape_cast %get3A_48 : vector<1x16xf32> to vector<16xf32>
    %add3A_50 = arith.addf %add3A_44, %get3A_49 : vector<16xf32>
    %get3A_51 = arith.constant 7 : i32
    %get3A_52 = arith.index_cast %get3A_51 : i32 to index
    %get3A_53 = arith.constant 0 : index
    %get3A_54 = tpu.vector_load %arg6[%get3A_52, %get3A_53] {strides = array<i32>} : memref<80x128xf32, #tpu.memory_space<vmem>>, vector<1x16xf32>,
    %get3A_55 = vector.shape_cast %get3A_54 : vector<1x16xf32> to vector<16xf32>
    %add3A_56 = arith.addf %add3A_50, %get3A_55 : vector<16xf32>
    %get3A_57 = arith.constant 8 : i32
    %get3A_58 = arith.index_cast %get3A_57 : i32 to index
    %get3A_59 = arith.constant 0 : index
    %get3A_60 = tpu.vector_load %arg6[%get3A_58, %get3A_59] {strides = array<i32>} : memref<80x128xf32, #tpu.memory_space<vmem>>, vector<1x16xf32>,
    %get3A_61 = vector.shape_cast %get3A_60 : vector<1x16xf32> to vector<16xf32>
    %add3A_62 = arith.addf %add3A_56, %get3A_61 : vector<16xf32>
    %get3A_63 = arith.constant 9 : i32
    %get3A_64 = arith.index_cast %get3A_63 : i32 to index
    %get3A_65 = arith.constant 0 : index
    %get3A_66 = tpu.vector_load %arg6[%get3A_64, %get3A_65] {strides = array<i32>} : memref<80x128xf32, #tpu.memory_space<vmem>>, vector<1x16xf32>,
    %get3A_67 = vector.shape_cast %get3A_66 : vector<1x16xf32> to vector<16xf32>
    %add3A_68 = arith.addf %add3A_62, %get3A_67 : vector<16xf32>
    %mul3A_69 = arith.constant 1.000000e-01 : f32
    %mul3A_70 = vector.broadcast %mul3A_69 : f32 to vector<16xf32>
    %mul3A_71 = arith.mulf %add3A_68, %mul3A_70 : vector<16xf32>
    %swap3A = arith.constant 0 : i32
    %swap3A_72 = arith.index_cast %swap3A : i32 to index
    %swap3A_73 = arith.constant 0 : index
    %swap3A_74 = tpu.vector_load %arg7[%swap3A_72, %swap3A_73] {strides = array<i32>} : memref<32x16xf32, #tpu.memory_space<vmem>>, vector<1x16xf32>,
    %swap3A_75 = vector.shape_cast %swap3A_74 : vector<1x16xf32> to vector<16xf32>
    %swap3A_76 = vector.shape_cast %mul3A_71 : vector<16xf32> to vector<1x16xf32>
    tpu.vector_store %arg7[%swap3A_72, %swap3A_73], %swap3A_76 {strides = array<i32>} : memref<32x16xf32, #tpu.memory_space<vmem>>, vector<1x16xf32>,
    %get3A_77 = arith.constant 10 : i32
    %get3A_78 = arith.index_cast %get3A_77 : i32 to index
    %get3A_79 = arith.constant 0 : index
    %get3A_80 = tpu.vector_load %arg6[%get3A_78, %get3A_79] {strides = array<i32>} : memref<80x128xf32, #tpu.memory_space<vmem>>, vector<1x16xf32>,
    %get3A_81 = vector.shape_cast %get3A_80 : vector<1x16xf32> to vector<16xf32>
    %get3A_82 = arith.constant 11 : i32
    %get3A_83 = arith.index_cast %get3A_82 : i32 to index
    %get3A_84 = arith.constant 0 : index
    %get3A_85 = tpu.vector_load %arg6[%get3A_83, %get3A_84] {strides = array<i32>} : memref<80x128xf32, #tpu.memory_space<vmem>>, vector<1x16xf32>,
    %get3A_86 = vector.shape_cast %get3A_85 : vector<1x16xf32> to vector<16xf32>
    %add3A_87 = arith.addf %get3A_81, %get3A_86 : vector<16xf32>
    %get3A_88 = arith.constant 12 : i32
    %get3A_89 = arith.index_cast %get3A_88 : i32 to index
    %get3A_90 = arith.constant 0 : index
    %get3A_91 = tpu.vector_load %arg6[%get3A_89, %get3A_90] {strides = array<i32>} : memref<80x128xf32, #tpu.memory_space<vmem>>, vector<1x16xf32>,
    %get3A_92 = vector.shape_cast %get3A_91 : vector<1x16xf32> to vector<16xf32>
    %add3A_93 = arith.addf %add3A_87, %get3A_92 : vector<16xf32>
    %get3A_94 = arith.constant 13 : i32
    %get3A_95 = arith.index_cast %get3A_94 : i32 to index
    %get3A_96 = arith.constant 0 : index
    %get3A_97 = tpu.vector_load %arg6[%get3A_95, %get3A_96] {strides = array<i32>} : memref<80x128xf32, #tpu.memory_space<vmem>>, vector<1x16xf32>,
    %get3A_98 = vector.shape_cast %get3A_97 : vector<1x16xf32> to vector<16xf32>
    %add3A_99 = arith.addf %add3A_93, %get3A_98 : vector<16xf32>
    %get3A_100 = arith.constant 14 : i32
    %get3A_101 = arith.index_cast %get3A_100 : i32 to index
    %get3A_102 = arith.constant 0 : index
    %get3A_103 = tpu.vector_load %arg6[%get3A_101, %get3A_102] {strides = array<i32>} : memref<80x128xf32, #tpu.memory_space<vmem>>, vector<1x16xf32>,
    %get3A_104 = vector.shape_cast %get3A_103 : vector<1x16xf32> to vector<16xf32>
    %add3A_105 = arith.addf %add3A_99, %get3A_104 : vector<16xf32>
    %get3A_106 = arith.constant 15 : i32
    %get3A_107 = arith.index_cast %get3A_106 : i32 to index
    %get3A_108 = arith.constant 0 : index
    %get3A_109 = tpu.vector_load %arg6[%get3A_107, %get3A_108] {strides = array<i32>} : memref<80x128xf32, #tpu.memory_space<vmem>>, vector<1x16xf32>,
    %get3A_110 = vector.shape_cast %get3A_109 : vector<1x16xf32> to vector<16xf32>
    %add3A_111 = arith.addf %add3A_105, %get3A_110 : vector<16xf32>
    %get3A_112 = arith.constant 16 : i32
    %get3A_113 = arith.index_cast %get3A_112 : i32 to index
    %get3A_114 = arith.constant 0 : index
    %get3A_115 = tpu.vector_load %arg6[%get3A_113, %get3A_114] {strides = array<i32>} : memref<80x128xf32, #tpu.memory_space<vmem>>, vector<1x16xf32>,
    %get3A_116 = vector.shape_cast %get3A_115 : vector<1x16xf32> to vector<16xf32>
    %add3A_117 = arith.addf %add3A_111, %get3A_116 : vector<16xf32>
    %get3A_118 = arith.constant 17 : i32
    %get3A_119 = arith.index_cast %get3A_118 : i32 to index
    %get3A_120 = arith.constant 0 : index
    %get3A_121 = tpu.vector_load %arg6[%get3A_119, %get3A_120] {strides = array<i32>} : memref<80x128xf32, #tpu.memory_space<vmem>>, vector<1x16xf32>,
    %get3A_122 = vector.shape_cast %get3A_121 : vector<1x16xf32> to vector<16xf32>
    %add3A_123 = arith.addf %add3A_117, %get3A_122 : vector<16xf32>
    %get3A_124 = arith.constant 18 : i32
    %get3A_125 = arith.index_cast %get3A_124 : i32 to index
    %get3A_126 = arith.constant 0 : index
    %get3A_127 = tpu.vector_load %arg6[%get3A_125, %get3A_126] {strides = array<i32>} : memref<80x128xf32, #tpu.memory_space<vmem>>, vector<1x16xf32>,
    %get3A_128 = vector.shape_cast %get3A_127 : vector<1x16xf32> to vector<16xf32>
    %add3A_129 = arith.addf %add3A_123, %get3A_128 : vector<16xf32>
    %get3A_130 = arith.constant 19 : i32
    %get3A_131 = arith.index_cast %get3A_130 : i32 to index
    %get3A_132 = arith.constant 0 : index
    %get3A_133 = tpu.vector_load %arg6[%get3A_131, %get3A_132] {strides = array<i32>} : memref<80x128xf32, #tpu.memory_space<vmem>>, vector<1x16xf32>,
    %get3A_134 = vector.shape_cast %get3A_133 : vector<1x16xf32> to vector<16xf32>
    %add3A_135 = arith.addf %add3A_129, %get3A_134 : vector<16xf32>
    %mul3A_136 = arith.constant 1.000000e-01 : f32
    %mul3A_137 = vector.broadcast %mul3A_136 : f32 to vector<16xf32>
    %mul3A_138 = arith.mulf %add3A_135, %mul3A_137 : vector<16xf32>
    %swap3A_139 = arith.constant 1 : i32
    %swap3A_140 = arith.index_cast %swap3A_139 : i32 to index
    %swap3A_141 = arith.constant 0 : index
    %swap3A_142 = tpu.vector_load %arg7[%swap3A_140, %swap3A_141] {strides = array<i32>} : memref<32x16xf32, #tpu.memory_space<vmem>>, vector<1x16xf32>,
    %swap3A_143 = vector.shape_cast %swap3A_142 : vector<1x16xf32> to vector<16xf32>
    %swap3A_144 = vector.shape_cast %mul3A_138 : vector<16xf32> to vector<1x16xf32>
    tpu.vector_store %arg7[%swap3A_140, %swap3A_141], %swap3A_144 {strides = array<i32>} : memref<32x16xf32, #tpu.memory_space<vmem>>, vector<1x16xf32>,
    %get3A_145 = arith.constant 20 : i32
    %get3A_146 = arith.index_cast %get3A_145 : i32 to index
    %get3A_147 = arith.constant 0 : index
    %get3A_148 = tpu.vector_load %arg6[%get3A_146, %get3A_147] {strides = array<i32>} : memref<80x128xf32, #tpu.memory_space<vmem>>, vector<1x16xf32>,
    %get3A_149 = vector.shape_cast %get3A_148 : vector<1x16xf32> to vector<16xf32>
    %get3A_150 = arith.constant 21 : i32
    %get3A_151 = arith.index_cast %get3A_150 : i32 to index
    %get3A_152 = arith.constant 0 : index
    %get3A_153 = tpu.vector_load %arg6[%get3A_151, %get3A_152] {strides = array<i32>} : memref<80x128xf32, #tpu.memory_space<vmem>>, vector<1x16xf32>,
    %get3A_154 = vector.shape_cast %get3A_153 : vector<1x16xf32> to vector<16xf32>
    %add3A_155 = arith.addf %get3A_149, %get3A_154 : vector<16xf32>
    %get3A_156 = arith.constant 22 : i32
    %get3A_157 = arith.index_cast %get3A_156 : i32 to index
    %get3A_158 = arith.constant 0 : index
    %get3A_159 = tpu.vector_load %arg6[%get3A_157, %get3A_158] {strides = array<i32>} : memref<80x128xf32, #tpu.memory_space<vmem>>, vector<1x16xf32>,
    %get3A_160 = vector.shape_cast %get3A_159 : vector<1x16xf32> to vector<16xf32>
    %add3A_161 = arith.addf %add3A_155, %get3A_160 : vector<16xf32>
    %get3A_162 = arith.constant 23 : i32
    %get3A_163 = arith.index_cast %get3A_162 : i32 to index
    %get3A_164 = arith.constant 0 : index
    %get3A_165 = tpu.vector_load %arg6[%get3A_163, %get3A_164] {strides = array<i32>} : memref<80x128xf32, #tpu.memory_space<vmem>>, vector<1x16xf32>,
    %get3A_166 = vector.shape_cast %get3A_165 : vector<1x16xf32> to vector<16xf32>
    %add3A_167 = arith.addf %add3A_161, %get3A_166 : vector<16xf32>
    %get3A_168 = arith.constant 24 : i32
    %get3A_169 = arith.index_cast %get3A_168 : i32 to index
    %get3A_170 = arith.constant 0 : index
    %get3A_171 = tpu.vector_load %arg6[%get3A_169, %get3A_170] {strides = array<i32>} : memref<80x128xf32, #tpu.memory_space<vmem>>, vector<1x16xf32>,
    %get3A_172 = vector.shape_cast %get3A_171 : vector<1x16xf32> to vector<16xf32>
    %add3A_173 = arith.addf %add3A_167, %get3A_172 : vector<16xf32>
    %get3A_174 = arith.constant 25 : i32
    %get3A_175 = arith.index_cast %get3A_174 : i32 to index
    %get3A_176 = arith.constant 0 : index
    %get3A_177 = tpu.vector_load %arg6[%get3A_175, %get3A_176] {strides = array<i32>} : memref<80x128xf32, #tpu.memory_space<vmem>>, vector<1x16xf32>,
    %get3A_178 = vector.shape_cast %get3A_177 : vector<1x16xf32> to vector<16xf32>
    %add3A_179 = arith.addf %add3A_173, %get3A_178 : vector<16xf32>
    %get3A_180 = arith.constant 26 : i32
    %get3A_181 = arith.index_cast %get3A_180 : i32 to index
    %get3A_182 = arith.constant 0 : index
    %get3A_183 = tpu.vector_load %arg6[%get3A_181, %get3A_182] {strides = array<i32>} : memref<80x128xf32, #tpu.memory_space<vmem>>, vector<1x16xf32>,
    %get3A_184 = vector.shape_cast %get3A_183 : vector<1x16xf32> to vector<16xf32>
    %add3A_185 = arith.addf %add3A_179, %get3A_184 : vector<16xf32>
    %get3A_186 = arith.constant 27 : i32
    %get3A_187 = arith.index_cast %get3A_186 : i32 to index
    %get3A_188 = arith.constant 0 : index
    %get3A_189 = tpu.vector_load %arg6[%get3A_187, %get3A_188] {strides = array<i32>} : memref<80x128xf32, #tpu.memory_space<vmem>>, vector<1x16xf32>,
    %get3A_190 = vector.shape_cast %get3A_189 : vector<1x16xf32> to vector<16xf32>
    %add3A_191 = arith.addf %add3A_185, %get3A_190 : vector<16xf32>
    %get3A_192 = arith.constant 28 : i32
    %get3A_193 = arith.index_cast %get3A_192 : i32 to index
    %get3A_194 = arith.constant 0 : index
    %get3A_195 = tpu.vector_load %arg6[%get3A_193, %get3A_194] {strides = array<i32>} : memref<80x128xf32, #tpu.memory_space<vmem>>, vector<1x16xf32>,
    %get3A_196 = vector.shape_cast %get3A_195 : vector<1x16xf32> to vector<16xf32>
    %add3A_197 = arith.addf %add3A_191, %get3A_196 : vector<16xf32>
    %get3A_198 = arith.constant 29 : i32
    %get3A_199 = arith.index_cast %get3A_198 : i32 to index
    %get3A_200 = arith.constant 0 : index
    %get3A_201 = tpu.vector_load %arg6[%get3A_199, %get3A_200] {strides = array<i32>} : memref<80x128xf32, #tpu.memory_space<vmem>>, vector<1x16xf32>,
    %get3A_202 = vector.shape_cast %get3A_201 : vector<1x16xf32> to vector<16xf32>
    %add3A_203 = arith.addf %add3A_197, %get3A_202 : vector<16xf32>
    %mul3A_204 = arith.constant 1.000000e-01 : f32
    %mul3A_205 = vector.broadcast %mul3A_204 : f32 to vector<16xf32>
    %mul3A_206 = arith.mulf %add3A_203, %mul3A_205 : vector<16xf32>
    %swap3A_207 = arith.constant 2 : i32
    %swap3A_208 = arith.index_cast %swap3A_207 : i32 to index
    %swap3A_209 = arith.constant 0 : index
    %swap3A_210 = tpu.vector_load %arg7[%swap3A_208, %swap3A_209] {strides = array<i32>} : memref<32x16xf32, #tpu.memory_space<vmem>>, vector<1x16xf32>,
    %swap3A_211 = vector.shape_cast %swap3A_210 : vector<1x16xf32> to vector<16xf32>
    %swap3A_212 = vector.shape_cast %mul3A_206 : vector<16xf32> to vector<1x16xf32>
    tpu.vector_store %arg7[%swap3A_208, %swap3A_209], %swap3A_212 {strides = array<i32>} : memref<32x16xf32, #tpu.memory_space<vmem>>, vector<1x16xf32>,
    %get3A_213 = arith.constant 30 : i32
    %get3A_214 = arith.index_cast %get3A_213 : i32 to index
    %get3A_215 = arith.constant 0 : index
    %get3A_216 = tpu.vector_load %arg6[%get3A_214, %get3A_215] {strides = array<i32>} : memref<80x128xf32, #tpu.memory_space<vmem>>, vector<1x16xf32>,
    %get3A_217 = vector.shape_cast %get3A_216 : vector<1x16xf32> to vector<16xf32>
    %get3A_218 = arith.constant 31 : i32
    %get3A_219 = arith.index_cast %get3A_218 : i32 to index
    %get3A_220 = arith.constant 0 : index
    %get3A_221 = tpu.vector_load %arg6[%get3A_219, %get3A_220] {strides = array<i32>} : memref<80x128xf32, #tpu.memory_space<vmem>>, vector<1x16xf32>,
    %get3A_222 = vector.shape_cast %get3A_221 : vector<1x16xf32> to vector<16xf32>
    %add3A_223 = arith.addf %get3A_217, %get3A_222 : vector<16xf32>
    %get3A_224 = arith.constant 32 : i32
    %get3A_225 = arith.index_cast %get3A_224 : i32 to index
    %get3A_226 = arith.constant 0 : index
    %get3A_227 = tpu.vector_load %arg6[%get3A_225, %get3A_226] {strides = array<i32>} : memref<80x128xf32, #tpu.memory_space<vmem>>, vector<1x16xf32>,
    %get3A_228 = vector.shape_cast %get3A_227 : vector<1x16xf32> to vector<16xf32>
    %add3A_229 = arith.addf %add3A_223, %get3A_228 : vector<16xf32>
    %get3A_230 = arith.constant 33 : i32
    %get3A_231 = arith.index_cast %get3A_230 : i32 to index
    %get3A_232 = arith.constant 0 : index
    %get3A_233 = tpu.vector_load %arg6[%get3A_231, %get3A_232] {strides = array<i32>} : memref<80x128xf32, #tpu.memory_space<vmem>>, vector<1x16xf32>,
    %get3A_234 = vector.shape_cast %get3A_233 : vector<1x16xf32> to vector<16xf32>
    %add3A_235 = arith.addf %add3A_229, %get3A_234 : vector<16xf32>
    %get3A_236 = arith.constant 34 : i32
    %get3A_237 = arith.index_cast %get3A_236 : i32 to index
    %get3A_238 = arith.constant 0 : index
    %get3A_239 = tpu.vector_load %arg6[%get3A_237, %get3A_238] {strides = array<i32>} : memref<80x128xf32, #tpu.memory_space<vmem>>, vector<1x16xf32>,
    %get3A_240 = vector.shape_cast %get3A_239 : vector<1x16xf32> to vector<16xf32>
    %add3A_241 = arith.addf %add3A_235, %get3A_240 : vector<16xf32>
    %get3A_242 = arith.constant 35 : i32
    %get3A_243 = arith.index_cast %get3A_242 : i32 to index
    %get3A_244 = arith.constant 0 : index
    %get3A_245 = tpu.vector_load %arg6[%get3A_243, %get3A_244] {strides = array<i32>} : memref<80x128xf32, #tpu.memory_space<vmem>>, vector<1x16xf32>,
    %get3A_246 = vector.shape_cast %get3A_245 : vector<1x16xf32> to vector<16xf32>
    %add3A_247 = arith.addf %add3A_241, %get3A_246 : vector<16xf32>
    %get3A_248 = arith.constant 36 : i32
    %get3A_249 = arith.index_cast %get3A_248 : i32 to index
    %get3A_250 = arith.constant 0 : index
    %get3A_251 = tpu.vector_load %arg6[%get3A_249, %get3A_250] {strides = array<i32>} : memref<80x128xf32, #tpu.memory_space<vmem>>, vector<1x16xf32>,
    %get3A_252 = vector.shape_cast %get3A_251 : vector<1x16xf32> to vector<16xf32>
    %add3A_253 = arith.addf %add3A_247, %get3A_252 : vector<16xf32>
    %get3A_254 = arith.constant 37 : i32
    %get3A_255 = arith.index_cast %get3A_254 : i32 to index
    %get3A_256 = arith.constant 0 : index
    %get3A_257 = tpu.vector_load %arg6[%get3A_255, %get3A_256] {strides = array<i32>} : memref<80x128xf32, #tpu.memory_space<vmem>>, vector<1x16xf32>,
    %get3A_258 = vector.shape_cast %get3A_257 : vector<1x16xf32> to vector<16xf32>
    %add3A_259 = arith.addf %add3A_253, %get3A_258 : vector<16xf32>
    %get3A_260 = arith.constant 38 : i32
    %get3A_261 = arith.index_cast %get3A_260 : i32 to index
    %get3A_262 = arith.constant 0 : index
    %get3A_263 = tpu.vector_load %arg6[%get3A_261, %get3A_262] {strides = array<i32>} : memref<80x128xf32, #tpu.memory_space<vmem>>, vector<1x16xf32>,
    %get3A_264 = vector.shape_cast %get3A_263 : vector<1x16xf32> to vector<16xf32>
    %add3A_265 = arith.addf %add3A_259, %get3A_264 : vector<16xf32>
    %get3A_266 = arith.constant 39 : i32
    %get3A_267 = arith.index_cast %get3A_266 : i32 to index
    %get3A_268 = arith.constant 0 : index
    %get3A_269 = tpu.vector_load %arg6[%get3A_267, %get3A_268] {strides = array<i32>} : memref<80x128xf32, #tpu.memory_space<vmem>>, vector<1x16xf32>,
    %get3A_270 = vector.shape_cast %get3A_269 : vector<1x16xf32> to vector<16xf32>
    %add3A_271 = arith.addf %add3A_265, %get3A_270 : vector<16xf32>
    %mul3A_272 = arith.constant 1.000000e-01 : f32
    %mul3A_273 = vector.broadcast %mul3A_272 : f32 to vector<16xf32>
    %mul3A_274 = arith.mulf %add3A_271, %mul3A_273 : vector<16xf32>
    %swap3A_275 = arith.constant 3 : i32
    %swap3A_276 = arith.index_cast %swap3A_275 : i32 to index
    %swap3A_277 = arith.constant 0 : index
    %swap3A_278 = tpu.vector_load %arg7[%swap3A_276, %swap3A_277] {strides = array<i32>} : memref<32x16xf32, #tpu.memory_space<vmem>>, vector<1x16xf32>,
    %swap3A_279 = vector.shape_cast %swap3A_278 : vector<1x16xf32> to vector<16xf32>
    %swap3A_280 = vector.shape_cast %mul3A_274 : vector<16xf32> to vector<1x16xf32>
    tpu.vector_store %arg7[%swap3A_276, %swap3A_277], %swap3A_280 {strides = array<i32>} : memref<32x16xf32, #tpu.memory_space<vmem>>, vector<1x16xf32>,
    %get3A_281 = arith.constant 40 : i32
    %get3A_282 = arith.index_cast %get3A_281 : i32 to index
    %get3A_283 = arith.constant 0 : index
    %get3A_284 = tpu.vector_load %arg6[%get3A_282, %get3A_283] {strides = array<i32>} : memref<80x128xf32, #tpu.memory_space<vmem>>, vector<1x16xf32>,
    %get3A_285 = vector.shape_cast %get3A_284 : vector<1x16xf32> to vector<16xf32>
    %get3A_286 = arith.constant 41 : i32
    %get3A_287 = arith.index_cast %get3A_286 : i32 to index
    %get3A_288 = arith.constant 0 : index
    %get3A_289 = tpu.vector_load %arg6[%get3A_287, %get3A_288] {strides = array<i32>} : memref<80x128xf32, #tpu.memory_space<vmem>>, vector<1x16xf32>,
    %get3A_290 = vector.shape_cast %get3A_289 : vector<1x16xf32> to vector<16xf32>
    %add3A_291 = arith.addf %get3A_285, %get3A_290 : vector<16xf32>
    %get3A_292 = arith.constant 42 : i32
    %get3A_293 = arith.index_cast %get3A_292 : i32 to index
    %get3A_294 = arith.constant 0 : index
    %get3A_295 = tpu.vector_load %arg6[%get3A_293, %get3A_294] {strides = array<i32>} : memref<80x128xf32, #tpu.memory_space<vmem>>, vector<1x16xf32>,
    %get3A_296 = vector.shape_cast %get3A_295 : vector<1x16xf32> to vector<16xf32>
    %add3A_297 = arith.addf %add3A_291, %get3A_296 : vector<16xf32>
    %get3A_298 = arith.constant 43 : i32
    %get3A_299 = arith.index_cast %get3A_298 : i32 to index
    %get3A_300 = arith.constant 0 : index
    %get3A_301 = tpu.vector_load %arg6[%get3A_299, %get3A_300] {strides = array<i32>} : memref<80x128xf32, #tpu.memory_space<vmem>>, vector<1x16xf32>,
    %get3A_302 = vector.shape_cast %get3A_301 : vector<1x16xf32> to vector<16xf32>
    %add3A_303 = arith.addf %add3A_297, %get3A_302 : vector<16xf32>
    %get3A_304 = arith.constant 44 : i32
    %get3A_305 = arith.index_cast %get3A_304 : i32 to index
    %get3A_306 = arith.constant 0 : index
    %get3A_307 = tpu.vector_load %arg6[%get3A_305, %get3A_306] {strides = array<i32>} : memref<80x128xf32, #tpu.memory_space<vmem>>, vector<1x16xf32>,
    %get3A_308 = vector.shape_cast %get3A_307 : vector<1x16xf32> to vector<16xf32>
    %add3A_309 = arith.addf %add3A_303, %get3A_308 : vector<16xf32>
    %get3A_310 = arith.constant 45 : i32
    %get3A_311 = arith.index_cast %get3A_310 : i32 to index
    %get3A_312 = arith.constant 0 : index
    %get3A_313 = tpu.vector_load %arg6[%get3A_311, %get3A_312] {strides = array<i32>} : memref<80x128xf32, #tpu.memory_space<vmem>>, vector<1x16xf32>,
    %get3A_314 = vector.shape_cast %get3A_313 : vector<1x16xf32> to vector<16xf32>
    %add3A_315 = arith.addf %add3A_309, %get3A_314 : vector<16xf32>
    %get3A_316 = arith.constant 46 : i32
    %get3A_317 = arith.index_cast %get3A_316 : i32 to index
    %get3A_318 = arith.constant 0 : index
    %get3A_319 = tpu.vector_load %arg6[%get3A_317, %get3A_318] {strides = array<i32>} : memref<80x128xf32, #tpu.memory_space<vmem>>, vector<1x16xf32>,
    %get3A_320 = vector.shape_cast %get3A_319 : vector<1x16xf32> to vector<16xf32>
    %add3A_321 = arith.addf %add3A_315, %get3A_320 : vector<16xf32>
    %get3A_322 = arith.constant 47 : i32
    %get3A_323 = arith.index_cast %get3A_322 : i32 to index
    %get3A_324 = arith.constant 0 : index
    %get3A_325 = tpu.vector_load %arg6[%get3A_323, %get3A_324] {strides = array<i32>} : memref<80x128xf32, #tpu.memory_space<vmem>>, vector<1x16xf32>,
    %get3A_326 = vector.shape_cast %get3A_325 : vector<1x16xf32> to vector<16xf32>
    %add3A_327 = arith.addf %add3A_321, %get3A_326 : vector<16xf32>
    %get3A_328 = arith.constant 48 : i32
    %get3A_329 = arith.index_cast %get3A_328 : i32 to index
    %get3A_330 = arith.constant 0 : index
    %get3A_331 = tpu.vector_load %arg6[%get3A_329, %get3A_330] {strides = array<i32>} : memref<80x128xf32, #tpu.memory_space<vmem>>, vector<1x16xf32>,
    %get3A_332 = vector.shape_cast %get3A_331 : vector<1x16xf32> to vector<16xf32>
    %add3A_333 = arith.addf %add3A_327, %get3A_332 : vector<16xf32>
    %get3A_334 = arith.constant 49 : i32
    %get3A_335 = arith.index_cast %get3A_334 : i32 to index
    %get3A_336 = arith.constant 0 : index
    %get3A_337 = tpu.vector_load %arg6[%get3A_335, %get3A_336] {strides = array<i32>} : memref<80x128xf32, #tpu.memory_space<vmem>>, vector<1x16xf32>,
    %get3A_338 = vector.shape_cast %get3A_337 : vector<1x16xf32> to vector<16xf32>
    %add3A_339 = arith.addf %add3A_333, %get3A_338 : vector<16xf32>
    %mul3A_340 = arith.constant 1.000000e-01 : f32
    %mul3A_341 = vector.broadcast %mul3A_340 : f32 to vector<16xf32>
    %mul3A_342 = arith.mulf %add3A_339, %mul3A_341 : vector<16xf32>
    %swap3A_343 = arith.constant 4 : i32
    %swap3A_344 = arith.index_cast %swap3A_343 : i32 to index
    %swap3A_345 = arith.constant 0 : index
    %swap3A_346 = tpu.vector_load %arg7[%swap3A_344, %swap3A_345] {strides = array<i32>} : memref<32x16xf32, #tpu.memory_space<vmem>>, vector<1x16xf32>,
    %swap3A_347 = vector.shape_cast %swap3A_346 : vector<1x16xf32> to vector<16xf32>
    %swap3A_348 = vector.shape_cast %mul3A_342 : vector<16xf32> to vector<1x16xf32>
    tpu.vector_store %arg7[%swap3A_344, %swap3A_345], %swap3A_348 {strides = array<i32>} : memref<32x16xf32, #tpu.memory_space<vmem>>, vector<1x16xf32>,
    %get3A_349 = arith.constant 50 : i32
    %get3A_350 = arith.index_cast %get3A_349 : i32 to index
    %get3A_351 = arith.constant 0 : index
    %get3A_352 = tpu.vector_load %arg6[%get3A_350, %get3A_351] {strides = array<i32>} : memref<80x128xf32, #tpu.memory_space<vmem>>, vector<1x16xf32>,
    %get3A_353 = vector.shape_cast %get3A_352 : vector<1x16xf32> to vector<16xf32>
    %get3A_354 = arith.constant 51 : i32
    %get3A_355 = arith.index_cast %get3A_354 : i32 to index
    %get3A_356 = arith.constant 0 : index
    %get3A_357 = tpu.vector_load %arg6[%get3A_355, %get3A_356] {strides = array<i32>} : memref<80x128xf32, #tpu.memory_space<vmem>>, vector<1x16xf32>,
    %get3A_358 = vector.shape_cast %get3A_357 : vector<1x16xf32> to vector<16xf32>
    %add3A_359 = arith.addf %get3A_353, %get3A_358 : vector<16xf32>
    %get3A_360 = arith.constant 52 : i32
    %get3A_361 = arith.index_cast %get3A_360 : i32 to index
    %get3A_362 = arith.constant 0 : index
    %get3A_363 = tpu.vector_load %arg6[%get3A_361, %get3A_362] {strides = array<i32>} : memref<80x128xf32, #tpu.memory_space<vmem>>, vector<1x16xf32>,
    %get3A_364 = vector.shape_cast %get3A_363 : vector<1x16xf32> to vector<16xf32>
    %add3A_365 = arith.addf %add3A_359, %get3A_364 : vector<16xf32>
    %get3A_366 = arith.constant 53 : i32
    %get3A_367 = arith.index_cast %get3A_366 : i32 to index
    %get3A_368 = arith.constant 0 : index
    %get3A_369 = tpu.vector_load %arg6[%get3A_367, %get3A_368] {strides = array<i32>} : memref<80x128xf32, #tpu.memory_space<vmem>>, vector<1x16xf32>,
    %get3A_370 = vector.shape_cast %get3A_369 : vector<1x16xf32> to vector<16xf32>
    %add3A_371 = arith.addf %add3A_365, %get3A_370 : vector<16xf32>
    %get3A_372 = arith.constant 54 : i32
    %get3A_373 = arith.index_cast %get3A_372 : i32 to index
    %get3A_374 = arith.constant 0 : index
    %get3A_375 = tpu.vector_load %arg6[%get3A_373, %get3A_374] {strides = array<i32>} : memref<80x128xf32, #tpu.memory_space<vmem>>, vector<1x16xf32>,
    %get3A_376 = vector.shape_cast %get3A_375 : vector<1x16xf32> to vector<16xf32>
    %add3A_377 = arith.addf %add3A_371, %get3A_376 : vector<16xf32>
    %get3A_378 = arith.constant 55 : i32
    %get3A_379 = arith.index_cast %get3A_378 : i32 to index
    %get3A_380 = arith.constant 0 : index
    %get3A_381 = tpu.vector_load %arg6[%get3A_379, %get3A_380] {strides = array<i32>} : memref<80x128xf32, #tpu.memory_space<vmem>>, vector<1x16xf32>,
    %get3A_382 = vector.shape_cast %get3A_381 : vector<1x16xf32> to vector<16xf32>
    %add3A_383 = arith.addf %add3A_377, %get3A_382 : vector<16xf32>
    %get3A_384 = arith.constant 56 : i32
    %get3A_385 = arith.index_cast %get3A_384 : i32 to index
    %get3A_386 = arith.constant 0 : index
    %get3A_387 = tpu.vector_load %arg6[%get3A_385, %get3A_386] {strides = array<i32>} : memref<80x128xf32, #tpu.memory_space<vmem>>, vector<1x16xf32>,
    %get3A_388 = vector.shape_cast %get3A_387 : vector<1x16xf32> to vector<16xf32>
    %add3A_389 = arith.addf %add3A_383, %get3A_388 : vector<16xf32>
    %get3A_390 = arith.constant 57 : i32
    %get3A_391 = arith.index_cast %get3A_390 : i32 to index
    %get3A_392 = arith.constant 0 : index
    %get3A_393 = tpu.vector_load %arg6[%get3A_391, %get3A_392] {strides = array<i32>} : memref<80x128xf32, #tpu.memory_space<vmem>>, vector<1x16xf32>,
    %get3A_394 = vector.shape_cast %get3A_393 : vector<1x16xf32> to vector<16xf32>
    %add3A_395 = arith.addf %add3A_389, %get3A_394 : vector<16xf32>
    %get3A_396 = arith.constant 58 : i32
    %get3A_397 = arith.index_cast %get3A_396 : i32 to index
    %get3A_398 = arith.constant 0 : index
    %get3A_399 = tpu.vector_load %arg6[%get3A_397, %get3A_398] {strides = array<i32>} : memref<80x128xf32, #tpu.memory_space<vmem>>, vector<1x16xf32>,
    %get3A_400 = vector.shape_cast %get3A_399 : vector<1x16xf32> to vector<16xf32>
    %add3A_401 = arith.addf %add3A_395, %get3A_400 : vector<16xf32>
    %get3A_402 = arith.constant 59 : i32
    %get3A_403 = arith.index_cast %get3A_402 : i32 to index
    %get3A_404 = arith.constant 0 : index
    %get3A_405 = tpu.vector_load %arg6[%get3A_403, %get3A_404] {strides = array<i32>} : memref<80x128xf32, #tpu.memory_space<vmem>>, vector<1x16xf32>,
    %get3A_406 = vector.shape_cast %get3A_405 : vector<1x16xf32> to vector<16xf32>
    %add3A_407 = arith.addf %add3A_401, %get3A_406 : vector<16xf32>
    %mul3A_408 = arith.constant 1.000000e-01 : f32
    %mul3A_409 = vector.broadcast %mul3A_408 : f32 to vector<16xf32>
    %mul3A_410 = arith.mulf %add3A_407, %mul3A_409 : vector<16xf32>
    %swap3A_411 = arith.constant 5 : i32
    %swap3A_412 = arith.index_cast %swap3A_411 : i32 to index
    %swap3A_413 = arith.constant 0 : index
    %swap3A_414 = tpu.vector_load %arg7[%swap3A_412, %swap3A_413] {strides = array<i32>} : memref<32x16xf32, #tpu.memory_space<vmem>>, vector<1x16xf32>,
    %swap3A_415 = vector.shape_cast %swap3A_414 : vector<1x16xf32> to vector<16xf32>
    %swap3A_416 = vector.shape_cast %mul3A_410 : vector<16xf32> to vector<1x16xf32>
    tpu.vector_store %arg7[%swap3A_412, %swap3A_413], %swap3A_416 {strides = array<i32>} : memref<32x16xf32, #tpu.memory_space<vmem>>, vector<1x16xf32>,
    %get3A_417 = arith.constant 60 : i32
    %get3A_418 = arith.index_cast %get3A_417 : i32 to index
    %get3A_419 = arith.constant 0 : index
    %get3A_420 = tpu.vector_load %arg6[%get3A_418, %get3A_419] {strides = array<i32>} : memref<80x128xf32, #tpu.memory_space<vmem>>, vector<1x16xf32>,
    %get3A_421 = vector.shape_cast %get3A_420 : vector<1x16xf32> to vector<16xf32>
    %get3A_422 = arith.constant 61 : i32
    %get3A_423 = arith.index_cast %get3A_422 : i32 to index
    %get3A_424 = arith.constant 0 : index
    %get3A_425 = tpu.vector_load %arg6[%get3A_423, %get3A_424] {strides = array<i32>} : memref<80x128xf32, #tpu.memory_space<vmem>>, vector<1x16xf32>,
    %get3A_426 = vector.shape_cast %get3A_425 : vector<1x16xf32> to vector<16xf32>
    %add3A_427 = arith.addf %get3A_421, %get3A_426 : vector<16xf32>
    %get3A_428 = arith.constant 62 : i32
    %get3A_429 = arith.index_cast %get3A_428 : i32 to index
    %get3A_430 = arith.constant 0 : index
    %get3A_431 = tpu.vector_load %arg6[%get3A_429, %get3A_430] {strides = array<i32>} : memref<80x128xf32, #tpu.memory_space<vmem>>, vector<1x16xf32>,
    %get3A_432 = vector.shape_cast %get3A_431 : vector<1x16xf32> to vector<16xf32>
    %add3A_433 = arith.addf %add3A_427, %get3A_432 : vector<16xf32>
    %get3A_434 = arith.constant 63 : i32
    %get3A_435 = arith.index_cast %get3A_434 : i32 to index
    %get3A_436 = arith.constant 0 : index
    %get3A_437 = tpu.vector_load %arg6[%get3A_435, %get3A_436] {strides = array<i32>} : memref<80x128xf32, #tpu.memory_space<vmem>>, vector<1x16xf32>,
    %get3A_438 = vector.shape_cast %get3A_437 : vector<1x16xf32> to vector<16xf32>
    %add3A_439 = arith.addf %add3A_433, %get3A_438 : vector<16xf32>
    %get3A_440 = arith.constant 64 : i32
    %get3A_441 = arith.index_cast %get3A_440 : i32 to index
    %get3A_442 = arith.constant 0 : index
    %get3A_443 = tpu.vector_load %arg6[%get3A_441, %get3A_442] {strides = array<i32>} : memref<80x128xf32, #tpu.memory_space<vmem>>, vector<1x16xf32>,
    %get3A_444 = vector.shape_cast %get3A_443 : vector<1x16xf32> to vector<16xf32>
    %add3A_445 = arith.addf %add3A_439, %get3A_444 : vector<16xf32>
    %get3A_446 = arith.constant 65 : i32
    %get3A_447 = arith.index_cast %get3A_446 : i32 to index
    %get3A_448 = arith.constant 0 : index
    %get3A_449 = tpu.vector_load %arg6[%get3A_447, %get3A_448] {strides = array<i32>} : memref<80x128xf32, #tpu.memory_space<vmem>>, vector<1x16xf32>,
    %get3A_450 = vector.shape_cast %get3A_449 : vector<1x16xf32> to vector<16xf32>
    %add3A_451 = arith.addf %add3A_445, %get3A_450 : vector<16xf32>
    %get3A_452 = arith.constant 66 : i32
    %get3A_453 = arith.index_cast %get3A_452 : i32 to index
    %get3A_454 = arith.constant 0 : index
    %get3A_455 = tpu.vector_load %arg6[%get3A_453, %get3A_454] {strides = array<i32>} : memref<80x128xf32, #tpu.memory_space<vmem>>, vector<1x16xf32>,
    %get3A_456 = vector.shape_cast %get3A_455 : vector<1x16xf32> to vector<16xf32>
    %add3A_457 = arith.addf %add3A_451, %get3A_456 : vector<16xf32>
    %get3A_458 = arith.constant 67 : i32
    %get3A_459 = arith.index_cast %get3A_458 : i32 to index
    %get3A_460 = arith.constant 0 : index
    %get3A_461 = tpu.vector_load %arg6[%get3A_459, %get3A_460] {strides = array<i32>} : memref<80x128xf32, #tpu.memory_space<vmem>>, vector<1x16xf32>,
    %get3A_462 = vector.shape_cast %get3A_461 : vector<1x16xf32> to vector<16xf32>
    %add3A_463 = arith.addf %add3A_457, %get3A_462 : vector<16xf32>
    %get3A_464 = arith.constant 68 : i32
    %get3A_465 = arith.index_cast %get3A_464 : i32 to index
    %get3A_466 = arith.constant 0 : index
    %get3A_467 = tpu.vector_load %arg6[%get3A_465, %get3A_466] {strides = array<i32>} : memref<80x128xf32, #tpu.memory_space<vmem>>, vector<1x16xf32>,
    %get3A_468 = vector.shape_cast %get3A_467 : vector<1x16xf32> to vector<16xf32>
    %add3A_469 = arith.addf %add3A_463, %get3A_468 : vector<16xf32>
    %get3A_470 = arith.constant 69 : i32
    %get3A_471 = arith.index_cast %get3A_470 : i32 to index
    %get3A_472 = arith.constant 0 : index
    %get3A_473 = tpu.vector_load %arg6[%get3A_471, %get3A_472] {strides = array<i32>} : memref<80x128xf32, #tpu.memory_space<vmem>>, vector<1x16xf32>,
    %get3A_474 = vector.shape_cast %get3A_473 : vector<1x16xf32> to vector<16xf32>
    %add3A_475 = arith.addf %add3A_469, %get3A_474 : vector<16xf32>
    %mul3A_476 = arith.constant 1.000000e-01 : f32
    %mul3A_477 = vector.broadcast %mul3A_476 : f32 to vector<16xf32>
    %mul3A_478 = arith.mulf %add3A_475, %mul3A_477 : vector<16xf32>
    %swap3A_479 = arith.constant 6 : i32
    %swap3A_480 = arith.index_cast %swap3A_479 : i32 to index
    %swap3A_481 = arith.constant 0 : index
    %swap3A_482 = tpu.vector_load %arg7[%swap3A_480, %swap3A_481] {strides = array<i32>} : memref<32x16xf32, #tpu.memory_space<vmem>>, vector<1x16xf32>,
    %swap3A_483 = vector.shape_cast %swap3A_482 : vector<1x16xf32> to vector<16xf32>
    %swap3A_484 = vector.shape_cast %mul3A_478 : vector<16xf32> to vector<1x16xf32>
    tpu.vector_store %arg7[%swap3A_480, %swap3A_481], %swap3A_484 {strides = array<i32>} : memref<32x16xf32, #tpu.memory_space<vmem>>, vector<1x16xf32>,
    %get3A_485 = arith.constant 70 : i32
    %get3A_486 = arith.index_cast %get3A_485 : i32 to index
    %get3A_487 = arith.constant 0 : index
    %get3A_488 = tpu.vector_load %arg6[%get3A_486, %get3A_487] {strides = array<i32>} : memref<80x128xf32, #tpu.memory_space<vmem>>, vector<1x16xf32>,
    %get3A_489 = vector.shape_cast %get3A_488 : vector<1x16xf32> to vector<16xf32>
    %get3A_490 = arith.constant 71 : i32
    %get3A_491 = arith.index_cast %get3A_490 : i32 to index
    %get3A_492 = arith.constant 0 : index
    %get3A_493 = tpu.vector_load %arg6[%get3A_491, %get3A_492] {strides = array<i32>} : memref<80x128xf32, #tpu.memory_space<vmem>>, vector<1x16xf32>,
    %get3A_494 = vector.shape_cast %get3A_493 : vector<1x16xf32> to vector<16xf32>
    %add3A_495 = arith.addf %get3A_489, %get3A_494 : vector<16xf32>
    %get3A_496 = arith.constant 72 : i32
    %get3A_497 = arith.index_cast %get3A_496 : i32 to index
    %get3A_498 = arith.constant 0 : index
    %get3A_499 = tpu.vector_load %arg6[%get3A_497, %get3A_498] {strides = array<i32>} : memref<80x128xf32, #tpu.memory_space<vmem>>, vector<1x16xf32>,
    %get3A_500 = vector.shape_cast %get3A_499 : vector<1x16xf32> to vector<16xf32>
    %add3A_501 = arith.addf %add3A_495, %get3A_500 : vector<16xf32>
    %get3A_502 = arith.constant 73 : i32
    %get3A_503 = arith.index_cast %get3A_502 : i32 to index
    %get3A_504 = arith.constant 0 : index
    %get3A_505 = tpu.vector_load %arg6[%get3A_503, %get3A_504] {strides = array<i32>} : memref<80x128xf32, #tpu.memory_space<vmem>>, vector<1x16xf32>,
    %get3A_506 = vector.shape_cast %get3A_505 : vector<1x16xf32> to vector<16xf32>
    %add3A_507 = arith.addf %add3A_501, %get3A_506 : vector<16xf32>
    %get3A_508 = arith.constant 74 : i32
    %get3A_509 = arith.index_cast %get3A_508 : i32 to index
    %get3A_510 = arith.constant 0 : index
    %get3A_511 = tpu.vector_load %arg6[%get3A_509, %get3A_510] {strides = array<i32>} : memref<80x128xf32, #tpu.memory_space<vmem>>, vector<1x16xf32>,
    %get3A_512 = vector.shape_cast %get3A_511 : vector<1x16xf32> to vector<16xf32>
    %add3A_513 = arith.addf %add3A_507, %get3A_512 : vector<16xf32>
    %get3A_514 = arith.constant 75 : i32
    %get3A_515 = arith.index_cast %get3A_514 : i32 to index
    %get3A_516 = arith.constant 0 : index
    %get3A_517 = tpu.vector_load %arg6[%get3A_515, %get3A_516] {strides = array<i32>} : memref<80x128xf32, #tpu.memory_space<vmem>>, vector<1x16xf32>,
    %get3A_518 = vector.shape_cast %get3A_517 : vector<1x16xf32> to vector<16xf32>
    %add3A_519 = arith.addf %add3A_513, %get3A_518 : vector<16xf32>
    %get3A_520 = arith.constant 76 : i32
    %get3A_521 = arith.index_cast %get3A_520 : i32 to index
    %get3A_522 = arith.constant 0 : index
    %get3A_523 = tpu.vector_load %arg6[%get3A_521, %get3A_522] {strides = array<i32>} : memref<80x128xf32, #tpu.memory_space<vmem>>, vector<1x16xf32>,
    %get3A_524 = vector.shape_cast %get3A_523 : vector<1x16xf32> to vector<16xf32>
    %add3A_525 = arith.addf %add3A_519, %get3A_524 : vector<16xf32>
    %get3A_526 = arith.constant 77 : i32
    %get3A_527 = arith.index_cast %get3A_526 : i32 to index
    %get3A_528 = arith.constant 0 : index
    %get3A_529 = tpu.vector_load %arg6[%get3A_527, %get3A_528] {strides = array<i32>} : memref<80x128xf32, #tpu.memory_space<vmem>>, vector<1x16xf32>,
    %get3A_530 = vector.shape_cast %get3A_529 : vector<1x16xf32> to vector<16xf32>
    %add3A_531 = arith.addf %add3A_525, %get3A_530 : vector<16xf32>
    %get3A_532 = arith.constant 78 : i32
    %get3A_533 = arith.index_cast %get3A_532 : i32 to index
    %get3A_534 = arith.constant 0 : index
    %get3A_535 = tpu.vector_load %arg6[%get3A_533, %get3A_534] {strides = array<i32>} : memref<80x128xf32, #tpu.memory_space<vmem>>, vector<1x16xf32>,
    %get3A_536 = vector.shape_cast %get3A_535 : vector<1x16xf32> to vector<16xf32>
    %add3A_537 = arith.addf %add3A_531, %get3A_536 : vector<16xf32>
    %get3A_538 = arith.constant 79 : i32
    %get3A_539 = arith.index_cast %get3A_538 : i32 to index
    %get3A_540 = arith.constant 0 : index
    %get3A_541 = tpu.vector_load %arg6[%get3A_539, %get3A_540] {strides = array<i32>} : memref<80x128xf32, #tpu.memory_space<vmem>>, vector<1x16xf32>,
    %get3A_542 = vector.shape_cast %get3A_541 : vector<1x16xf32> to vector<16xf32>
    %add3A_543 = arith.addf %add3A_537, %get3A_542 : vector<16xf32>
    %mul3A_544 = arith.constant 1.000000e-01 : f32
    %mul3A_545 = vector.broadcast %mul3A_544 : f32 to vector<16xf32>
    %mul3A_546 = arith.mulf %add3A_543, %mul3A_545 : vector<16xf32>
    %swap3A_547 = arith.constant 7 : i32
    %swap3A_548 = arith.index_cast %swap3A_547 : i32 to index
    %swap3A_549 = arith.constant 0 : index
    %swap3A_550 = tpu.vector_load %arg7[%swap3A_548, %swap3A_549] {strides = array<i32>} : memref<32x16xf32, #tpu.memory_space<vmem>>, vector<1x16xf32>,
    %swap3A_551 = vector.shape_cast %swap3A_550 : vector<1x16xf32> to vector<16xf32>
    %swap3A_552 = vector.shape_cast %mul3A_546 : vector<16xf32> to vector<1x16xf32>
    tpu.vector_store %arg7[%swap3A_548, %swap3A_549], %swap3A_552 {strides = array<i32>} : memref<32x16xf32, #tpu.memory_space<vmem>>, vector<1x16xf32>,
    %add3A_553 = arith.constant 80 : i32
    %add3A_554 = arith.addi %mul3A_4, %add3A_553 : i32
    "tpu.region"() ({
      %run_scoped3A = tpu.sem_alloc : memref<!tpu.dma_semaphore, #tpu.memory_space<semaphore_mem>>
      %dma_start3A_2211 = tpu.memref_slice %arg3[%add3A_554] : memref<10240xi32, #tpu.memory_space<hbm>> -> memref<80xi32, #tpu.memory_space<hbm>>
      %dma_start3A_2212 = tpu.memref_slice %arg3[%add3A_554] : memref<10240xi32, #tpu.memory_space<hbm>> -> memref<80xi32, #tpu.memory_space<hbm>>
      tpu.enqueue_dma source(%dma_start3A_2212 : memref<80xi32, #tpu.memory_space<hbm>>) target(%arg5 : memref<80xi32, #tpu.memory_space<vmem>>) target_semaphore(%run_scoped3A : memref<!tpu.dma_semaphore, #tpu.memory_space<semaphore_mem>>)
      %dma_wait3A_2213 = tpu.memref_slice %arg3[%add3A_554] : memref<10240xi32, #tpu.memory_space<hbm>> -> memref<80xi32, #tpu.memory_space<hbm>>
      %dma_wait3A_2214 = tpu.memref_slice %arg3[%add3A_554] : memref<10240xi32, #tpu.memory_space<hbm>> -> memref<80xi32, #tpu.memory_space<hbm>>
      tpu.wait_dma2 semaphore(%run_scoped3A : memref<!tpu.dma_semaphore, #tpu.memory_space<semaphore_mem>>) src(%dma_wait3A_2214 : memref<80xi32, #tpu.memory_space<hbm>>) dst(%arg5 : memref<80xi32, #tpu.memory_space<vmem>>)
      tpu.yield
    }) : () -> ()
    %dma_start3A_555 = arith.constant 0 : i32
    %dma_start3A_556 = arith.constant 0 : i32
    %dma_start3A_557 = tpu.memref_slice %arg2[%dma_start3A_555, %dma_start3A_556] : memref<102400x128xf32, #tpu.memory_space<hbm>> -> memref<102400x128xf32, #tpu.memory_space<hbm>>
    tpu.enqueue_indirect_dma source(%dma_start3A_557 : memref<102400x128xf32, #tpu.memory_space<hbm>>) target(%arg6 : memref<80x128xf32, #tpu.memory_space<vmem>>) offsets(%arg5 : memref<80xi32, #tpu.memory_space<vmem>>) semaphore(%arg8 : memref<!tpu.dma_semaphore, #tpu.memory_space<semaphore_mem>>)
    %dma_wait3A_558 = arith.constant 0 : i32
    %dma_wait3A_559 = arith.constant 0 : i32
    %dma_wait3A_560 = tpu.memref_slice %arg2[%dma_wait3A_558, %dma_wait3A_559] : memref<102400x128xf32, #tpu.memory_space<hbm>> -> memref<102400x128xf32, #tpu.memory_space<hbm>>
    tpu.wait_indirect_dma semaphore(%arg8 : memref<!tpu.dma_semaphore, #tpu.memory_space<semaphore_mem>>) src(%dma_wait3A_560 : memref<102400x128xf32, #tpu.memory_space<hbm>>) dst(%arg6 : memref<80x128xf32, #tpu.memory_space<vmem>>)
    %get3A_561 = arith.constant 0 : i32
    %get3A_562 = arith.index_cast %get3A_561 : i32 to index
    %get3A_563 = arith.constant 0 : index
    %get3A_564 = tpu.vector_load %arg6[%get3A_562, %get3A_563] {strides = array<i32>} : memref<80x128xf32, #tpu.memory_space<vmem>>, vector<1x16xf32>,
    %get3A_565 = vector.shape_cast %get3A_564 : vector<1x16xf32> to vector<16xf32>
    %get3A_566 = arith.constant 1 : i32
    %get3A_567 = arith.index_cast %get3A_566 : i32 to index
    %get3A_568 = arith.constant 0 : index
    %get3A_569 = tpu.vector_load %arg6[%get3A_567, %get3A_568] {strides = array<i32>} : memref<80x128xf32, #tpu.memory_space<vmem>>, vector<1x16xf32>,
    %get3A_570 = vector.shape_cast %get3A_569 : vector<1x16xf32> to vector<16xf32>
    %add3A_571 = arith.addf %get3A_565, %get3A_570 : vector<16xf32>
    %get3A_572 = arith.constant 2 : i32
    %get3A_573 = arith.index_cast %get3A_572 : i32 to index
    %get3A_574 = arith.constant 0 : index
    %get3A_575 = tpu.vector_load %arg6[%get3A_573, %get3A_574] {strides = array<i32>} : memref<80x128xf32, #tpu.memory_space<vmem>>, vector<1x16xf32>,
    %get3A_576 = vector.shape_cast %get3A_575 : vector<1x16xf32> to vector<16xf32>
    %add3A_577 = arith.addf %add3A_571, %get3A_576 : vector<16xf32>
    %get3A_578 = arith.constant 3 : i32
    %get3A_579 = arith.index_cast %get3A_578 : i32 to index
    %get3A_580 = arith.constant 0 : index
    %get3A_581 = tpu.vector_load %arg6[%get3A_579, %get3A_580] {strides = array<i32>} : memref<80x128xf32, #tpu.memory_space<vmem>>, vector<1x16xf32>,
    %get3A_582 = vector.shape_cast %get3A_581 : vector<1x16xf32> to vector<16xf32>
    %add3A_583 = arith.addf %add3A_577, %get3A_582 : vector<16xf32>
    %get3A_584 = arith.constant 4 : i32
    %get3A_585 = arith.index_cast %get3A_584 : i32 to index
    %get3A_586 = arith.constant 0 : index
    %get3A_587 = tpu.vector_load %arg6[%get3A_585, %get3A_586] {strides = array<i32>} : memref<80x128xf32, #tpu.memory_space<vmem>>, vector<1x16xf32>,
    %get3A_588 = vector.shape_cast %get3A_587 : vector<1x16xf32> to vector<16xf32>
    %add3A_589 = arith.addf %add3A_583, %get3A_588 : vector<16xf32>
    %get3A_590 = arith.constant 5 : i32
    %get3A_591 = arith.index_cast %get3A_590 : i32 to index
    %get3A_592 = arith.constant 0 : index
    %get3A_593 = tpu.vector_load %arg6[%get3A_591, %get3A_592] {strides = array<i32>} : memref<80x128xf32, #tpu.memory_space<vmem>>, vector<1x16xf32>,
    %get3A_594 = vector.shape_cast %get3A_593 : vector<1x16xf32> to vector<16xf32>
    %add3A_595 = arith.addf %add3A_589, %get3A_594 : vector<16xf32>
    %get3A_596 = arith.constant 6 : i32
    %get3A_597 = arith.index_cast %get3A_596 : i32 to index
    %get3A_598 = arith.constant 0 : index
    %get3A_599 = tpu.vector_load %arg6[%get3A_597, %get3A_598] {strides = array<i32>} : memref<80x128xf32, #tpu.memory_space<vmem>>, vector<1x16xf32>,
    %get3A_600 = vector.shape_cast %get3A_599 : vector<1x16xf32> to vector<16xf32>
    %add3A_601 = arith.addf %add3A_595, %get3A_600 : vector<16xf32>
    %get3A_602 = arith.constant 7 : i32
    %get3A_603 = arith.index_cast %get3A_602 : i32 to index
    %get3A_604 = arith.constant 0 : index
    %get3A_605 = tpu.vector_load %arg6[%get3A_603, %get3A_604] {strides = array<i32>} : memref<80x128xf32, #tpu.memory_space<vmem>>, vector<1x16xf32>,
    %get3A_606 = vector.shape_cast %get3A_605 : vector<1x16xf32> to vector<16xf32>
    %add3A_607 = arith.addf %add3A_601, %get3A_606 : vector<16xf32>
    %get3A_608 = arith.constant 8 : i32
    %get3A_609 = arith.index_cast %get3A_608 : i32 to index
    %get3A_610 = arith.constant 0 : index
    %get3A_611 = tpu.vector_load %arg6[%get3A_609, %get3A_610] {strides = array<i32>} : memref<80x128xf32, #tpu.memory_space<vmem>>, vector<1x16xf32>,
    %get3A_612 = vector.shape_cast %get3A_611 : vector<1x16xf32> to vector<16xf32>
    %add3A_613 = arith.addf %add3A_607, %get3A_612 : vector<16xf32>
    %get3A_614 = arith.constant 9 : i32
    %get3A_615 = arith.index_cast %get3A_614 : i32 to index
    %get3A_616 = arith.constant 0 : index
    %get3A_617 = tpu.vector_load %arg6[%get3A_615, %get3A_616] {strides = array<i32>} : memref<80x128xf32, #tpu.memory_space<vmem>>, vector<1x16xf32>,
    %get3A_618 = vector.shape_cast %get3A_617 : vector<1x16xf32> to vector<16xf32>
    %add3A_619 = arith.addf %add3A_613, %get3A_618 : vector<16xf32>
    %mul3A_620 = arith.constant 1.000000e-01 : f32
    %mul3A_621 = vector.broadcast %mul3A_620 : f32 to vector<16xf32>
    %mul3A_622 = arith.mulf %add3A_619, %mul3A_621 : vector<16xf32>
    %swap3A_623 = arith.constant 8 : i32
    %swap3A_624 = arith.index_cast %swap3A_623 : i32 to index
    %swap3A_625 = arith.constant 0 : index
    %swap3A_626 = tpu.vector_load %arg7[%swap3A_624, %swap3A_625] {strides = array<i32>} : memref<32x16xf32, #tpu.memory_space<vmem>>, vector<1x16xf32>,
    %swap3A_627 = vector.shape_cast %swap3A_626 : vector<1x16xf32> to vector<16xf32>
    %swap3A_628 = vector.shape_cast %mul3A_622 : vector<16xf32> to vector<1x16xf32>
    tpu.vector_store %arg7[%swap3A_624, %swap3A_625], %swap3A_628 {strides = array<i32>} : memref<32x16xf32, #tpu.memory_space<vmem>>, vector<1x16xf32>,
    %get3A_629 = arith.constant 10 : i32
    %get3A_630 = arith.index_cast %get3A_629 : i32 to index
    %get3A_631 = arith.constant 0 : index
    %get3A_632 = tpu.vector_load %arg6[%get3A_630, %get3A_631] {strides = array<i32>} : memref<80x128xf32, #tpu.memory_space<vmem>>, vector<1x16xf32>,
    %get3A_633 = vector.shape_cast %get3A_632 : vector<1x16xf32> to vector<16xf32>
    %get3A_634 = arith.constant 11 : i32
    %get3A_635 = arith.index_cast %get3A_634 : i32 to index
    %get3A_636 = arith.constant 0 : index
    %get3A_637 = tpu.vector_load %arg6[%get3A_635, %get3A_636] {strides = array<i32>} : memref<80x128xf32, #tpu.memory_space<vmem>>, vector<1x16xf32>,
    %get3A_638 = vector.shape_cast %get3A_637 : vector<1x16xf32> to vector<16xf32>
    %add3A_639 = arith.addf %get3A_633, %get3A_638 : vector<16xf32>
    %get3A_640 = arith.constant 12 : i32
    %get3A_641 = arith.index_cast %get3A_640 : i32 to index
    %get3A_642 = arith.constant 0 : index
    %get3A_643 = tpu.vector_load %arg6[%get3A_641, %get3A_642] {strides = array<i32>} : memref<80x128xf32, #tpu.memory_space<vmem>>, vector<1x16xf32>,
    %get3A_644 = vector.shape_cast %get3A_643 : vector<1x16xf32> to vector<16xf32>
    %add3A_645 = arith.addf %add3A_639, %get3A_644 : vector<16xf32>
    %get3A_646 = arith.constant 13 : i32
    %get3A_647 = arith.index_cast %get3A_646 : i32 to index
    %get3A_648 = arith.constant 0 : index
    %get3A_649 = tpu.vector_load %arg6[%get3A_647, %get3A_648] {strides = array<i32>} : memref<80x128xf32, #tpu.memory_space<vmem>>, vector<1x16xf32>,
    %get3A_650 = vector.shape_cast %get3A_649 : vector<1x16xf32> to vector<16xf32>
    %add3A_651 = arith.addf %add3A_645, %get3A_650 : vector<16xf32>
    %get3A_652 = arith.constant 14 : i32
    %get3A_653 = arith.index_cast %get3A_652 : i32 to index
    %get3A_654 = arith.constant 0 : index
    %get3A_655 = tpu.vector_load %arg6[%get3A_653, %get3A_654] {strides = array<i32>} : memref<80x128xf32, #tpu.memory_space<vmem>>, vector<1x16xf32>,
    %get3A_656 = vector.shape_cast %get3A_655 : vector<1x16xf32> to vector<16xf32>
    %add3A_657 = arith.addf %add3A_651, %get3A_656 : vector<16xf32>
    %get3A_658 = arith.constant 15 : i32
    %get3A_659 = arith.index_cast %get3A_658 : i32 to index
    %get3A_660 = arith.constant 0 : index
    %get3A_661 = tpu.vector_load %arg6[%get3A_659, %get3A_660] {strides = array<i32>} : memref<80x128xf32, #tpu.memory_space<vmem>>, vector<1x16xf32>,
    %get3A_662 = vector.shape_cast %get3A_661 : vector<1x16xf32> to vector<16xf32>
    %add3A_663 = arith.addf %add3A_657, %get3A_662 : vector<16xf32>
    %get3A_664 = arith.constant 16 : i32
    %get3A_665 = arith.index_cast %get3A_664 : i32 to index
    %get3A_666 = arith.constant 0 : index
    %get3A_667 = tpu.vector_load %arg6[%get3A_665, %get3A_666] {strides = array<i32>} : memref<80x128xf32, #tpu.memory_space<vmem>>, vector<1x16xf32>,
    %get3A_668 = vector.shape_cast %get3A_667 : vector<1x16xf32> to vector<16xf32>
    %add3A_669 = arith.addf %add3A_663, %get3A_668 : vector<16xf32>
    %get3A_670 = arith.constant 17 : i32
    %get3A_671 = arith.index_cast %get3A_670 : i32 to index
    %get3A_672 = arith.constant 0 : index
    %get3A_673 = tpu.vector_load %arg6[%get3A_671, %get3A_672] {strides = array<i32>} : memref<80x128xf32, #tpu.memory_space<vmem>>, vector<1x16xf32>,
    %get3A_674 = vector.shape_cast %get3A_673 : vector<1x16xf32> to vector<16xf32>
    %add3A_675 = arith.addf %add3A_669, %get3A_674 : vector<16xf32>
    %get3A_676 = arith.constant 18 : i32
    %get3A_677 = arith.index_cast %get3A_676 : i32 to index
    %get3A_678 = arith.constant 0 : index
    %get3A_679 = tpu.vector_load %arg6[%get3A_677, %get3A_678] {strides = array<i32>} : memref<80x128xf32, #tpu.memory_space<vmem>>, vector<1x16xf32>,
    %get3A_680 = vector.shape_cast %get3A_679 : vector<1x16xf32> to vector<16xf32>
    %add3A_681 = arith.addf %add3A_675, %get3A_680 : vector<16xf32>
    %get3A_682 = arith.constant 19 : i32
    %get3A_683 = arith.index_cast %get3A_682 : i32 to index
    %get3A_684 = arith.constant 0 : index
    %get3A_685 = tpu.vector_load %arg6[%get3A_683, %get3A_684] {strides = array<i32>} : memref<80x128xf32, #tpu.memory_space<vmem>>, vector<1x16xf32>,
    %get3A_686 = vector.shape_cast %get3A_685 : vector<1x16xf32> to vector<16xf32>
    %add3A_687 = arith.addf %add3A_681, %get3A_686 : vector<16xf32>
    %mul3A_688 = arith.constant 1.000000e-01 : f32
    %mul3A_689 = vector.broadcast %mul3A_688 : f32 to vector<16xf32>
    %mul3A_690 = arith.mulf %add3A_687, %mul3A_689 : vector<16xf32>
    %swap3A_691 = arith.constant 9 : i32
    %swap3A_692 = arith.index_cast %swap3A_691 : i32 to index
    %swap3A_693 = arith.constant 0 : index
    %swap3A_694 = tpu.vector_load %arg7[%swap3A_692, %swap3A_693] {strides = array<i32>} : memref<32x16xf32, #tpu.memory_space<vmem>>, vector<1x16xf32>,
    %swap3A_695 = vector.shape_cast %swap3A_694 : vector<1x16xf32> to vector<16xf32>
    %swap3A_696 = vector.shape_cast %mul3A_690 : vector<16xf32> to vector<1x16xf32>
    tpu.vector_store %arg7[%swap3A_692, %swap3A_693], %swap3A_696 {strides = array<i32>} : memref<32x16xf32, #tpu.memory_space<vmem>>, vector<1x16xf32>,
    %get3A_697 = arith.constant 20 : i32
    %get3A_698 = arith.index_cast %get3A_697 : i32 to index
    %get3A_699 = arith.constant 0 : index
    %get3A_700 = tpu.vector_load %arg6[%get3A_698, %get3A_699] {strides = array<i32>} : memref<80x128xf32, #tpu.memory_space<vmem>>, vector<1x16xf32>,
    %get3A_701 = vector.shape_cast %get3A_700 : vector<1x16xf32> to vector<16xf32>
    %get3A_702 = arith.constant 21 : i32
    %get3A_703 = arith.index_cast %get3A_702 : i32 to index
    %get3A_704 = arith.constant 0 : index
    %get3A_705 = tpu.vector_load %arg6[%get3A_703, %get3A_704] {strides = array<i32>} : memref<80x128xf32, #tpu.memory_space<vmem>>, vector<1x16xf32>,
    %get3A_706 = vector.shape_cast %get3A_705 : vector<1x16xf32> to vector<16xf32>
    %add3A_707 = arith.addf %get3A_701, %get3A_706 : vector<16xf32>
    %get3A_708 = arith.constant 22 : i32
    %get3A_709 = arith.index_cast %get3A_708 : i32 to index
    %get3A_710 = arith.constant 0 : index
    %get3A_711 = tpu.vector_load %arg6[%get3A_709, %get3A_710] {strides = array<i32>} : memref<80x128xf32, #tpu.memory_space<vmem>>, vector<1x16xf32>,
    %get3A_712 = vector.shape_cast %get3A_711 : vector<1x16xf32> to vector<16xf32>
    %add3A_713 = arith.addf %add3A_707, %get3A_712 : vector<16xf32>
    %get3A_714 = arith.constant 23 : i32
    %get3A_715 = arith.index_cast %get3A_714 : i32 to index
    %get3A_716 = arith.constant 0 : index
    %get3A_717 = tpu.vector_load %arg6[%get3A_715, %get3A_716] {strides = array<i32>} : memref<80x128xf32, #tpu.memory_space<vmem>>, vector<1x16xf32>,
    %get3A_718 = vector.shape_cast %get3A_717 : vector<1x16xf32> to vector<16xf32>
    %add3A_719 = arith.addf %add3A_713, %get3A_718 : vector<16xf32>
    %get3A_720 = arith.constant 24 : i32
    %get3A_721 = arith.index_cast %get3A_720 : i32 to index
    %get3A_722 = arith.constant 0 : index
    %get3A_723 = tpu.vector_load %arg6[%get3A_721, %get3A_722] {strides = array<i32>} : memref<80x128xf32, #tpu.memory_space<vmem>>, vector<1x16xf32>,
    %get3A_724 = vector.shape_cast %get3A_723 : vector<1x16xf32> to vector<16xf32>
    %add3A_725 = arith.addf %add3A_719, %get3A_724 : vector<16xf32>
    %get3A_726 = arith.constant 25 : i32
    %get3A_727 = arith.index_cast %get3A_726 : i32 to index
    %get3A_728 = arith.constant 0 : index
    %get3A_729 = tpu.vector_load %arg6[%get3A_727, %get3A_728] {strides = array<i32>} : memref<80x128xf32, #tpu.memory_space<vmem>>, vector<1x16xf32>,
    %get3A_730 = vector.shape_cast %get3A_729 : vector<1x16xf32> to vector<16xf32>
    %add3A_731 = arith.addf %add3A_725, %get3A_730 : vector<16xf32>
    %get3A_732 = arith.constant 26 : i32
    %get3A_733 = arith.index_cast %get3A_732 : i32 to index
    %get3A_734 = arith.constant 0 : index
    %get3A_735 = tpu.vector_load %arg6[%get3A_733, %get3A_734] {strides = array<i32>} : memref<80x128xf32, #tpu.memory_space<vmem>>, vector<1x16xf32>,
    %get3A_736 = vector.shape_cast %get3A_735 : vector<1x16xf32> to vector<16xf32>
    %add3A_737 = arith.addf %add3A_731, %get3A_736 : vector<16xf32>
    %get3A_738 = arith.constant 27 : i32
    %get3A_739 = arith.index_cast %get3A_738 : i32 to index
    %get3A_740 = arith.constant 0 : index
    %get3A_741 = tpu.vector_load %arg6[%get3A_739, %get3A_740] {strides = array<i32>} : memref<80x128xf32, #tpu.memory_space<vmem>>, vector<1x16xf32>,
    %get3A_742 = vector.shape_cast %get3A_741 : vector<1x16xf32> to vector<16xf32>
    %add3A_743 = arith.addf %add3A_737, %get3A_742 : vector<16xf32>
    %get3A_744 = arith.constant 28 : i32
    %get3A_745 = arith.index_cast %get3A_744 : i32 to index
    %get3A_746 = arith.constant 0 : index
    %get3A_747 = tpu.vector_load %arg6[%get3A_745, %get3A_746] {strides = array<i32>} : memref<80x128xf32, #tpu.memory_space<vmem>>, vector<1x16xf32>,
    %get3A_748 = vector.shape_cast %get3A_747 : vector<1x16xf32> to vector<16xf32>
    %add3A_749 = arith.addf %add3A_743, %get3A_748 : vector<16xf32>
    %get3A_750 = arith.constant 29 : i32
    %get3A_751 = arith.index_cast %get3A_750 : i32 to index
    %get3A_752 = arith.constant 0 : index
    %get3A_753 = tpu.vector_load %arg6[%get3A_751, %get3A_752] {strides = array<i32>} : memref<80x128xf32, #tpu.memory_space<vmem>>, vector<1x16xf32>,
    %get3A_754 = vector.shape_cast %get3A_753 : vector<1x16xf32> to vector<16xf32>
    %add3A_755 = arith.addf %add3A_749, %get3A_754 : vector<16xf32>
    %mul3A_756 = arith.constant 1.000000e-01 : f32
    %mul3A_757 = vector.broadcast %mul3A_756 : f32 to vector<16xf32>
    %mul3A_758 = arith.mulf %add3A_755, %mul3A_757 : vector<16xf32>
    %swap3A_759 = arith.constant 10 : i32
    %swap3A_760 = arith.index_cast %swap3A_759 : i32 to index
    %swap3A_761 = arith.constant 0 : index
    %swap3A_762 = tpu.vector_load %arg7[%swap3A_760, %swap3A_761] {strides = array<i32>} : memref<32x16xf32, #tpu.memory_space<vmem>>, vector<1x16xf32>,
    %swap3A_763 = vector.shape_cast %swap3A_762 : vector<1x16xf32> to vector<16xf32>
    %swap3A_764 = vector.shape_cast %mul3A_758 : vector<16xf32> to vector<1x16xf32>
    tpu.vector_store %arg7[%swap3A_760, %swap3A_761], %swap3A_764 {strides = array<i32>} : memref<32x16xf32, #tpu.memory_space<vmem>>, vector<1x16xf32>,
    %get3A_765 = arith.constant 30 : i32
    %get3A_766 = arith.index_cast %get3A_765 : i32 to index
    %get3A_767 = arith.constant 0 : index
    %get3A_768 = tpu.vector_load %arg6[%get3A_766, %get3A_767] {strides = array<i32>} : memref<80x128xf32, #tpu.memory_space<vmem>>, vector<1x16xf32>,
    %get3A_769 = vector.shape_cast %get3A_768 : vector<1x16xf32> to vector<16xf32>
    %get3A_770 = arith.constant 31 : i32
    %get3A_771 = arith.index_cast %get3A_770 : i32 to index
    %get3A_772 = arith.constant 0 : index
    %get3A_773 = tpu.vector_load %arg6[%get3A_771, %get3A_772] {strides = array<i32>} : memref<80x128xf32, #tpu.memory_space<vmem>>, vector<1x16xf32>,
    %get3A_774 = vector.shape_cast %get3A_773 : vector<1x16xf32> to vector<16xf32>
    %add3A_775 = arith.addf %get3A_769, %get3A_774 : vector<16xf32>
    %get3A_776 = arith.constant 32 : i32
    %get3A_777 = arith.index_cast %get3A_776 : i32 to index
    %get3A_778 = arith.constant 0 : index
    %get3A_779 = tpu.vector_load %arg6[%get3A_777, %get3A_778] {strides = array<i32>} : memref<80x128xf32, #tpu.memory_space<vmem>>, vector<1x16xf32>,
    %get3A_780 = vector.shape_cast %get3A_779 : vector<1x16xf32> to vector<16xf32>
    %add3A_781 = arith.addf %add3A_775, %get3A_780 : vector<16xf32>
    %get3A_782 = arith.constant 33 : i32
    %get3A_783 = arith.index_cast %get3A_782 : i32 to index
    %get3A_784 = arith.constant 0 : index
    %get3A_785 = tpu.vector_load %arg6[%get3A_783, %get3A_784] {strides = array<i32>} : memref<80x128xf32, #tpu.memory_space<vmem>>, vector<1x16xf32>,
    %get3A_786 = vector.shape_cast %get3A_785 : vector<1x16xf32> to vector<16xf32>
    %add3A_787 = arith.addf %add3A_781, %get3A_786 : vector<16xf32>
    %get3A_788 = arith.constant 34 : i32
    %get3A_789 = arith.index_cast %get3A_788 : i32 to index
    %get3A_790 = arith.constant 0 : index
    %get3A_791 = tpu.vector_load %arg6[%get3A_789, %get3A_790] {strides = array<i32>} : memref<80x128xf32, #tpu.memory_space<vmem>>, vector<1x16xf32>,
    %get3A_792 = vector.shape_cast %get3A_791 : vector<1x16xf32> to vector<16xf32>
    %add3A_793 = arith.addf %add3A_787, %get3A_792 : vector<16xf32>
    %get3A_794 = arith.constant 35 : i32
    %get3A_795 = arith.index_cast %get3A_794 : i32 to index
    %get3A_796 = arith.constant 0 : index
    %get3A_797 = tpu.vector_load %arg6[%get3A_795, %get3A_796] {strides = array<i32>} : memref<80x128xf32, #tpu.memory_space<vmem>>, vector<1x16xf32>,
    %get3A_798 = vector.shape_cast %get3A_797 : vector<1x16xf32> to vector<16xf32>
    %add3A_799 = arith.addf %add3A_793, %get3A_798 : vector<16xf32>
    %get3A_800 = arith.constant 36 : i32
    %get3A_801 = arith.index_cast %get3A_800 : i32 to index
    %get3A_802 = arith.constant 0 : index
    %get3A_803 = tpu.vector_load %arg6[%get3A_801, %get3A_802] {strides = array<i32>} : memref<80x128xf32, #tpu.memory_space<vmem>>, vector<1x16xf32>,
    %get3A_804 = vector.shape_cast %get3A_803 : vector<1x16xf32> to vector<16xf32>
    %add3A_805 = arith.addf %add3A_799, %get3A_804 : vector<16xf32>
    %get3A_806 = arith.constant 37 : i32
    %get3A_807 = arith.index_cast %get3A_806 : i32 to index
    %get3A_808 = arith.constant 0 : index
    %get3A_809 = tpu.vector_load %arg6[%get3A_807, %get3A_808] {strides = array<i32>} : memref<80x128xf32, #tpu.memory_space<vmem>>, vector<1x16xf32>,
    %get3A_810 = vector.shape_cast %get3A_809 : vector<1x16xf32> to vector<16xf32>
    %add3A_811 = arith.addf %add3A_805, %get3A_810 : vector<16xf32>
    %get3A_812 = arith.constant 38 : i32
    %get3A_813 = arith.index_cast %get3A_812 : i32 to index
    %get3A_814 = arith.constant 0 : index
    %get3A_815 = tpu.vector_load %arg6[%get3A_813, %get3A_814] {strides = array<i32>} : memref<80x128xf32, #tpu.memory_space<vmem>>, vector<1x16xf32>,
    %get3A_816 = vector.shape_cast %get3A_815 : vector<1x16xf32> to vector<16xf32>
    %add3A_817 = arith.addf %add3A_811, %get3A_816 : vector<16xf32>
    %get3A_818 = arith.constant 39 : i32
    %get3A_819 = arith.index_cast %get3A_818 : i32 to index
    %get3A_820 = arith.constant 0 : index
    %get3A_821 = tpu.vector_load %arg6[%get3A_819, %get3A_820] {strides = array<i32>} : memref<80x128xf32, #tpu.memory_space<vmem>>, vector<1x16xf32>,
    %get3A_822 = vector.shape_cast %get3A_821 : vector<1x16xf32> to vector<16xf32>
    %add3A_823 = arith.addf %add3A_817, %get3A_822 : vector<16xf32>
    %mul3A_824 = arith.constant 1.000000e-01 : f32
    %mul3A_825 = vector.broadcast %mul3A_824 : f32 to vector<16xf32>
    %mul3A_826 = arith.mulf %add3A_823, %mul3A_825 : vector<16xf32>
    %swap3A_827 = arith.constant 11 : i32
    %swap3A_828 = arith.index_cast %swap3A_827 : i32 to index
    %swap3A_829 = arith.constant 0 : index
    %swap3A_830 = tpu.vector_load %arg7[%swap3A_828, %swap3A_829] {strides = array<i32>} : memref<32x16xf32, #tpu.memory_space<vmem>>, vector<1x16xf32>,
    %swap3A_831 = vector.shape_cast %swap3A_830 : vector<1x16xf32> to vector<16xf32>
    %swap3A_832 = vector.shape_cast %mul3A_826 : vector<16xf32> to vector<1x16xf32>
    tpu.vector_store %arg7[%swap3A_828, %swap3A_829], %swap3A_832 {strides = array<i32>} : memref<32x16xf32, #tpu.memory_space<vmem>>, vector<1x16xf32>,
    %get3A_833 = arith.constant 40 : i32
    %get3A_834 = arith.index_cast %get3A_833 : i32 to index
    %get3A_835 = arith.constant 0 : index
    %get3A_836 = tpu.vector_load %arg6[%get3A_834, %get3A_835] {strides = array<i32>} : memref<80x128xf32, #tpu.memory_space<vmem>>, vector<1x16xf32>,
    %get3A_837 = vector.shape_cast %get3A_836 : vector<1x16xf32> to vector<16xf32>
    %get3A_838 = arith.constant 41 : i32
    %get3A_839 = arith.index_cast %get3A_838 : i32 to index
    %get3A_840 = arith.constant 0 : index
    %get3A_841 = tpu.vector_load %arg6[%get3A_839, %get3A_840] {strides = array<i32>} : memref<80x128xf32, #tpu.memory_space<vmem>>, vector<1x16xf32>,
    %get3A_842 = vector.shape_cast %get3A_841 : vector<1x16xf32> to vector<16xf32>
    %add3A_843 = arith.addf %get3A_837, %get3A_842 : vector<16xf32>
    %get3A_844 = arith.constant 42 : i32
    %get3A_845 = arith.index_cast %get3A_844 : i32 to index
    %get3A_846 = arith.constant 0 : index
    %get3A_847 = tpu.vector_load %arg6[%get3A_845, %get3A_846] {strides = array<i32>} : memref<80x128xf32, #tpu.memory_space<vmem>>, vector<1x16xf32>,
    %get3A_848 = vector.shape_cast %get3A_847 : vector<1x16xf32> to vector<16xf32>
    %add3A_849 = arith.addf %add3A_843, %get3A_848 : vector<16xf32>
    %get3A_850 = arith.constant 43 : i32
    %get3A_851 = arith.index_cast %get3A_850 : i32 to index
    %get3A_852 = arith.constant 0 : index
    %get3A_853 = tpu.vector_load %arg6[%get3A_851, %get3A_852] {strides = array<i32>} : memref<80x128xf32, #tpu.memory_space<vmem>>, vector<1x16xf32>,
    %get3A_854 = vector.shape_cast %get3A_853 : vector<1x16xf32> to vector<16xf32>
    %add3A_855 = arith.addf %add3A_849, %get3A_854 : vector<16xf32>
    %get3A_856 = arith.constant 44 : i32
    %get3A_857 = arith.index_cast %get3A_856 : i32 to index
    %get3A_858 = arith.constant 0 : index
    %get3A_859 = tpu.vector_load %arg6[%get3A_857, %get3A_858] {strides = array<i32>} : memref<80x128xf32, #tpu.memory_space<vmem>>, vector<1x16xf32>,
    %get3A_860 = vector.shape_cast %get3A_859 : vector<1x16xf32> to vector<16xf32>
    %add3A_861 = arith.addf %add3A_855, %get3A_860 : vector<16xf32>
    %get3A_862 = arith.constant 45 : i32
    %get3A_863 = arith.index_cast %get3A_862 : i32 to index
    %get3A_864 = arith.constant 0 : index
    %get3A_865 = tpu.vector_load %arg6[%get3A_863, %get3A_864] {strides = array<i32>} : memref<80x128xf32, #tpu.memory_space<vmem>>, vector<1x16xf32>,
    %get3A_866 = vector.shape_cast %get3A_865 : vector<1x16xf32> to vector<16xf32>
    %add3A_867 = arith.addf %add3A_861, %get3A_866 : vector<16xf32>
    %get3A_868 = arith.constant 46 : i32
    %get3A_869 = arith.index_cast %get3A_868 : i32 to index
    %get3A_870 = arith.constant 0 : index
    %get3A_871 = tpu.vector_load %arg6[%get3A_869, %get3A_870] {strides = array<i32>} : memref<80x128xf32, #tpu.memory_space<vmem>>, vector<1x16xf32>,
    %get3A_872 = vector.shape_cast %get3A_871 : vector<1x16xf32> to vector<16xf32>
    %add3A_873 = arith.addf %add3A_867, %get3A_872 : vector<16xf32>
    %get3A_874 = arith.constant 47 : i32
    %get3A_875 = arith.index_cast %get3A_874 : i32 to index
    %get3A_876 = arith.constant 0 : index
    %get3A_877 = tpu.vector_load %arg6[%get3A_875, %get3A_876] {strides = array<i32>} : memref<80x128xf32, #tpu.memory_space<vmem>>, vector<1x16xf32>,
    %get3A_878 = vector.shape_cast %get3A_877 : vector<1x16xf32> to vector<16xf32>
    %add3A_879 = arith.addf %add3A_873, %get3A_878 : vector<16xf32>
    %get3A_880 = arith.constant 48 : i32
    %get3A_881 = arith.index_cast %get3A_880 : i32 to index
    %get3A_882 = arith.constant 0 : index
    %get3A_883 = tpu.vector_load %arg6[%get3A_881, %get3A_882] {strides = array<i32>} : memref<80x128xf32, #tpu.memory_space<vmem>>, vector<1x16xf32>,
    %get3A_884 = vector.shape_cast %get3A_883 : vector<1x16xf32> to vector<16xf32>
    %add3A_885 = arith.addf %add3A_879, %get3A_884 : vector<16xf32>
    %get3A_886 = arith.constant 49 : i32
    %get3A_887 = arith.index_cast %get3A_886 : i32 to index
    %get3A_888 = arith.constant 0 : index
    %get3A_889 = tpu.vector_load %arg6[%get3A_887, %get3A_888] {strides = array<i32>} : memref<80x128xf32, #tpu.memory_space<vmem>>, vector<1x16xf32>,
    %get3A_890 = vector.shape_cast %get3A_889 : vector<1x16xf32> to vector<16xf32>
    %add3A_891 = arith.addf %add3A_885, %get3A_890 : vector<16xf32>
    %mul3A_892 = arith.constant 1.000000e-01 : f32
    %mul3A_893 = vector.broadcast %mul3A_892 : f32 to vector<16xf32>
    %mul3A_894 = arith.mulf %add3A_891, %mul3A_893 : vector<16xf32>
    %swap3A_895 = arith.constant 12 : i32
    %swap3A_896 = arith.index_cast %swap3A_895 : i32 to index
    %swap3A_897 = arith.constant 0 : index
    %swap3A_898 = tpu.vector_load %arg7[%swap3A_896, %swap3A_897] {strides = array<i32>} : memref<32x16xf32, #tpu.memory_space<vmem>>, vector<1x16xf32>,
    %swap3A_899 = vector.shape_cast %swap3A_898 : vector<1x16xf32> to vector<16xf32>
    %swap3A_900 = vector.shape_cast %mul3A_894 : vector<16xf32> to vector<1x16xf32>
    tpu.vector_store %arg7[%swap3A_896, %swap3A_897], %swap3A_900 {strides = array<i32>} : memref<32x16xf32, #tpu.memory_space<vmem>>, vector<1x16xf32>,
    %get3A_901 = arith.constant 50 : i32
    %get3A_902 = arith.index_cast %get3A_901 : i32 to index
    %get3A_903 = arith.constant 0 : index
    %get3A_904 = tpu.vector_load %arg6[%get3A_902, %get3A_903] {strides = array<i32>} : memref<80x128xf32, #tpu.memory_space<vmem>>, vector<1x16xf32>,
    %get3A_905 = vector.shape_cast %get3A_904 : vector<1x16xf32> to vector<16xf32>
    %get3A_906 = arith.constant 51 : i32
    %get3A_907 = arith.index_cast %get3A_906 : i32 to index
    %get3A_908 = arith.constant 0 : index
    %get3A_909 = tpu.vector_load %arg6[%get3A_907, %get3A_908] {strides = array<i32>} : memref<80x128xf32, #tpu.memory_space<vmem>>, vector<1x16xf32>,
    %get3A_910 = vector.shape_cast %get3A_909 : vector<1x16xf32> to vector<16xf32>
    %add3A_911 = arith.addf %get3A_905, %get3A_910 : vector<16xf32>
    %get3A_912 = arith.constant 52 : i32
    %get3A_913 = arith.index_cast %get3A_912 : i32 to index
    %get3A_914 = arith.constant 0 : index
    %get3A_915 = tpu.vector_load %arg6[%get3A_913, %get3A_914] {strides = array<i32>} : memref<80x128xf32, #tpu.memory_space<vmem>>, vector<1x16xf32>,
    %get3A_916 = vector.shape_cast %get3A_915 : vector<1x16xf32> to vector<16xf32>
    %add3A_917 = arith.addf %add3A_911, %get3A_916 : vector<16xf32>
    %get3A_918 = arith.constant 53 : i32
    %get3A_919 = arith.index_cast %get3A_918 : i32 to index
    %get3A_920 = arith.constant 0 : index
    %get3A_921 = tpu.vector_load %arg6[%get3A_919, %get3A_920] {strides = array<i32>} : memref<80x128xf32, #tpu.memory_space<vmem>>, vector<1x16xf32>,
    %get3A_922 = vector.shape_cast %get3A_921 : vector<1x16xf32> to vector<16xf32>
    %add3A_923 = arith.addf %add3A_917, %get3A_922 : vector<16xf32>
    %get3A_924 = arith.constant 54 : i32
    %get3A_925 = arith.index_cast %get3A_924 : i32 to index
    %get3A_926 = arith.constant 0 : index
    %get3A_927 = tpu.vector_load %arg6[%get3A_925, %get3A_926] {strides = array<i32>} : memref<80x128xf32, #tpu.memory_space<vmem>>, vector<1x16xf32>,
    %get3A_928 = vector.shape_cast %get3A_927 : vector<1x16xf32> to vector<16xf32>
    %add3A_929 = arith.addf %add3A_923, %get3A_928 : vector<16xf32>
    %get3A_930 = arith.constant 55 : i32
    %get3A_931 = arith.index_cast %get3A_930 : i32 to index
    %get3A_932 = arith.constant 0 : index
    %get3A_933 = tpu.vector_load %arg6[%get3A_931, %get3A_932] {strides = array<i32>} : memref<80x128xf32, #tpu.memory_space<vmem>>, vector<1x16xf32>,
    %get3A_934 = vector.shape_cast %get3A_933 : vector<1x16xf32> to vector<16xf32>
    %add3A_935 = arith.addf %add3A_929, %get3A_934 : vector<16xf32>
    %get3A_936 = arith.constant 56 : i32
    %get3A_937 = arith.index_cast %get3A_936 : i32 to index
    %get3A_938 = arith.constant 0 : index
    %get3A_939 = tpu.vector_load %arg6[%get3A_937, %get3A_938] {strides = array<i32>} : memref<80x128xf32, #tpu.memory_space<vmem>>, vector<1x16xf32>,
    %get3A_940 = vector.shape_cast %get3A_939 : vector<1x16xf32> to vector<16xf32>
    %add3A_941 = arith.addf %add3A_935, %get3A_940 : vector<16xf32>
    %get3A_942 = arith.constant 57 : i32
    %get3A_943 = arith.index_cast %get3A_942 : i32 to index
    %get3A_944 = arith.constant 0 : index
    %get3A_945 = tpu.vector_load %arg6[%get3A_943, %get3A_944] {strides = array<i32>} : memref<80x128xf32, #tpu.memory_space<vmem>>, vector<1x16xf32>,
    %get3A_946 = vector.shape_cast %get3A_945 : vector<1x16xf32> to vector<16xf32>
    %add3A_947 = arith.addf %add3A_941, %get3A_946 : vector<16xf32>
    %get3A_948 = arith.constant 58 : i32
    %get3A_949 = arith.index_cast %get3A_948 : i32 to index
    %get3A_950 = arith.constant 0 : index
    %get3A_951 = tpu.vector_load %arg6[%get3A_949, %get3A_950] {strides = array<i32>} : memref<80x128xf32, #tpu.memory_space<vmem>>, vector<1x16xf32>,
    %get3A_952 = vector.shape_cast %get3A_951 : vector<1x16xf32> to vector<16xf32>
    %add3A_953 = arith.addf %add3A_947, %get3A_952 : vector<16xf32>
    %get3A_954 = arith.constant 59 : i32
    %get3A_955 = arith.index_cast %get3A_954 : i32 to index
    %get3A_956 = arith.constant 0 : index
    %get3A_957 = tpu.vector_load %arg6[%get3A_955, %get3A_956] {strides = array<i32>} : memref<80x128xf32, #tpu.memory_space<vmem>>, vector<1x16xf32>,
    %get3A_958 = vector.shape_cast %get3A_957 : vector<1x16xf32> to vector<16xf32>
    %add3A_959 = arith.addf %add3A_953, %get3A_958 : vector<16xf32>
    %mul3A_960 = arith.constant 1.000000e-01 : f32
    %mul3A_961 = vector.broadcast %mul3A_960 : f32 to vector<16xf32>
    %mul3A_962 = arith.mulf %add3A_959, %mul3A_961 : vector<16xf32>
    %swap3A_963 = arith.constant 13 : i32
    %swap3A_964 = arith.index_cast %swap3A_963 : i32 to index
    %swap3A_965 = arith.constant 0 : index
    %swap3A_966 = tpu.vector_load %arg7[%swap3A_964, %swap3A_965] {strides = array<i32>} : memref<32x16xf32, #tpu.memory_space<vmem>>, vector<1x16xf32>,
    %swap3A_967 = vector.shape_cast %swap3A_966 : vector<1x16xf32> to vector<16xf32>
    %swap3A_968 = vector.shape_cast %mul3A_962 : vector<16xf32> to vector<1x16xf32>
    tpu.vector_store %arg7[%swap3A_964, %swap3A_965], %swap3A_968 {strides = array<i32>} : memref<32x16xf32, #tpu.memory_space<vmem>>, vector<1x16xf32>,
    %get3A_969 = arith.constant 60 : i32
    %get3A_970 = arith.index_cast %get3A_969 : i32 to index
    %get3A_971 = arith.constant 0 : index
    %get3A_972 = tpu.vector_load %arg6[%get3A_970, %get3A_971] {strides = array<i32>} : memref<80x128xf32, #tpu.memory_space<vmem>>, vector<1x16xf32>,
    %get3A_973 = vector.shape_cast %get3A_972 : vector<1x16xf32> to vector<16xf32>
    %get3A_974 = arith.constant 61 : i32
    %get3A_975 = arith.index_cast %get3A_974 : i32 to index
    %get3A_976 = arith.constant 0 : index
    %get3A_977 = tpu.vector_load %arg6[%get3A_975, %get3A_976] {strides = array<i32>} : memref<80x128xf32, #tpu.memory_space<vmem>>, vector<1x16xf32>,
    %get3A_978 = vector.shape_cast %get3A_977 : vector<1x16xf32> to vector<16xf32>
    %add3A_979 = arith.addf %get3A_973, %get3A_978 : vector<16xf32>
    %get3A_980 = arith.constant 62 : i32
    %get3A_981 = arith.index_cast %get3A_980 : i32 to index
    %get3A_982 = arith.constant 0 : index
    %get3A_983 = tpu.vector_load %arg6[%get3A_981, %get3A_982] {strides = array<i32>} : memref<80x128xf32, #tpu.memory_space<vmem>>, vector<1x16xf32>,
    %get3A_984 = vector.shape_cast %get3A_983 : vector<1x16xf32> to vector<16xf32>
    %add3A_985 = arith.addf %add3A_979, %get3A_984 : vector<16xf32>
    %get3A_986 = arith.constant 63 : i32
    %get3A_987 = arith.index_cast %get3A_986 : i32 to index
    %get3A_988 = arith.constant 0 : index
    %get3A_989 = tpu.vector_load %arg6[%get3A_987, %get3A_988] {strides = array<i32>} : memref<80x128xf32, #tpu.memory_space<vmem>>, vector<1x16xf32>,
    %get3A_990 = vector.shape_cast %get3A_989 : vector<1x16xf32> to vector<16xf32>
    %add3A_991 = arith.addf %add3A_985, %get3A_990 : vector<16xf32>
    %get3A_992 = arith.constant 64 : i32
    %get3A_993 = arith.index_cast %get3A_992 : i32 to index
    %get3A_994 = arith.constant 0 : index
    %get3A_995 = tpu.vector_load %arg6[%get3A_993, %get3A_994] {strides = array<i32>} : memref<80x128xf32, #tpu.memory_space<vmem>>, vector<1x16xf32>,
    %get3A_996 = vector.shape_cast %get3A_995 : vector<1x16xf32> to vector<16xf32>
    %add3A_997 = arith.addf %add3A_991, %get3A_996 : vector<16xf32>
    %get3A_998 = arith.constant 65 : i32
    %get3A_999 = arith.index_cast %get3A_998 : i32 to index
    %get3A_1000 = arith.constant 0 : index
    %get3A_1001 = tpu.vector_load %arg6[%get3A_999, %get3A_1000] {strides = array<i32>} : memref<80x128xf32, #tpu.memory_space<vmem>>, vector<1x16xf32>,
    %get3A_1002 = vector.shape_cast %get3A_1001 : vector<1x16xf32> to vector<16xf32>
    %add3A_1003 = arith.addf %add3A_997, %get3A_1002 : vector<16xf32>
    %get3A_1004 = arith.constant 66 : i32
    %get3A_1005 = arith.index_cast %get3A_1004 : i32 to index
    %get3A_1006 = arith.constant 0 : index
    %get3A_1007 = tpu.vector_load %arg6[%get3A_1005, %get3A_1006] {strides = array<i32>} : memref<80x128xf32, #tpu.memory_space<vmem>>, vector<1x16xf32>,
    %get3A_1008 = vector.shape_cast %get3A_1007 : vector<1x16xf32> to vector<16xf32>
    %add3A_1009 = arith.addf %add3A_1003, %get3A_1008 : vector<16xf32>
    %get3A_1010 = arith.constant 67 : i32
    %get3A_1011 = arith.index_cast %get3A_1010 : i32 to index
    %get3A_1012 = arith.constant 0 : index
    %get3A_1013 = tpu.vector_load %arg6[%get3A_1011, %get3A_1012] {strides = array<i32>} : memref<80x128xf32, #tpu.memory_space<vmem>>, vector<1x16xf32>,
    %get3A_1014 = vector.shape_cast %get3A_1013 : vector<1x16xf32> to vector<16xf32>
    %add3A_1015 = arith.addf %add3A_1009, %get3A_1014 : vector<16xf32>
    %get3A_1016 = arith.constant 68 : i32
    %get3A_1017 = arith.index_cast %get3A_1016 : i32 to index
    %get3A_1018 = arith.constant 0 : index
    %get3A_1019 = tpu.vector_load %arg6[%get3A_1017, %get3A_1018] {strides = array<i32>} : memref<80x128xf32, #tpu.memory_space<vmem>>, vector<1x16xf32>,
    %get3A_1020 = vector.shape_cast %get3A_1019 : vector<1x16xf32> to vector<16xf32>
    %add3A_1021 = arith.addf %add3A_1015, %get3A_1020 : vector<16xf32>
    %get3A_1022 = arith.constant 69 : i32
    %get3A_1023 = arith.index_cast %get3A_1022 : i32 to index
    %get3A_1024 = arith.constant 0 : index
    %get3A_1025 = tpu.vector_load %arg6[%get3A_1023, %get3A_1024] {strides = array<i32>} : memref<80x128xf32, #tpu.memory_space<vmem>>, vector<1x16xf32>,
    %get3A_1026 = vector.shape_cast %get3A_1025 : vector<1x16xf32> to vector<16xf32>
    %add3A_1027 = arith.addf %add3A_1021, %get3A_1026 : vector<16xf32>
    %mul3A_1028 = arith.constant 1.000000e-01 : f32
    %mul3A_1029 = vector.broadcast %mul3A_1028 : f32 to vector<16xf32>
    %mul3A_1030 = arith.mulf %add3A_1027, %mul3A_1029 : vector<16xf32>
    %swap3A_1031 = arith.constant 14 : i32
    %swap3A_1032 = arith.index_cast %swap3A_1031 : i32 to index
    %swap3A_1033 = arith.constant 0 : index
    %swap3A_1034 = tpu.vector_load %arg7[%swap3A_1032, %swap3A_1033] {strides = array<i32>} : memref<32x16xf32, #tpu.memory_space<vmem>>, vector<1x16xf32>,
    %swap3A_1035 = vector.shape_cast %swap3A_1034 : vector<1x16xf32> to vector<16xf32>
    %swap3A_1036 = vector.shape_cast %mul3A_1030 : vector<16xf32> to vector<1x16xf32>
    tpu.vector_store %arg7[%swap3A_1032, %swap3A_1033], %swap3A_1036 {strides = array<i32>} : memref<32x16xf32, #tpu.memory_space<vmem>>, vector<1x16xf32>,
    %get3A_1037 = arith.constant 70 : i32
    %get3A_1038 = arith.index_cast %get3A_1037 : i32 to index
    %get3A_1039 = arith.constant 0 : index
    %get3A_1040 = tpu.vector_load %arg6[%get3A_1038, %get3A_1039] {strides = array<i32>} : memref<80x128xf32, #tpu.memory_space<vmem>>, vector<1x16xf32>,
    %get3A_1041 = vector.shape_cast %get3A_1040 : vector<1x16xf32> to vector<16xf32>
    %get3A_1042 = arith.constant 71 : i32
    %get3A_1043 = arith.index_cast %get3A_1042 : i32 to index
    %get3A_1044 = arith.constant 0 : index
    %get3A_1045 = tpu.vector_load %arg6[%get3A_1043, %get3A_1044] {strides = array<i32>} : memref<80x128xf32, #tpu.memory_space<vmem>>, vector<1x16xf32>,
    %get3A_1046 = vector.shape_cast %get3A_1045 : vector<1x16xf32> to vector<16xf32>
    %add3A_1047 = arith.addf %get3A_1041, %get3A_1046 : vector<16xf32>
    %get3A_1048 = arith.constant 72 : i32
    %get3A_1049 = arith.index_cast %get3A_1048 : i32 to index
    %get3A_1050 = arith.constant 0 : index
    %get3A_1051 = tpu.vector_load %arg6[%get3A_1049, %get3A_1050] {strides = array<i32>} : memref<80x128xf32, #tpu.memory_space<vmem>>, vector<1x16xf32>,
    %get3A_1052 = vector.shape_cast %get3A_1051 : vector<1x16xf32> to vector<16xf32>
    %add3A_1053 = arith.addf %add3A_1047, %get3A_1052 : vector<16xf32>
    %get3A_1054 = arith.constant 73 : i32
    %get3A_1055 = arith.index_cast %get3A_1054 : i32 to index
    %get3A_1056 = arith.constant 0 : index
    %get3A_1057 = tpu.vector_load %arg6[%get3A_1055, %get3A_1056] {strides = array<i32>} : memref<80x128xf32, #tpu.memory_space<vmem>>, vector<1x16xf32>,
    %get3A_1058 = vector.shape_cast %get3A_1057 : vector<1x16xf32> to vector<16xf32>
    %add3A_1059 = arith.addf %add3A_1053, %get3A_1058 : vector<16xf32>
    %get3A_1060 = arith.constant 74 : i32
    %get3A_1061 = arith.index_cast %get3A_1060 : i32 to index
    %get3A_1062 = arith.constant 0 : index
    %get3A_1063 = tpu.vector_load %arg6[%get3A_1061, %get3A_1062] {strides = array<i32>} : memref<80x128xf32, #tpu.memory_space<vmem>>, vector<1x16xf32>,
    %get3A_1064 = vector.shape_cast %get3A_1063 : vector<1x16xf32> to vector<16xf32>
    %add3A_1065 = arith.addf %add3A_1059, %get3A_1064 : vector<16xf32>
    %get3A_1066 = arith.constant 75 : i32
    %get3A_1067 = arith.index_cast %get3A_1066 : i32 to index
    %get3A_1068 = arith.constant 0 : index
    %get3A_1069 = tpu.vector_load %arg6[%get3A_1067, %get3A_1068] {strides = array<i32>} : memref<80x128xf32, #tpu.memory_space<vmem>>, vector<1x16xf32>,
    %get3A_1070 = vector.shape_cast %get3A_1069 : vector<1x16xf32> to vector<16xf32>
    %add3A_1071 = arith.addf %add3A_1065, %get3A_1070 : vector<16xf32>
    %get3A_1072 = arith.constant 76 : i32
    %get3A_1073 = arith.index_cast %get3A_1072 : i32 to index
    %get3A_1074 = arith.constant 0 : index
    %get3A_1075 = tpu.vector_load %arg6[%get3A_1073, %get3A_1074] {strides = array<i32>} : memref<80x128xf32, #tpu.memory_space<vmem>>, vector<1x16xf32>,
    %get3A_1076 = vector.shape_cast %get3A_1075 : vector<1x16xf32> to vector<16xf32>
    %add3A_1077 = arith.addf %add3A_1071, %get3A_1076 : vector<16xf32>
    %get3A_1078 = arith.constant 77 : i32
    %get3A_1079 = arith.index_cast %get3A_1078 : i32 to index
    %get3A_1080 = arith.constant 0 : index
    %get3A_1081 = tpu.vector_load %arg6[%get3A_1079, %get3A_1080] {strides = array<i32>} : memref<80x128xf32, #tpu.memory_space<vmem>>, vector<1x16xf32>,
    %get3A_1082 = vector.shape_cast %get3A_1081 : vector<1x16xf32> to vector<16xf32>
    %add3A_1083 = arith.addf %add3A_1077, %get3A_1082 : vector<16xf32>
    %get3A_1084 = arith.constant 78 : i32
    %get3A_1085 = arith.index_cast %get3A_1084 : i32 to index
    %get3A_1086 = arith.constant 0 : index
    %get3A_1087 = tpu.vector_load %arg6[%get3A_1085, %get3A_1086] {strides = array<i32>} : memref<80x128xf32, #tpu.memory_space<vmem>>, vector<1x16xf32>,
    %get3A_1088 = vector.shape_cast %get3A_1087 : vector<1x16xf32> to vector<16xf32>
    %add3A_1089 = arith.addf %add3A_1083, %get3A_1088 : vector<16xf32>
    %get3A_1090 = arith.constant 79 : i32
    %get3A_1091 = arith.index_cast %get3A_1090 : i32 to index
    %get3A_1092 = arith.constant 0 : index
    %get3A_1093 = tpu.vector_load %arg6[%get3A_1091, %get3A_1092] {strides = array<i32>} : memref<80x128xf32, #tpu.memory_space<vmem>>, vector<1x16xf32>,
    %get3A_1094 = vector.shape_cast %get3A_1093 : vector<1x16xf32> to vector<16xf32>
    %add3A_1095 = arith.addf %add3A_1089, %get3A_1094 : vector<16xf32>
    %mul3A_1096 = arith.constant 1.000000e-01 : f32
    %mul3A_1097 = vector.broadcast %mul3A_1096 : f32 to vector<16xf32>
    %mul3A_1098 = arith.mulf %add3A_1095, %mul3A_1097 : vector<16xf32>
    %swap3A_1099 = arith.constant 15 : i32
    %swap3A_1100 = arith.index_cast %swap3A_1099 : i32 to index
    %swap3A_1101 = arith.constant 0 : index
    %swap3A_1102 = tpu.vector_load %arg7[%swap3A_1100, %swap3A_1101] {strides = array<i32>} : memref<32x16xf32, #tpu.memory_space<vmem>>, vector<1x16xf32>,
    %swap3A_1103 = vector.shape_cast %swap3A_1102 : vector<1x16xf32> to vector<16xf32>
    %swap3A_1104 = vector.shape_cast %mul3A_1098 : vector<16xf32> to vector<1x16xf32>
    tpu.vector_store %arg7[%swap3A_1100, %swap3A_1101], %swap3A_1104 {strides = array<i32>} : memref<32x16xf32, #tpu.memory_space<vmem>>, vector<1x16xf32>,
    %add3A_1105 = arith.constant 160 : i32
    %add3A_1106 = arith.addi %mul3A_4, %add3A_1105 : i32
    "tpu.region"() ({
      %run_scoped3A = tpu.sem_alloc : memref<!tpu.dma_semaphore, #tpu.memory_space<semaphore_mem>>
      %dma_start3A_2211 = tpu.memref_slice %arg3[%add3A_1106] : memref<10240xi32, #tpu.memory_space<hbm>> -> memref<80xi32, #tpu.memory_space<hbm>>
      %dma_start3A_2212 = tpu.memref_slice %arg3[%add3A_1106] : memref<10240xi32, #tpu.memory_space<hbm>> -> memref<80xi32, #tpu.memory_space<hbm>>
      tpu.enqueue_dma source(%dma_start3A_2212 : memref<80xi32, #tpu.memory_space<hbm>>) target(%arg5 : memref<80xi32, #tpu.memory_space<vmem>>) target_semaphore(%run_scoped3A : memref<!tpu.dma_semaphore, #tpu.memory_space<semaphore_mem>>)
      %dma_wait3A_2213 = tpu.memref_slice %arg3[%add3A_1106] : memref<10240xi32, #tpu.memory_space<hbm>> -> memref<80xi32, #tpu.memory_space<hbm>>
      %dma_wait3A_2214 = tpu.memref_slice %arg3[%add3A_1106] : memref<10240xi32, #tpu.memory_space<hbm>> -> memref<80xi32, #tpu.memory_space<hbm>>
      tpu.wait_dma2 semaphore(%run_scoped3A : memref<!tpu.dma_semaphore, #tpu.memory_space<semaphore_mem>>) src(%dma_wait3A_2214 : memref<80xi32, #tpu.memory_space<hbm>>) dst(%arg5 : memref<80xi32, #tpu.memory_space<vmem>>)
      tpu.yield
    }) : () -> ()
    %dma_start3A_1107 = arith.constant 0 : i32
    %dma_start3A_1108 = arith.constant 0 : i32
    %dma_start3A_1109 = tpu.memref_slice %arg2[%dma_start3A_1107, %dma_start3A_1108] : memref<102400x128xf32, #tpu.memory_space<hbm>> -> memref<102400x128xf32, #tpu.memory_space<hbm>>
    tpu.enqueue_indirect_dma source(%dma_start3A_1109 : memref<102400x128xf32, #tpu.memory_space<hbm>>) target(%arg6 : memref<80x128xf32, #tpu.memory_space<vmem>>) offsets(%arg5 : memref<80xi32, #tpu.memory_space<vmem>>) semaphore(%arg8 : memref<!tpu.dma_semaphore, #tpu.memory_space<semaphore_mem>>)
    %dma_wait3A_1110 = arith.constant 0 : i32
    %dma_wait3A_1111 = arith.constant 0 : i32
    %dma_wait3A_1112 = tpu.memref_slice %arg2[%dma_wait3A_1110, %dma_wait3A_1111] : memref<102400x128xf32, #tpu.memory_space<hbm>> -> memref<102400x128xf32, #tpu.memory_space<hbm>>
    tpu.wait_indirect_dma semaphore(%arg8 : memref<!tpu.dma_semaphore, #tpu.memory_space<semaphore_mem>>) src(%dma_wait3A_1112 : memref<102400x128xf32, #tpu.memory_space<hbm>>) dst(%arg6 : memref<80x128xf32, #tpu.memory_space<vmem>>)
    %get3A_1113 = arith.constant 0 : i32
    %get3A_1114 = arith.index_cast %get3A_1113 : i32 to index
    %get3A_1115 = arith.constant 0 : index
    %get3A_1116 = tpu.vector_load %arg6[%get3A_1114, %get3A_1115] {strides = array<i32>} : memref<80x128xf32, #tpu.memory_space<vmem>>, vector<1x16xf32>,
    %get3A_1117 = vector.shape_cast %get3A_1116 : vector<1x16xf32> to vector<16xf32>
    %get3A_1118 = arith.constant 1 : i32
    %get3A_1119 = arith.index_cast %get3A_1118 : i32 to index
    %get3A_1120 = arith.constant 0 : index
    %get3A_1121 = tpu.vector_load %arg6[%get3A_1119, %get3A_1120] {strides = array<i32>} : memref<80x128xf32, #tpu.memory_space<vmem>>, vector<1x16xf32>,
    %get3A_1122 = vector.shape_cast %get3A_1121 : vector<1x16xf32> to vector<16xf32>
    %add3A_1123 = arith.addf %get3A_1117, %get3A_1122 : vector<16xf32>
    %get3A_1124 = arith.constant 2 : i32
    %get3A_1125 = arith.index_cast %get3A_1124 : i32 to index
    %get3A_1126 = arith.constant 0 : index
    %get3A_1127 = tpu.vector_load %arg6[%get3A_1125, %get3A_1126] {strides = array<i32>} : memref<80x128xf32, #tpu.memory_space<vmem>>, vector<1x16xf32>,
    %get3A_1128 = vector.shape_cast %get3A_1127 : vector<1x16xf32> to vector<16xf32>
    %add3A_1129 = arith.addf %add3A_1123, %get3A_1128 : vector<16xf32>
    %get3A_1130 = arith.constant 3 : i32
    %get3A_1131 = arith.index_cast %get3A_1130 : i32 to index
    %get3A_1132 = arith.constant 0 : index
    %get3A_1133 = tpu.vector_load %arg6[%get3A_1131, %get3A_1132] {strides = array<i32>} : memref<80x128xf32, #tpu.memory_space<vmem>>, vector<1x16xf32>,
    %get3A_1134 = vector.shape_cast %get3A_1133 : vector<1x16xf32> to vector<16xf32>
    %add3A_1135 = arith.addf %add3A_1129, %get3A_1134 : vector<16xf32>
    %get3A_1136 = arith.constant 4 : i32
    %get3A_1137 = arith.index_cast %get3A_1136 : i32 to index
    %get3A_1138 = arith.constant 0 : index
    %get3A_1139 = tpu.vector_load %arg6[%get3A_1137, %get3A_1138] {strides = array<i32>} : memref<80x128xf32, #tpu.memory_space<vmem>>, vector<1x16xf32>,
    %get3A_1140 = vector.shape_cast %get3A_1139 : vector<1x16xf32> to vector<16xf32>
    %add3A_1141 = arith.addf %add3A_1135, %get3A_1140 : vector<16xf32>
    %get3A_1142 = arith.constant 5 : i32
    %get3A_1143 = arith.index_cast %get3A_1142 : i32 to index
    %get3A_1144 = arith.constant 0 : index
    %get3A_1145 = tpu.vector_load %arg6[%get3A_1143, %get3A_1144] {strides = array<i32>} : memref<80x128xf32, #tpu.memory_space<vmem>>, vector<1x16xf32>,
    %get3A_1146 = vector.shape_cast %get3A_1145 : vector<1x16xf32> to vector<16xf32>
    %add3A_1147 = arith.addf %add3A_1141, %get3A_1146 : vector<16xf32>
    %get3A_1148 = arith.constant 6 : i32
    %get3A_1149 = arith.index_cast %get3A_1148 : i32 to index
    %get3A_1150 = arith.constant 0 : index
    %get3A_1151 = tpu.vector_load %arg6[%get3A_1149, %get3A_1150] {strides = array<i32>} : memref<80x128xf32, #tpu.memory_space<vmem>>, vector<1x16xf32>,
    %get3A_1152 = vector.shape_cast %get3A_1151 : vector<1x16xf32> to vector<16xf32>
    %add3A_1153 = arith.addf %add3A_1147, %get3A_1152 : vector<16xf32>
    %get3A_1154 = arith.constant 7 : i32
    %get3A_1155 = arith.index_cast %get3A_1154 : i32 to index
    %get3A_1156 = arith.constant 0 : index
    %get3A_1157 = tpu.vector_load %arg6[%get3A_1155, %get3A_1156] {strides = array<i32>} : memref<80x128xf32, #tpu.memory_space<vmem>>, vector<1x16xf32>,
    %get3A_1158 = vector.shape_cast %get3A_1157 : vector<1x16xf32> to vector<16xf32>
    %add3A_1159 = arith.addf %add3A_1153, %get3A_1158 : vector<16xf32>
    %get3A_1160 = arith.constant 8 : i32
    %get3A_1161 = arith.index_cast %get3A_1160 : i32 to index
    %get3A_1162 = arith.constant 0 : index
    %get3A_1163 = tpu.vector_load %arg6[%get3A_1161, %get3A_1162] {strides = array<i32>} : memref<80x128xf32, #tpu.memory_space<vmem>>, vector<1x16xf32>,
    %get3A_1164 = vector.shape_cast %get3A_1163 : vector<1x16xf32> to vector<16xf32>
    %add3A_1165 = arith.addf %add3A_1159, %get3A_1164 : vector<16xf32>
    %get3A_1166 = arith.constant 9 : i32
    %get3A_1167 = arith.index_cast %get3A_1166 : i32 to index
    %get3A_1168 = arith.constant 0 : index
    %get3A_1169 = tpu.vector_load %arg6[%get3A_1167, %get3A_1168] {strides = array<i32>} : memref<80x128xf32, #tpu.memory_space<vmem>>, vector<1x16xf32>,
    %get3A_1170 = vector.shape_cast %get3A_1169 : vector<1x16xf32> to vector<16xf32>
    %add3A_1171 = arith.addf %add3A_1165, %get3A_1170 : vector<16xf32>
    %mul3A_1172 = arith.constant 1.000000e-01 : f32
    %mul3A_1173 = vector.broadcast %mul3A_1172 : f32 to vector<16xf32>
    %mul3A_1174 = arith.mulf %add3A_1171, %mul3A_1173 : vector<16xf32>
    %swap3A_1175 = arith.constant 16 : i32
    %swap3A_1176 = arith.index_cast %swap3A_1175 : i32 to index
    %swap3A_1177 = arith.constant 0 : index
    %swap3A_1178 = tpu.vector_load %arg7[%swap3A_1176, %swap3A_1177] {strides = array<i32>} : memref<32x16xf32, #tpu.memory_space<vmem>>, vector<1x16xf32>,
    %swap3A_1179 = vector.shape_cast %swap3A_1178 : vector<1x16xf32> to vector<16xf32>
    %swap3A_1180 = vector.shape_cast %mul3A_1174 : vector<16xf32> to vector<1x16xf32>
    tpu.vector_store %arg7[%swap3A_1176, %swap3A_1177], %swap3A_1180 {strides = array<i32>} : memref<32x16xf32, #tpu.memory_space<vmem>>, vector<1x16xf32>,
    %get3A_1181 = arith.constant 10 : i32
    %get3A_1182 = arith.index_cast %get3A_1181 : i32 to index
    %get3A_1183 = arith.constant 0 : index
    %get3A_1184 = tpu.vector_load %arg6[%get3A_1182, %get3A_1183] {strides = array<i32>} : memref<80x128xf32, #tpu.memory_space<vmem>>, vector<1x16xf32>,
    %get3A_1185 = vector.shape_cast %get3A_1184 : vector<1x16xf32> to vector<16xf32>
    %get3A_1186 = arith.constant 11 : i32
    %get3A_1187 = arith.index_cast %get3A_1186 : i32 to index
    %get3A_1188 = arith.constant 0 : index
    %get3A_1189 = tpu.vector_load %arg6[%get3A_1187, %get3A_1188] {strides = array<i32>} : memref<80x128xf32, #tpu.memory_space<vmem>>, vector<1x16xf32>,
    %get3A_1190 = vector.shape_cast %get3A_1189 : vector<1x16xf32> to vector<16xf32>
    %add3A_1191 = arith.addf %get3A_1185, %get3A_1190 : vector<16xf32>
    %get3A_1192 = arith.constant 12 : i32
    %get3A_1193 = arith.index_cast %get3A_1192 : i32 to index
    %get3A_1194 = arith.constant 0 : index
    %get3A_1195 = tpu.vector_load %arg6[%get3A_1193, %get3A_1194] {strides = array<i32>} : memref<80x128xf32, #tpu.memory_space<vmem>>, vector<1x16xf32>,
    %get3A_1196 = vector.shape_cast %get3A_1195 : vector<1x16xf32> to vector<16xf32>
    %add3A_1197 = arith.addf %add3A_1191, %get3A_1196 : vector<16xf32>
    %get3A_1198 = arith.constant 13 : i32
    %get3A_1199 = arith.index_cast %get3A_1198 : i32 to index
    %get3A_1200 = arith.constant 0 : index
    %get3A_1201 = tpu.vector_load %arg6[%get3A_1199, %get3A_1200] {strides = array<i32>} : memref<80x128xf32, #tpu.memory_space<vmem>>, vector<1x16xf32>,
    %get3A_1202 = vector.shape_cast %get3A_1201 : vector<1x16xf32> to vector<16xf32>
    %add3A_1203 = arith.addf %add3A_1197, %get3A_1202 : vector<16xf32>
    %get3A_1204 = arith.constant 14 : i32
    %get3A_1205 = arith.index_cast %get3A_1204 : i32 to index
    %get3A_1206 = arith.constant 0 : index
    %get3A_1207 = tpu.vector_load %arg6[%get3A_1205, %get3A_1206] {strides = array<i32>} : memref<80x128xf32, #tpu.memory_space<vmem>>, vector<1x16xf32>,
    %get3A_1208 = vector.shape_cast %get3A_1207 : vector<1x16xf32> to vector<16xf32>
    %add3A_1209 = arith.addf %add3A_1203, %get3A_1208 : vector<16xf32>
    %get3A_1210 = arith.constant 15 : i32
    %get3A_1211 = arith.index_cast %get3A_1210 : i32 to index
    %get3A_1212 = arith.constant 0 : index
    %get3A_1213 = tpu.vector_load %arg6[%get3A_1211, %get3A_1212] {strides = array<i32>} : memref<80x128xf32, #tpu.memory_space<vmem>>, vector<1x16xf32>,
    %get3A_1214 = vector.shape_cast %get3A_1213 : vector<1x16xf32> to vector<16xf32>
    %add3A_1215 = arith.addf %add3A_1209, %get3A_1214 : vector<16xf32>
    %get3A_1216 = arith.constant 16 : i32
    %get3A_1217 = arith.index_cast %get3A_1216 : i32 to index
    %get3A_1218 = arith.constant 0 : index
    %get3A_1219 = tpu.vector_load %arg6[%get3A_1217, %get3A_1218] {strides = array<i32>} : memref<80x128xf32, #tpu.memory_space<vmem>>, vector<1x16xf32>,
    %get3A_1220 = vector.shape_cast %get3A_1219 : vector<1x16xf32> to vector<16xf32>
    %add3A_1221 = arith.addf %add3A_1215, %get3A_1220 : vector<16xf32>
    %get3A_1222 = arith.constant 17 : i32
    %get3A_1223 = arith.index_cast %get3A_1222 : i32 to index
    %get3A_1224 = arith.constant 0 : index
    %get3A_1225 = tpu.vector_load %arg6[%get3A_1223, %get3A_1224] {strides = array<i32>} : memref<80x128xf32, #tpu.memory_space<vmem>>, vector<1x16xf32>,
    %get3A_1226 = vector.shape_cast %get3A_1225 : vector<1x16xf32> to vector<16xf32>
    %add3A_1227 = arith.addf %add3A_1221, %get3A_1226 : vector<16xf32>
    %get3A_1228 = arith.constant 18 : i32
    %get3A_1229 = arith.index_cast %get3A_1228 : i32 to index
    %get3A_1230 = arith.constant 0 : index
    %get3A_1231 = tpu.vector_load %arg6[%get3A_1229, %get3A_1230] {strides = array<i32>} : memref<80x128xf32, #tpu.memory_space<vmem>>, vector<1x16xf32>,
    %get3A_1232 = vector.shape_cast %get3A_1231 : vector<1x16xf32> to vector<16xf32>
    %add3A_1233 = arith.addf %add3A_1227, %get3A_1232 : vector<16xf32>
    %get3A_1234 = arith.constant 19 : i32
    %get3A_1235 = arith.index_cast %get3A_1234 : i32 to index
    %get3A_1236 = arith.constant 0 : index
    %get3A_1237 = tpu.vector_load %arg6[%get3A_1235, %get3A_1236] {strides = array<i32>} : memref<80x128xf32, #tpu.memory_space<vmem>>, vector<1x16xf32>,
    %get3A_1238 = vector.shape_cast %get3A_1237 : vector<1x16xf32> to vector<16xf32>
    %add3A_1239 = arith.addf %add3A_1233, %get3A_1238 : vector<16xf32>
    %mul3A_1240 = arith.constant 1.000000e-01 : f32
    %mul3A_1241 = vector.broadcast %mul3A_1240 : f32 to vector<16xf32>
    %mul3A_1242 = arith.mulf %add3A_1239, %mul3A_1241 : vector<16xf32>
    %swap3A_1243 = arith.constant 17 : i32
    %swap3A_1244 = arith.index_cast %swap3A_1243 : i32 to index
    %swap3A_1245 = arith.constant 0 : index
    %swap3A_1246 = tpu.vector_load %arg7[%swap3A_1244, %swap3A_1245] {strides = array<i32>} : memref<32x16xf32, #tpu.memory_space<vmem>>, vector<1x16xf32>,
    %swap3A_1247 = vector.shape_cast %swap3A_1246 : vector<1x16xf32> to vector<16xf32>
    %swap3A_1248 = vector.shape_cast %mul3A_1242 : vector<16xf32> to vector<1x16xf32>
    tpu.vector_store %arg7[%swap3A_1244, %swap3A_1245], %swap3A_1248 {strides = array<i32>} : memref<32x16xf32, #tpu.memory_space<vmem>>, vector<1x16xf32>,
    %get3A_1249 = arith.constant 20 : i32
    %get3A_1250 = arith.index_cast %get3A_1249 : i32 to index
    %get3A_1251 = arith.constant 0 : index
    %get3A_1252 = tpu.vector_load %arg6[%get3A_1250, %get3A_1251] {strides = array<i32>} : memref<80x128xf32, #tpu.memory_space<vmem>>, vector<1x16xf32>,
    %get3A_1253 = vector.shape_cast %get3A_1252 : vector<1x16xf32> to vector<16xf32>
    %get3A_1254 = arith.constant 21 : i32
    %get3A_1255 = arith.index_cast %get3A_1254 : i32 to index
    %get3A_1256 = arith.constant 0 : index
    %get3A_1257 = tpu.vector_load %arg6[%get3A_1255, %get3A_1256] {strides = array<i32>} : memref<80x128xf32, #tpu.memory_space<vmem>>, vector<1x16xf32>,
    %get3A_1258 = vector.shape_cast %get3A_1257 : vector<1x16xf32> to vector<16xf32>
    %add3A_1259 = arith.addf %get3A_1253, %get3A_1258 : vector<16xf32>
    %get3A_1260 = arith.constant 22 : i32
    %get3A_1261 = arith.index_cast %get3A_1260 : i32 to index
    %get3A_1262 = arith.constant 0 : index
    %get3A_1263 = tpu.vector_load %arg6[%get3A_1261, %get3A_1262] {strides = array<i32>} : memref<80x128xf32, #tpu.memory_space<vmem>>, vector<1x16xf32>,
    %get3A_1264 = vector.shape_cast %get3A_1263 : vector<1x16xf32> to vector<16xf32>
    %add3A_1265 = arith.addf %add3A_1259, %get3A_1264 : vector<16xf32>
    %get3A_1266 = arith.constant 23 : i32
    %get3A_1267 = arith.index_cast %get3A_1266 : i32 to index
    %get3A_1268 = arith.constant 0 : index
    %get3A_1269 = tpu.vector_load %arg6[%get3A_1267, %get3A_1268] {strides = array<i32>} : memref<80x128xf32, #tpu.memory_space<vmem>>, vector<1x16xf32>,
    %get3A_1270 = vector.shape_cast %get3A_1269 : vector<1x16xf32> to vector<16xf32>
    %add3A_1271 = arith.addf %add3A_1265, %get3A_1270 : vector<16xf32>
    %get3A_1272 = arith.constant 24 : i32
    %get3A_1273 = arith.index_cast %get3A_1272 : i32 to index
    %get3A_1274 = arith.constant 0 : index
    %get3A_1275 = tpu.vector_load %arg6[%get3A_1273, %get3A_1274] {strides = array<i32>} : memref<80x128xf32, #tpu.memory_space<vmem>>, vector<1x16xf32>,
    %get3A_1276 = vector.shape_cast %get3A_1275 : vector<1x16xf32> to vector<16xf32>
    %add3A_1277 = arith.addf %add3A_1271, %get3A_1276 : vector<16xf32>
    %get3A_1278 = arith.constant 25 : i32
    %get3A_1279 = arith.index_cast %get3A_1278 : i32 to index
    %get3A_1280 = arith.constant 0 : index
    %get3A_1281 = tpu.vector_load %arg6[%get3A_1279, %get3A_1280] {strides = array<i32>} : memref<80x128xf32, #tpu.memory_space<vmem>>, vector<1x16xf32>,
    %get3A_1282 = vector.shape_cast %get3A_1281 : vector<1x16xf32> to vector<16xf32>
    %add3A_1283 = arith.addf %add3A_1277, %get3A_1282 : vector<16xf32>
    %get3A_1284 = arith.constant 26 : i32
    %get3A_1285 = arith.index_cast %get3A_1284 : i32 to index
    %get3A_1286 = arith.constant 0 : index
    %get3A_1287 = tpu.vector_load %arg6[%get3A_1285, %get3A_1286] {strides = array<i32>} : memref<80x128xf32, #tpu.memory_space<vmem>>, vector<1x16xf32>,
    %get3A_1288 = vector.shape_cast %get3A_1287 : vector<1x16xf32> to vector<16xf32>
    %add3A_1289 = arith.addf %add3A_1283, %get3A_1288 : vector<16xf32>
    %get3A_1290 = arith.constant 27 : i32
    %get3A_1291 = arith.index_cast %get3A_1290 : i32 to index
    %get3A_1292 = arith.constant 0 : index
    %get3A_1293 = tpu.vector_load %arg6[%get3A_1291, %get3A_1292] {strides = array<i32>} : memref<80x128xf32, #tpu.memory_space<vmem>>, vector<1x16xf32>,
    %get3A_1294 = vector.shape_cast %get3A_1293 : vector<1x16xf32> to vector<16xf32>
    %add3A_1295 = arith.addf %add3A_1289, %get3A_1294 : vector<16xf32>
    %get3A_1296 = arith.constant 28 : i32
    %get3A_1297 = arith.index_cast %get3A_1296 : i32 to index
    %get3A_1298 = arith.constant 0 : index
    %get3A_1299 = tpu.vector_load %arg6[%get3A_1297, %get3A_1298] {strides = array<i32>} : memref<80x128xf32, #tpu.memory_space<vmem>>, vector<1x16xf32>,
    %get3A_1300 = vector.shape_cast %get3A_1299 : vector<1x16xf32> to vector<16xf32>
    %add3A_1301 = arith.addf %add3A_1295, %get3A_1300 : vector<16xf32>
    %get3A_1302 = arith.constant 29 : i32
    %get3A_1303 = arith.index_cast %get3A_1302 : i32 to index
    %get3A_1304 = arith.constant 0 : index
    %get3A_1305 = tpu.vector_load %arg6[%get3A_1303, %get3A_1304] {strides = array<i32>} : memref<80x128xf32, #tpu.memory_space<vmem>>, vector<1x16xf32>,
    %get3A_1306 = vector.shape_cast %get3A_1305 : vector<1x16xf32> to vector<16xf32>
    %add3A_1307 = arith.addf %add3A_1301, %get3A_1306 : vector<16xf32>
    %mul3A_1308 = arith.constant 1.000000e-01 : f32
    %mul3A_1309 = vector.broadcast %mul3A_1308 : f32 to vector<16xf32>
    %mul3A_1310 = arith.mulf %add3A_1307, %mul3A_1309 : vector<16xf32>
    %swap3A_1311 = arith.constant 18 : i32
    %swap3A_1312 = arith.index_cast %swap3A_1311 : i32 to index
    %swap3A_1313 = arith.constant 0 : index
    %swap3A_1314 = tpu.vector_load %arg7[%swap3A_1312, %swap3A_1313] {strides = array<i32>} : memref<32x16xf32, #tpu.memory_space<vmem>>, vector<1x16xf32>,
    %swap3A_1315 = vector.shape_cast %swap3A_1314 : vector<1x16xf32> to vector<16xf32>
    %swap3A_1316 = vector.shape_cast %mul3A_1310 : vector<16xf32> to vector<1x16xf32>
    tpu.vector_store %arg7[%swap3A_1312, %swap3A_1313], %swap3A_1316 {strides = array<i32>} : memref<32x16xf32, #tpu.memory_space<vmem>>, vector<1x16xf32>,
    %get3A_1317 = arith.constant 30 : i32
    %get3A_1318 = arith.index_cast %get3A_1317 : i32 to index
    %get3A_1319 = arith.constant 0 : index
    %get3A_1320 = tpu.vector_load %arg6[%get3A_1318, %get3A_1319] {strides = array<i32>} : memref<80x128xf32, #tpu.memory_space<vmem>>, vector<1x16xf32>,
    %get3A_1321 = vector.shape_cast %get3A_1320 : vector<1x16xf32> to vector<16xf32>
    %get3A_1322 = arith.constant 31 : i32
    %get3A_1323 = arith.index_cast %get3A_1322 : i32 to index
    %get3A_1324 = arith.constant 0 : index
    %get3A_1325 = tpu.vector_load %arg6[%get3A_1323, %get3A_1324] {strides = array<i32>} : memref<80x128xf32, #tpu.memory_space<vmem>>, vector<1x16xf32>,
    %get3A_1326 = vector.shape_cast %get3A_1325 : vector<1x16xf32> to vector<16xf32>
    %add3A_1327 = arith.addf %get3A_1321, %get3A_1326 : vector<16xf32>
    %get3A_1328 = arith.constant 32 : i32
    %get3A_1329 = arith.index_cast %get3A_1328 : i32 to index
    %get3A_1330 = arith.constant 0 : index
    %get3A_1331 = tpu.vector_load %arg6[%get3A_1329, %get3A_1330] {strides = array<i32>} : memref<80x128xf32, #tpu.memory_space<vmem>>, vector<1x16xf32>,
    %get3A_1332 = vector.shape_cast %get3A_1331 : vector<1x16xf32> to vector<16xf32>
    %add3A_1333 = arith.addf %add3A_1327, %get3A_1332 : vector<16xf32>
    %get3A_1334 = arith.constant 33 : i32
    %get3A_1335 = arith.index_cast %get3A_1334 : i32 to index
    %get3A_1336 = arith.constant 0 : index
    %get3A_1337 = tpu.vector_load %arg6[%get3A_1335, %get3A_1336] {strides = array<i32>} : memref<80x128xf32, #tpu.memory_space<vmem>>, vector<1x16xf32>,
    %get3A_1338 = vector.shape_cast %get3A_1337 : vector<1x16xf32> to vector<16xf32>
    %add3A_1339 = arith.addf %add3A_1333, %get3A_1338 : vector<16xf32>
    %get3A_1340 = arith.constant 34 : i32
    %get3A_1341 = arith.index_cast %get3A_1340 : i32 to index
    %get3A_1342 = arith.constant 0 : index
    %get3A_1343 = tpu.vector_load %arg6[%get3A_1341, %get3A_1342] {strides = array<i32>} : memref<80x128xf32, #tpu.memory_space<vmem>>, vector<1x16xf32>,
    %get3A_1344 = vector.shape_cast %get3A_1343 : vector<1x16xf32> to vector<16xf32>
    %add3A_1345 = arith.addf %add3A_1339, %get3A_1344 : vector<16xf32>
    %get3A_1346 = arith.constant 35 : i32
    %get3A_1347 = arith.index_cast %get3A_1346 : i32 to index
    %get3A_1348 = arith.constant 0 : index
    %get3A_1349 = tpu.vector_load %arg6[%get3A_1347, %get3A_1348] {strides = array<i32>} : memref<80x128xf32, #tpu.memory_space<vmem>>, vector<1x16xf32>,
    %get3A_1350 = vector.shape_cast %get3A_1349 : vector<1x16xf32> to vector<16xf32>
    %add3A_1351 = arith.addf %add3A_1345, %get3A_1350 : vector<16xf32>
    %get3A_1352 = arith.constant 36 : i32
    %get3A_1353 = arith.index_cast %get3A_1352 : i32 to index
    %get3A_1354 = arith.constant 0 : index
    %get3A_1355 = tpu.vector_load %arg6[%get3A_1353, %get3A_1354] {strides = array<i32>} : memref<80x128xf32, #tpu.memory_space<vmem>>, vector<1x16xf32>,
    %get3A_1356 = vector.shape_cast %get3A_1355 : vector<1x16xf32> to vector<16xf32>
    %add3A_1357 = arith.addf %add3A_1351, %get3A_1356 : vector<16xf32>
    %get3A_1358 = arith.constant 37 : i32
    %get3A_1359 = arith.index_cast %get3A_1358 : i32 to index
    %get3A_1360 = arith.constant 0 : index
    %get3A_1361 = tpu.vector_load %arg6[%get3A_1359, %get3A_1360] {strides = array<i32>} : memref<80x128xf32, #tpu.memory_space<vmem>>, vector<1x16xf32>,
    %get3A_1362 = vector.shape_cast %get3A_1361 : vector<1x16xf32> to vector<16xf32>
    %add3A_1363 = arith.addf %add3A_1357, %get3A_1362 : vector<16xf32>
    %get3A_1364 = arith.constant 38 : i32
    %get3A_1365 = arith.index_cast %get3A_1364 : i32 to index
    %get3A_1366 = arith.constant 0 : index
    %get3A_1367 = tpu.vector_load %arg6[%get3A_1365, %get3A_1366] {strides = array<i32>} : memref<80x128xf32, #tpu.memory_space<vmem>>, vector<1x16xf32>,
    %get3A_1368 = vector.shape_cast %get3A_1367 : vector<1x16xf32> to vector<16xf32>
    %add3A_1369 = arith.addf %add3A_1363, %get3A_1368 : vector<16xf32>
    %get3A_1370 = arith.constant 39 : i32
    %get3A_1371 = arith.index_cast %get3A_1370 : i32 to index
    %get3A_1372 = arith.constant 0 : index
    %get3A_1373 = tpu.vector_load %arg6[%get3A_1371, %get3A_1372] {strides = array<i32>} : memref<80x128xf32, #tpu.memory_space<vmem>>, vector<1x16xf32>,
    %get3A_1374 = vector.shape_cast %get3A_1373 : vector<1x16xf32> to vector<16xf32>
    %add3A_1375 = arith.addf %add3A_1369, %get3A_1374 : vector<16xf32>
    %mul3A_1376 = arith.constant 1.000000e-01 : f32
    %mul3A_1377 = vector.broadcast %mul3A_1376 : f32 to vector<16xf32>
    %mul3A_1378 = arith.mulf %add3A_1375, %mul3A_1377 : vector<16xf32>
    %swap3A_1379 = arith.constant 19 : i32
    %swap3A_1380 = arith.index_cast %swap3A_1379 : i32 to index
    %swap3A_1381 = arith.constant 0 : index
    %swap3A_1382 = tpu.vector_load %arg7[%swap3A_1380, %swap3A_1381] {strides = array<i32>} : memref<32x16xf32, #tpu.memory_space<vmem>>, vector<1x16xf32>,
    %swap3A_1383 = vector.shape_cast %swap3A_1382 : vector<1x16xf32> to vector<16xf32>
    %swap3A_1384 = vector.shape_cast %mul3A_1378 : vector<16xf32> to vector<1x16xf32>
    tpu.vector_store %arg7[%swap3A_1380, %swap3A_1381], %swap3A_1384 {strides = array<i32>} : memref<32x16xf32, #tpu.memory_space<vmem>>, vector<1x16xf32>,
    %get3A_1385 = arith.constant 40 : i32
    %get3A_1386 = arith.index_cast %get3A_1385 : i32 to index
    %get3A_1387 = arith.constant 0 : index
    %get3A_1388 = tpu.vector_load %arg6[%get3A_1386, %get3A_1387] {strides = array<i32>} : memref<80x128xf32, #tpu.memory_space<vmem>>, vector<1x16xf32>,
    %get3A_1389 = vector.shape_cast %get3A_1388 : vector<1x16xf32> to vector<16xf32>
    %get3A_1390 = arith.constant 41 : i32
    %get3A_1391 = arith.index_cast %get3A_1390 : i32 to index
    %get3A_1392 = arith.constant 0 : index
    %get3A_1393 = tpu.vector_load %arg6[%get3A_1391, %get3A_1392] {strides = array<i32>} : memref<80x128xf32, #tpu.memory_space<vmem>>, vector<1x16xf32>,
    %get3A_1394 = vector.shape_cast %get3A_1393 : vector<1x16xf32> to vector<16xf32>
    %add3A_1395 = arith.addf %get3A_1389, %get3A_1394 : vector<16xf32>
    %get3A_1396 = arith.constant 42 : i32
    %get3A_1397 = arith.index_cast %get3A_1396 : i32 to index
    %get3A_1398 = arith.constant 0 : index
    %get3A_1399 = tpu.vector_load %arg6[%get3A_1397, %get3A_1398] {strides = array<i32>} : memref<80x128xf32, #tpu.memory_space<vmem>>, vector<1x16xf32>,
    %get3A_1400 = vector.shape_cast %get3A_1399 : vector<1x16xf32> to vector<16xf32>
    %add3A_1401 = arith.addf %add3A_1395, %get3A_1400 : vector<16xf32>
    %get3A_1402 = arith.constant 43 : i32
    %get3A_1403 = arith.index_cast %get3A_1402 : i32 to index
    %get3A_1404 = arith.constant 0 : index
    %get3A_1405 = tpu.vector_load %arg6[%get3A_1403, %get3A_1404] {strides = array<i32>} : memref<80x128xf32, #tpu.memory_space<vmem>>, vector<1x16xf32>,
    %get3A_1406 = vector.shape_cast %get3A_1405 : vector<1x16xf32> to vector<16xf32>
    %add3A_1407 = arith.addf %add3A_1401, %get3A_1406 : vector<16xf32>
    %get3A_1408 = arith.constant 44 : i32
    %get3A_1409 = arith.index_cast %get3A_1408 : i32 to index
    %get3A_1410 = arith.constant 0 : index
    %get3A_1411 = tpu.vector_load %arg6[%get3A_1409, %get3A_1410] {strides = array<i32>} : memref<80x128xf32, #tpu.memory_space<vmem>>, vector<1x16xf32>,
    %get3A_1412 = vector.shape_cast %get3A_1411 : vector<1x16xf32> to vector<16xf32>
    %add3A_1413 = arith.addf %add3A_1407, %get3A_1412 : vector<16xf32>
    %get3A_1414 = arith.constant 45 : i32
    %get3A_1415 = arith.index_cast %get3A_1414 : i32 to index
    %get3A_1416 = arith.constant 0 : index
    %get3A_1417 = tpu.vector_load %arg6[%get3A_1415, %get3A_1416] {strides = array<i32>} : memref<80x128xf32, #tpu.memory_space<vmem>>, vector<1x16xf32>,
    %get3A_1418 = vector.shape_cast %get3A_1417 : vector<1x16xf32> to vector<16xf32>
    %add3A_1419 = arith.addf %add3A_1413, %get3A_1418 : vector<16xf32>
    %get3A_1420 = arith.constant 46 : i32
    %get3A_1421 = arith.index_cast %get3A_1420 : i32 to index
    %get3A_1422 = arith.constant 0 : index
    %get3A_1423 = tpu.vector_load %arg6[%get3A_1421, %get3A_1422] {strides = array<i32>} : memref<80x128xf32, #tpu.memory_space<vmem>>, vector<1x16xf32>,
    %get3A_1424 = vector.shape_cast %get3A_1423 : vector<1x16xf32> to vector<16xf32>
    %add3A_1425 = arith.addf %add3A_1419, %get3A_1424 : vector<16xf32>
    %get3A_1426 = arith.constant 47 : i32
    %get3A_1427 = arith.index_cast %get3A_1426 : i32 to index
    %get3A_1428 = arith.constant 0 : index
    %get3A_1429 = tpu.vector_load %arg6[%get3A_1427, %get3A_1428] {strides = array<i32>} : memref<80x128xf32, #tpu.memory_space<vmem>>, vector<1x16xf32>,
    %get3A_1430 = vector.shape_cast %get3A_1429 : vector<1x16xf32> to vector<16xf32>
    %add3A_1431 = arith.addf %add3A_1425, %get3A_1430 : vector<16xf32>
    %get3A_1432 = arith.constant 48 : i32
    %get3A_1433 = arith.index_cast %get3A_1432 : i32 to index
    %get3A_1434 = arith.constant 0 : index
    %get3A_1435 = tpu.vector_load %arg6[%get3A_1433, %get3A_1434] {strides = array<i32>} : memref<80x128xf32, #tpu.memory_space<vmem>>, vector<1x16xf32>,
    %get3A_1436 = vector.shape_cast %get3A_1435 : vector<1x16xf32> to vector<16xf32>
    %add3A_1437 = arith.addf %add3A_1431, %get3A_1436 : vector<16xf32>
    %get3A_1438 = arith.constant 49 : i32
    %get3A_1439 = arith.index_cast %get3A_1438 : i32 to index
    %get3A_1440 = arith.constant 0 : index
    %get3A_1441 = tpu.vector_load %arg6[%get3A_1439, %get3A_1440] {strides = array<i32>} : memref<80x128xf32, #tpu.memory_space<vmem>>, vector<1x16xf32>,
    %get3A_1442 = vector.shape_cast %get3A_1441 : vector<1x16xf32> to vector<16xf32>
    %add3A_1443 = arith.addf %add3A_1437, %get3A_1442 : vector<16xf32>
    %mul3A_1444 = arith.constant 1.000000e-01 : f32
    %mul3A_1445 = vector.broadcast %mul3A_1444 : f32 to vector<16xf32>
    %mul3A_1446 = arith.mulf %add3A_1443, %mul3A_1445 : vector<16xf32>
    %swap3A_1447 = arith.constant 20 : i32
    %swap3A_1448 = arith.index_cast %swap3A_1447 : i32 to index
    %swap3A_1449 = arith.constant 0 : index
    %swap3A_1450 = tpu.vector_load %arg7[%swap3A_1448, %swap3A_1449] {strides = array<i32>} : memref<32x16xf32, #tpu.memory_space<vmem>>, vector<1x16xf32>,
    %swap3A_1451 = vector.shape_cast %swap3A_1450 : vector<1x16xf32> to vector<16xf32>
    %swap3A_1452 = vector.shape_cast %mul3A_1446 : vector<16xf32> to vector<1x16xf32>
    tpu.vector_store %arg7[%swap3A_1448, %swap3A_1449], %swap3A_1452 {strides = array<i32>} : memref<32x16xf32, #tpu.memory_space<vmem>>, vector<1x16xf32>,
    %get3A_1453 = arith.constant 50 : i32
    %get3A_1454 = arith.index_cast %get3A_1453 : i32 to index
    %get3A_1455 = arith.constant 0 : index
    %get3A_1456 = tpu.vector_load %arg6[%get3A_1454, %get3A_1455] {strides = array<i32>} : memref<80x128xf32, #tpu.memory_space<vmem>>, vector<1x16xf32>,
    %get3A_1457 = vector.shape_cast %get3A_1456 : vector<1x16xf32> to vector<16xf32>
    %get3A_1458 = arith.constant 51 : i32
    %get3A_1459 = arith.index_cast %get3A_1458 : i32 to index
    %get3A_1460 = arith.constant 0 : index
    %get3A_1461 = tpu.vector_load %arg6[%get3A_1459, %get3A_1460] {strides = array<i32>} : memref<80x128xf32, #tpu.memory_space<vmem>>, vector<1x16xf32>,
    %get3A_1462 = vector.shape_cast %get3A_1461 : vector<1x16xf32> to vector<16xf32>
    %add3A_1463 = arith.addf %get3A_1457, %get3A_1462 : vector<16xf32>
    %get3A_1464 = arith.constant 52 : i32
    %get3A_1465 = arith.index_cast %get3A_1464 : i32 to index
    %get3A_1466 = arith.constant 0 : index
    %get3A_1467 = tpu.vector_load %arg6[%get3A_1465, %get3A_1466] {strides = array<i32>} : memref<80x128xf32, #tpu.memory_space<vmem>>, vector<1x16xf32>,
    %get3A_1468 = vector.shape_cast %get3A_1467 : vector<1x16xf32> to vector<16xf32>
    %add3A_1469 = arith.addf %add3A_1463, %get3A_1468 : vector<16xf32>
    %get3A_1470 = arith.constant 53 : i32
    %get3A_1471 = arith.index_cast %get3A_1470 : i32 to index
    %get3A_1472 = arith.constant 0 : index
    %get3A_1473 = tpu.vector_load %arg6[%get3A_1471, %get3A_1472] {strides = array<i32>} : memref<80x128xf32, #tpu.memory_space<vmem>>, vector<1x16xf32>,
    %get3A_1474 = vector.shape_cast %get3A_1473 : vector<1x16xf32> to vector<16xf32>
    %add3A_1475 = arith.addf %add3A_1469, %get3A_1474 : vector<16xf32>
    %get3A_1476 = arith.constant 54 : i32
    %get3A_1477 = arith.index_cast %get3A_1476 : i32 to index
    %get3A_1478 = arith.constant 0 : index
    %get3A_1479 = tpu.vector_load %arg6[%get3A_1477, %get3A_1478] {strides = array<i32>} : memref<80x128xf32, #tpu.memory_space<vmem>>, vector<1x16xf32>,
    %get3A_1480 = vector.shape_cast %get3A_1479 : vector<1x16xf32> to vector<16xf32>
    %add3A_1481 = arith.addf %add3A_1475, %get3A_1480 : vector<16xf32>
    %get3A_1482 = arith.constant 55 : i32
    %get3A_1483 = arith.index_cast %get3A_1482 : i32 to index
    %get3A_1484 = arith.constant 0 : index
    %get3A_1485 = tpu.vector_load %arg6[%get3A_1483, %get3A_1484] {strides = array<i32>} : memref<80x128xf32, #tpu.memory_space<vmem>>, vector<1x16xf32>,
    %get3A_1486 = vector.shape_cast %get3A_1485 : vector<1x16xf32> to vector<16xf32>
    %add3A_1487 = arith.addf %add3A_1481, %get3A_1486 : vector<16xf32>
    %get3A_1488 = arith.constant 56 : i32
    %get3A_1489 = arith.index_cast %get3A_1488 : i32 to index
    %get3A_1490 = arith.constant 0 : index
    %get3A_1491 = tpu.vector_load %arg6[%get3A_1489, %get3A_1490] {strides = array<i32>} : memref<80x128xf32, #tpu.memory_space<vmem>>, vector<1x16xf32>,
    %get3A_1492 = vector.shape_cast %get3A_1491 : vector<1x16xf32> to vector<16xf32>
    %add3A_1493 = arith.addf %add3A_1487, %get3A_1492 : vector<16xf32>
    %get3A_1494 = arith.constant 57 : i32
    %get3A_1495 = arith.index_cast %get3A_1494 : i32 to index
    %get3A_1496 = arith.constant 0 : index
    %get3A_1497 = tpu.vector_load %arg6[%get3A_1495, %get3A_1496] {strides = array<i32>} : memref<80x128xf32, #tpu.memory_space<vmem>>, vector<1x16xf32>,
    %get3A_1498 = vector.shape_cast %get3A_1497 : vector<1x16xf32> to vector<16xf32>
    %add3A_1499 = arith.addf %add3A_1493, %get3A_1498 : vector<16xf32>
    %get3A_1500 = arith.constant 58 : i32
    %get3A_1501 = arith.index_cast %get3A_1500 : i32 to index
    %get3A_1502 = arith.constant 0 : index
    %get3A_1503 = tpu.vector_load %arg6[%get3A_1501, %get3A_1502] {strides = array<i32>} : memref<80x128xf32, #tpu.memory_space<vmem>>, vector<1x16xf32>,
    %get3A_1504 = vector.shape_cast %get3A_1503 : vector<1x16xf32> to vector<16xf32>
    %add3A_1505 = arith.addf %add3A_1499, %get3A_1504 : vector<16xf32>
    %get3A_1506 = arith.constant 59 : i32
    %get3A_1507 = arith.index_cast %get3A_1506 : i32 to index
    %get3A_1508 = arith.constant 0 : index
    %get3A_1509 = tpu.vector_load %arg6[%get3A_1507, %get3A_1508] {strides = array<i32>} : memref<80x128xf32, #tpu.memory_space<vmem>>, vector<1x16xf32>,
    %get3A_1510 = vector.shape_cast %get3A_1509 : vector<1x16xf32> to vector<16xf32>
    %add3A_1511 = arith.addf %add3A_1505, %get3A_1510 : vector<16xf32>
    %mul3A_1512 = arith.constant 1.000000e-01 : f32
    %mul3A_1513 = vector.broadcast %mul3A_1512 : f32 to vector<16xf32>
    %mul3A_1514 = arith.mulf %add3A_1511, %mul3A_1513 : vector<16xf32>
    %swap3A_1515 = arith.constant 21 : i32
    %swap3A_1516 = arith.index_cast %swap3A_1515 : i32 to index
    %swap3A_1517 = arith.constant 0 : index
    %swap3A_1518 = tpu.vector_load %arg7[%swap3A_1516, %swap3A_1517] {strides = array<i32>} : memref<32x16xf32, #tpu.memory_space<vmem>>, vector<1x16xf32>,
    %swap3A_1519 = vector.shape_cast %swap3A_1518 : vector<1x16xf32> to vector<16xf32>
    %swap3A_1520 = vector.shape_cast %mul3A_1514 : vector<16xf32> to vector<1x16xf32>
    tpu.vector_store %arg7[%swap3A_1516, %swap3A_1517], %swap3A_1520 {strides = array<i32>} : memref<32x16xf32, #tpu.memory_space<vmem>>, vector<1x16xf32>,
    %get3A_1521 = arith.constant 60 : i32
    %get3A_1522 = arith.index_cast %get3A_1521 : i32 to index
    %get3A_1523 = arith.constant 0 : index
    %get3A_1524 = tpu.vector_load %arg6[%get3A_1522, %get3A_1523] {strides = array<i32>} : memref<80x128xf32, #tpu.memory_space<vmem>>, vector<1x16xf32>,
    %get3A_1525 = vector.shape_cast %get3A_1524 : vector<1x16xf32> to vector<16xf32>
    %get3A_1526 = arith.constant 61 : i32
    %get3A_1527 = arith.index_cast %get3A_1526 : i32 to index
    %get3A_1528 = arith.constant 0 : index
    %get3A_1529 = tpu.vector_load %arg6[%get3A_1527, %get3A_1528] {strides = array<i32>} : memref<80x128xf32, #tpu.memory_space<vmem>>, vector<1x16xf32>,
    %get3A_1530 = vector.shape_cast %get3A_1529 : vector<1x16xf32> to vector<16xf32>
    %add3A_1531 = arith.addf %get3A_1525, %get3A_1530 : vector<16xf32>
    %get3A_1532 = arith.constant 62 : i32
    %get3A_1533 = arith.index_cast %get3A_1532 : i32 to index
    %get3A_1534 = arith.constant 0 : index
    %get3A_1535 = tpu.vector_load %arg6[%get3A_1533, %get3A_1534] {strides = array<i32>} : memref<80x128xf32, #tpu.memory_space<vmem>>, vector<1x16xf32>,
    %get3A_1536 = vector.shape_cast %get3A_1535 : vector<1x16xf32> to vector<16xf32>
    %add3A_1537 = arith.addf %add3A_1531, %get3A_1536 : vector<16xf32>
    %get3A_1538 = arith.constant 63 : i32
    %get3A_1539 = arith.index_cast %get3A_1538 : i32 to index
    %get3A_1540 = arith.constant 0 : index
    %get3A_1541 = tpu.vector_load %arg6[%get3A_1539, %get3A_1540] {strides = array<i32>} : memref<80x128xf32, #tpu.memory_space<vmem>>, vector<1x16xf32>,
    %get3A_1542 = vector.shape_cast %get3A_1541 : vector<1x16xf32> to vector<16xf32>
    %add3A_1543 = arith.addf %add3A_1537, %get3A_1542 : vector<16xf32>
    %get3A_1544 = arith.constant 64 : i32
    %get3A_1545 = arith.index_cast %get3A_1544 : i32 to index
    %get3A_1546 = arith.constant 0 : index
    %get3A_1547 = tpu.vector_load %arg6[%get3A_1545, %get3A_1546] {strides = array<i32>} : memref<80x128xf32, #tpu.memory_space<vmem>>, vector<1x16xf32>,
    %get3A_1548 = vector.shape_cast %get3A_1547 : vector<1x16xf32> to vector<16xf32>
    %add3A_1549 = arith.addf %add3A_1543, %get3A_1548 : vector<16xf32>
    %get3A_1550 = arith.constant 65 : i32
    %get3A_1551 = arith.index_cast %get3A_1550 : i32 to index
    %get3A_1552 = arith.constant 0 : index
    %get3A_1553 = tpu.vector_load %arg6[%get3A_1551, %get3A_1552] {strides = array<i32>} : memref<80x128xf32, #tpu.memory_space<vmem>>, vector<1x16xf32>,
    %get3A_1554 = vector.shape_cast %get3A_1553 : vector<1x16xf32> to vector<16xf32>
    %add3A_1555 = arith.addf %add3A_1549, %get3A_1554 : vector<16xf32>
    %get3A_1556 = arith.constant 66 : i32
    %get3A_1557 = arith.index_cast %get3A_1556 : i32 to index
    %get3A_1558 = arith.constant 0 : index
    %get3A_1559 = tpu.vector_load %arg6[%get3A_1557, %get3A_1558] {strides = array<i32>} : memref<80x128xf32, #tpu.memory_space<vmem>>, vector<1x16xf32>,
    %get3A_1560 = vector.shape_cast %get3A_1559 : vector<1x16xf32> to vector<16xf32>
    %add3A_1561 = arith.addf %add3A_1555, %get3A_1560 : vector<16xf32>
    %get3A_1562 = arith.constant 67 : i32
    %get3A_1563 = arith.index_cast %get3A_1562 : i32 to index
    %get3A_1564 = arith.constant 0 : index
    %get3A_1565 = tpu.vector_load %arg6[%get3A_1563, %get3A_1564] {strides = array<i32>} : memref<80x128xf32, #tpu.memory_space<vmem>>, vector<1x16xf32>,
    %get3A_1566 = vector.shape_cast %get3A_1565 : vector<1x16xf32> to vector<16xf32>
    %add3A_1567 = arith.addf %add3A_1561, %get3A_1566 : vector<16xf32>
    %get3A_1568 = arith.constant 68 : i32
    %get3A_1569 = arith.index_cast %get3A_1568 : i32 to index
    %get3A_1570 = arith.constant 0 : index
    %get3A_1571 = tpu.vector_load %arg6[%get3A_1569, %get3A_1570] {strides = array<i32>} : memref<80x128xf32, #tpu.memory_space<vmem>>, vector<1x16xf32>,
    %get3A_1572 = vector.shape_cast %get3A_1571 : vector<1x16xf32> to vector<16xf32>
    %add3A_1573 = arith.addf %add3A_1567, %get3A_1572 : vector<16xf32>
    %get3A_1574 = arith.constant 69 : i32
    %get3A_1575 = arith.index_cast %get3A_1574 : i32 to index
    %get3A_1576 = arith.constant 0 : index
    %get3A_1577 = tpu.vector_load %arg6[%get3A_1575, %get3A_1576] {strides = array<i32>} : memref<80x128xf32, #tpu.memory_space<vmem>>, vector<1x16xf32>,
    %get3A_1578 = vector.shape_cast %get3A_1577 : vector<1x16xf32> to vector<16xf32>
    %add3A_1579 = arith.addf %add3A_1573, %get3A_1578 : vector<16xf32>
    %mul3A_1580 = arith.constant 1.000000e-01 : f32
    %mul3A_1581 = vector.broadcast %mul3A_1580 : f32 to vector<16xf32>
    %mul3A_1582 = arith.mulf %add3A_1579, %mul3A_1581 : vector<16xf32>
    %swap3A_1583 = arith.constant 22 : i32
    %swap3A_1584 = arith.index_cast %swap3A_1583 : i32 to index
    %swap3A_1585 = arith.constant 0 : index
    %swap3A_1586 = tpu.vector_load %arg7[%swap3A_1584, %swap3A_1585] {strides = array<i32>} : memref<32x16xf32, #tpu.memory_space<vmem>>, vector<1x16xf32>,
    %swap3A_1587 = vector.shape_cast %swap3A_1586 : vector<1x16xf32> to vector<16xf32>
    %swap3A_1588 = vector.shape_cast %mul3A_1582 : vector<16xf32> to vector<1x16xf32>
    tpu.vector_store %arg7[%swap3A_1584, %swap3A_1585], %swap3A_1588 {strides = array<i32>} : memref<32x16xf32, #tpu.memory_space<vmem>>, vector<1x16xf32>,
    %get3A_1589 = arith.constant 70 : i32
    %get3A_1590 = arith.index_cast %get3A_1589 : i32 to index
    %get3A_1591 = arith.constant 0 : index
    %get3A_1592 = tpu.vector_load %arg6[%get3A_1590, %get3A_1591] {strides = array<i32>} : memref<80x128xf32, #tpu.memory_space<vmem>>, vector<1x16xf32>,
    %get3A_1593 = vector.shape_cast %get3A_1592 : vector<1x16xf32> to vector<16xf32>
    %get3A_1594 = arith.constant 71 : i32
    %get3A_1595 = arith.index_cast %get3A_1594 : i32 to index
    %get3A_1596 = arith.constant 0 : index
    %get3A_1597 = tpu.vector_load %arg6[%get3A_1595, %get3A_1596] {strides = array<i32>} : memref<80x128xf32, #tpu.memory_space<vmem>>, vector<1x16xf32>,
    %get3A_1598 = vector.shape_cast %get3A_1597 : vector<1x16xf32> to vector<16xf32>
    %add3A_1599 = arith.addf %get3A_1593, %get3A_1598 : vector<16xf32>
    %get3A_1600 = arith.constant 72 : i32
    %get3A_1601 = arith.index_cast %get3A_1600 : i32 to index
    %get3A_1602 = arith.constant 0 : index
    %get3A_1603 = tpu.vector_load %arg6[%get3A_1601, %get3A_1602] {strides = array<i32>} : memref<80x128xf32, #tpu.memory_space<vmem>>, vector<1x16xf32>,
    %get3A_1604 = vector.shape_cast %get3A_1603 : vector<1x16xf32> to vector<16xf32>
    %add3A_1605 = arith.addf %add3A_1599, %get3A_1604 : vector<16xf32>
    %get3A_1606 = arith.constant 73 : i32
    %get3A_1607 = arith.index_cast %get3A_1606 : i32 to index
    %get3A_1608 = arith.constant 0 : index
    %get3A_1609 = tpu.vector_load %arg6[%get3A_1607, %get3A_1608] {strides = array<i32>} : memref<80x128xf32, #tpu.memory_space<vmem>>, vector<1x16xf32>,
    %get3A_1610 = vector.shape_cast %get3A_1609 : vector<1x16xf32> to vector<16xf32>
    %add3A_1611 = arith.addf %add3A_1605, %get3A_1610 : vector<16xf32>
    %get3A_1612 = arith.constant 74 : i32
    %get3A_1613 = arith.index_cast %get3A_1612 : i32 to index
    %get3A_1614 = arith.constant 0 : index
    %get3A_1615 = tpu.vector_load %arg6[%get3A_1613, %get3A_1614] {strides = array<i32>} : memref<80x128xf32, #tpu.memory_space<vmem>>, vector<1x16xf32>,
    %get3A_1616 = vector.shape_cast %get3A_1615 : vector<1x16xf32> to vector<16xf32>
    %add3A_1617 = arith.addf %add3A_1611, %get3A_1616 : vector<16xf32>
    %get3A_1618 = arith.constant 75 : i32
    %get3A_1619 = arith.index_cast %get3A_1618 : i32 to index
    %get3A_1620 = arith.constant 0 : index
    %get3A_1621 = tpu.vector_load %arg6[%get3A_1619, %get3A_1620] {strides = array<i32>} : memref<80x128xf32, #tpu.memory_space<vmem>>, vector<1x16xf32>,
    %get3A_1622 = vector.shape_cast %get3A_1621 : vector<1x16xf32> to vector<16xf32>
    %add3A_1623 = arith.addf %add3A_1617, %get3A_1622 : vector<16xf32>
    %get3A_1624 = arith.constant 76 : i32
    %get3A_1625 = arith.index_cast %get3A_1624 : i32 to index
    %get3A_1626 = arith.constant 0 : index
    %get3A_1627 = tpu.vector_load %arg6[%get3A_1625, %get3A_1626] {strides = array<i32>} : memref<80x128xf32, #tpu.memory_space<vmem>>, vector<1x16xf32>,
    %get3A_1628 = vector.shape_cast %get3A_1627 : vector<1x16xf32> to vector<16xf32>
    %add3A_1629 = arith.addf %add3A_1623, %get3A_1628 : vector<16xf32>
    %get3A_1630 = arith.constant 77 : i32
    %get3A_1631 = arith.index_cast %get3A_1630 : i32 to index
    %get3A_1632 = arith.constant 0 : index
    %get3A_1633 = tpu.vector_load %arg6[%get3A_1631, %get3A_1632] {strides = array<i32>} : memref<80x128xf32, #tpu.memory_space<vmem>>, vector<1x16xf32>,
    %get3A_1634 = vector.shape_cast %get3A_1633 : vector<1x16xf32> to vector<16xf32>
    %add3A_1635 = arith.addf %add3A_1629, %get3A_1634 : vector<16xf32>
    %get3A_1636 = arith.constant 78 : i32
    %get3A_1637 = arith.index_cast %get3A_1636 : i32 to index
    %get3A_1638 = arith.constant 0 : index
    %get3A_1639 = tpu.vector_load %arg6[%get3A_1637, %get3A_1638] {strides = array<i32>} : memref<80x128xf32, #tpu.memory_space<vmem>>, vector<1x16xf32>,
    %get3A_1640 = vector.shape_cast %get3A_1639 : vector<1x16xf32> to vector<16xf32>
    %add3A_1641 = arith.addf %add3A_1635, %get3A_1640 : vector<16xf32>
    %get3A_1642 = arith.constant 79 : i32
    %get3A_1643 = arith.index_cast %get3A_1642 : i32 to index
    %get3A_1644 = arith.constant 0 : index
    %get3A_1645 = tpu.vector_load %arg6[%get3A_1643, %get3A_1644] {strides = array<i32>} : memref<80x128xf32, #tpu.memory_space<vmem>>, vector<1x16xf32>,
    %get3A_1646 = vector.shape_cast %get3A_1645 : vector<1x16xf32> to vector<16xf32>
    %add3A_1647 = arith.addf %add3A_1641, %get3A_1646 : vector<16xf32>
    %mul3A_1648 = arith.constant 1.000000e-01 : f32
    %mul3A_1649 = vector.broadcast %mul3A_1648 : f32 to vector<16xf32>
    %mul3A_1650 = arith.mulf %add3A_1647, %mul3A_1649 : vector<16xf32>
    %swap3A_1651 = arith.constant 23 : i32
    %swap3A_1652 = arith.index_cast %swap3A_1651 : i32 to index
    %swap3A_1653 = arith.constant 0 : index
    %swap3A_1654 = tpu.vector_load %arg7[%swap3A_1652, %swap3A_1653] {strides = array<i32>} : memref<32x16xf32, #tpu.memory_space<vmem>>, vector<1x16xf32>,
    %swap3A_1655 = vector.shape_cast %swap3A_1654 : vector<1x16xf32> to vector<16xf32>
    %swap3A_1656 = vector.shape_cast %mul3A_1650 : vector<16xf32> to vector<1x16xf32>
    tpu.vector_store %arg7[%swap3A_1652, %swap3A_1653], %swap3A_1656 {strides = array<i32>} : memref<32x16xf32, #tpu.memory_space<vmem>>, vector<1x16xf32>,
    %add3A_1657 = arith.constant 240 : i32
    %add3A_1658 = arith.addi %mul3A_4, %add3A_1657 : i32
    "tpu.region"() ({
      %run_scoped3A = tpu.sem_alloc : memref<!tpu.dma_semaphore, #tpu.memory_space<semaphore_mem>>
      %dma_start3A_2211 = tpu.memref_slice %arg3[%add3A_1658] : memref<10240xi32, #tpu.memory_space<hbm>> -> memref<80xi32, #tpu.memory_space<hbm>>
      %dma_start3A_2212 = tpu.memref_slice %arg3[%add3A_1658] : memref<10240xi32, #tpu.memory_space<hbm>> -> memref<80xi32, #tpu.memory_space<hbm>>
      tpu.enqueue_dma source(%dma_start3A_2212 : memref<80xi32, #tpu.memory_space<hbm>>) target(%arg5 : memref<80xi32, #tpu.memory_space<vmem>>) target_semaphore(%run_scoped3A : memref<!tpu.dma_semaphore, #tpu.memory_space<semaphore_mem>>)
      %dma_wait3A_2213 = tpu.memref_slice %arg3[%add3A_1658] : memref<10240xi32, #tpu.memory_space<hbm>> -> memref<80xi32, #tpu.memory_space<hbm>>
      %dma_wait3A_2214 = tpu.memref_slice %arg3[%add3A_1658] : memref<10240xi32, #tpu.memory_space<hbm>> -> memref<80xi32, #tpu.memory_space<hbm>>
      tpu.wait_dma2 semaphore(%run_scoped3A : memref<!tpu.dma_semaphore, #tpu.memory_space<semaphore_mem>>) src(%dma_wait3A_2214 : memref<80xi32, #tpu.memory_space<hbm>>) dst(%arg5 : memref<80xi32, #tpu.memory_space<vmem>>)
      tpu.yield
    }) : () -> ()
    %dma_start3A_1659 = arith.constant 0 : i32
    %dma_start3A_1660 = arith.constant 0 : i32
    %dma_start3A_1661 = tpu.memref_slice %arg2[%dma_start3A_1659, %dma_start3A_1660] : memref<102400x128xf32, #tpu.memory_space<hbm>> -> memref<102400x128xf32, #tpu.memory_space<hbm>>
    tpu.enqueue_indirect_dma source(%dma_start3A_1661 : memref<102400x128xf32, #tpu.memory_space<hbm>>) target(%arg6 : memref<80x128xf32, #tpu.memory_space<vmem>>) offsets(%arg5 : memref<80xi32, #tpu.memory_space<vmem>>) semaphore(%arg8 : memref<!tpu.dma_semaphore, #tpu.memory_space<semaphore_mem>>)
    %dma_wait3A_1662 = arith.constant 0 : i32
    %dma_wait3A_1663 = arith.constant 0 : i32
    %dma_wait3A_1664 = tpu.memref_slice %arg2[%dma_wait3A_1662, %dma_wait3A_1663] : memref<102400x128xf32, #tpu.memory_space<hbm>> -> memref<102400x128xf32, #tpu.memory_space<hbm>>
    tpu.wait_indirect_dma semaphore(%arg8 : memref<!tpu.dma_semaphore, #tpu.memory_space<semaphore_mem>>) src(%dma_wait3A_1664 : memref<102400x128xf32, #tpu.memory_space<hbm>>) dst(%arg6 : memref<80x128xf32, #tpu.memory_space<vmem>>)
    %get3A_1665 = arith.constant 0 : i32
    %get3A_1666 = arith.index_cast %get3A_1665 : i32 to index
    %get3A_1667 = arith.constant 0 : index
    %get3A_1668 = tpu.vector_load %arg6[%get3A_1666, %get3A_1667] {strides = array<i32>} : memref<80x128xf32, #tpu.memory_space<vmem>>, vector<1x16xf32>,
    %get3A_1669 = vector.shape_cast %get3A_1668 : vector<1x16xf32> to vector<16xf32>
    %get3A_1670 = arith.constant 1 : i32
    %get3A_1671 = arith.index_cast %get3A_1670 : i32 to index
    %get3A_1672 = arith.constant 0 : index
    %get3A_1673 = tpu.vector_load %arg6[%get3A_1671, %get3A_1672] {strides = array<i32>} : memref<80x128xf32, #tpu.memory_space<vmem>>, vector<1x16xf32>,
    %get3A_1674 = vector.shape_cast %get3A_1673 : vector<1x16xf32> to vector<16xf32>
    %add3A_1675 = arith.addf %get3A_1669, %get3A_1674 : vector<16xf32>
    %get3A_1676 = arith.constant 2 : i32
    %get3A_1677 = arith.index_cast %get3A_1676 : i32 to index
    %get3A_1678 = arith.constant 0 : index
    %get3A_1679 = tpu.vector_load %arg6[%get3A_1677, %get3A_1678] {strides = array<i32>} : memref<80x128xf32, #tpu.memory_space<vmem>>, vector<1x16xf32>,
    %get3A_1680 = vector.shape_cast %get3A_1679 : vector<1x16xf32> to vector<16xf32>
    %add3A_1681 = arith.addf %add3A_1675, %get3A_1680 : vector<16xf32>
    %get3A_1682 = arith.constant 3 : i32
    %get3A_1683 = arith.index_cast %get3A_1682 : i32 to index
    %get3A_1684 = arith.constant 0 : index
    %get3A_1685 = tpu.vector_load %arg6[%get3A_1683, %get3A_1684] {strides = array<i32>} : memref<80x128xf32, #tpu.memory_space<vmem>>, vector<1x16xf32>,
    %get3A_1686 = vector.shape_cast %get3A_1685 : vector<1x16xf32> to vector<16xf32>
    %add3A_1687 = arith.addf %add3A_1681, %get3A_1686 : vector<16xf32>
    %get3A_1688 = arith.constant 4 : i32
    %get3A_1689 = arith.index_cast %get3A_1688 : i32 to index
    %get3A_1690 = arith.constant 0 : index
    %get3A_1691 = tpu.vector_load %arg6[%get3A_1689, %get3A_1690] {strides = array<i32>} : memref<80x128xf32, #tpu.memory_space<vmem>>, vector<1x16xf32>,
    %get3A_1692 = vector.shape_cast %get3A_1691 : vector<1x16xf32> to vector<16xf32>
    %add3A_1693 = arith.addf %add3A_1687, %get3A_1692 : vector<16xf32>
    %get3A_1694 = arith.constant 5 : i32
    %get3A_1695 = arith.index_cast %get3A_1694 : i32 to index
    %get3A_1696 = arith.constant 0 : index
    %get3A_1697 = tpu.vector_load %arg6[%get3A_1695, %get3A_1696] {strides = array<i32>} : memref<80x128xf32, #tpu.memory_space<vmem>>, vector<1x16xf32>,
    %get3A_1698 = vector.shape_cast %get3A_1697 : vector<1x16xf32> to vector<16xf32>
    %add3A_1699 = arith.addf %add3A_1693, %get3A_1698 : vector<16xf32>
    %get3A_1700 = arith.constant 6 : i32
    %get3A_1701 = arith.index_cast %get3A_1700 : i32 to index
    %get3A_1702 = arith.constant 0 : index
    %get3A_1703 = tpu.vector_load %arg6[%get3A_1701, %get3A_1702] {strides = array<i32>} : memref<80x128xf32, #tpu.memory_space<vmem>>, vector<1x16xf32>,
    %get3A_1704 = vector.shape_cast %get3A_1703 : vector<1x16xf32> to vector<16xf32>
    %add3A_1705 = arith.addf %add3A_1699, %get3A_1704 : vector<16xf32>
    %get3A_1706 = arith.constant 7 : i32
    %get3A_1707 = arith.index_cast %get3A_1706 : i32 to index
    %get3A_1708 = arith.constant 0 : index
    %get3A_1709 = tpu.vector_load %arg6[%get3A_1707, %get3A_1708] {strides = array<i32>} : memref<80x128xf32, #tpu.memory_space<vmem>>, vector<1x16xf32>,
    %get3A_1710 = vector.shape_cast %get3A_1709 : vector<1x16xf32> to vector<16xf32>
    %add3A_1711 = arith.addf %add3A_1705, %get3A_1710 : vector<16xf32>
    %get3A_1712 = arith.constant 8 : i32
    %get3A_1713 = arith.index_cast %get3A_1712 : i32 to index
    %get3A_1714 = arith.constant 0 : index
    %get3A_1715 = tpu.vector_load %arg6[%get3A_1713, %get3A_1714] {strides = array<i32>} : memref<80x128xf32, #tpu.memory_space<vmem>>, vector<1x16xf32>,
    %get3A_1716 = vector.shape_cast %get3A_1715 : vector<1x16xf32> to vector<16xf32>
    %add3A_1717 = arith.addf %add3A_1711, %get3A_1716 : vector<16xf32>
    %get3A_1718 = arith.constant 9 : i32
    %get3A_1719 = arith.index_cast %get3A_1718 : i32 to index
    %get3A_1720 = arith.constant 0 : index
    %get3A_1721 = tpu.vector_load %arg6[%get3A_1719, %get3A_1720] {strides = array<i32>} : memref<80x128xf32, #tpu.memory_space<vmem>>, vector<1x16xf32>,
    %get3A_1722 = vector.shape_cast %get3A_1721 : vector<1x16xf32> to vector<16xf32>
    %add3A_1723 = arith.addf %add3A_1717, %get3A_1722 : vector<16xf32>
    %mul3A_1724 = arith.constant 1.000000e-01 : f32
    %mul3A_1725 = vector.broadcast %mul3A_1724 : f32 to vector<16xf32>
    %mul3A_1726 = arith.mulf %add3A_1723, %mul3A_1725 : vector<16xf32>
    %swap3A_1727 = arith.constant 24 : i32
    %swap3A_1728 = arith.index_cast %swap3A_1727 : i32 to index
    %swap3A_1729 = arith.constant 0 : index
    %swap3A_1730 = tpu.vector_load %arg7[%swap3A_1728, %swap3A_1729] {strides = array<i32>} : memref<32x16xf32, #tpu.memory_space<vmem>>, vector<1x16xf32>,
    %swap3A_1731 = vector.shape_cast %swap3A_1730 : vector<1x16xf32> to vector<16xf32>
    %swap3A_1732 = vector.shape_cast %mul3A_1726 : vector<16xf32> to vector<1x16xf32>
    tpu.vector_store %arg7[%swap3A_1728, %swap3A_1729], %swap3A_1732 {strides = array<i32>} : memref<32x16xf32, #tpu.memory_space<vmem>>, vector<1x16xf32>,
    %get3A_1733 = arith.constant 10 : i32
    %get3A_1734 = arith.index_cast %get3A_1733 : i32 to index
    %get3A_1735 = arith.constant 0 : index
    %get3A_1736 = tpu.vector_load %arg6[%get3A_1734, %get3A_1735] {strides = array<i32>} : memref<80x128xf32, #tpu.memory_space<vmem>>, vector<1x16xf32>,
    %get3A_1737 = vector.shape_cast %get3A_1736 : vector<1x16xf32> to vector<16xf32>
    %get3A_1738 = arith.constant 11 : i32
    %get3A_1739 = arith.index_cast %get3A_1738 : i32 to index
    %get3A_1740 = arith.constant 0 : index
    %get3A_1741 = tpu.vector_load %arg6[%get3A_1739, %get3A_1740] {strides = array<i32>} : memref<80x128xf32, #tpu.memory_space<vmem>>, vector<1x16xf32>,
    %get3A_1742 = vector.shape_cast %get3A_1741 : vector<1x16xf32> to vector<16xf32>
    %add3A_1743 = arith.addf %get3A_1737, %get3A_1742 : vector<16xf32>
    %get3A_1744 = arith.constant 12 : i32
    %get3A_1745 = arith.index_cast %get3A_1744 : i32 to index
    %get3A_1746 = arith.constant 0 : index
    %get3A_1747 = tpu.vector_load %arg6[%get3A_1745, %get3A_1746] {strides = array<i32>} : memref<80x128xf32, #tpu.memory_space<vmem>>, vector<1x16xf32>,
    %get3A_1748 = vector.shape_cast %get3A_1747 : vector<1x16xf32> to vector<16xf32>
    %add3A_1749 = arith.addf %add3A_1743, %get3A_1748 : vector<16xf32>
    %get3A_1750 = arith.constant 13 : i32
    %get3A_1751 = arith.index_cast %get3A_1750 : i32 to index
    %get3A_1752 = arith.constant 0 : index
    %get3A_1753 = tpu.vector_load %arg6[%get3A_1751, %get3A_1752] {strides = array<i32>} : memref<80x128xf32, #tpu.memory_space<vmem>>, vector<1x16xf32>,
    %get3A_1754 = vector.shape_cast %get3A_1753 : vector<1x16xf32> to vector<16xf32>
    %add3A_1755 = arith.addf %add3A_1749, %get3A_1754 : vector<16xf32>
    %get3A_1756 = arith.constant 14 : i32
    %get3A_1757 = arith.index_cast %get3A_1756 : i32 to index
    %get3A_1758 = arith.constant 0 : index
    %get3A_1759 = tpu.vector_load %arg6[%get3A_1757, %get3A_1758] {strides = array<i32>} : memref<80x128xf32, #tpu.memory_space<vmem>>, vector<1x16xf32>,
    %get3A_1760 = vector.shape_cast %get3A_1759 : vector<1x16xf32> to vector<16xf32>
    %add3A_1761 = arith.addf %add3A_1755, %get3A_1760 : vector<16xf32>
    %get3A_1762 = arith.constant 15 : i32
    %get3A_1763 = arith.index_cast %get3A_1762 : i32 to index
    %get3A_1764 = arith.constant 0 : index
    %get3A_1765 = tpu.vector_load %arg6[%get3A_1763, %get3A_1764] {strides = array<i32>} : memref<80x128xf32, #tpu.memory_space<vmem>>, vector<1x16xf32>,
    %get3A_1766 = vector.shape_cast %get3A_1765 : vector<1x16xf32> to vector<16xf32>
    %add3A_1767 = arith.addf %add3A_1761, %get3A_1766 : vector<16xf32>
    %get3A_1768 = arith.constant 16 : i32
    %get3A_1769 = arith.index_cast %get3A_1768 : i32 to index
    %get3A_1770 = arith.constant 0 : index
    %get3A_1771 = tpu.vector_load %arg6[%get3A_1769, %get3A_1770] {strides = array<i32>} : memref<80x128xf32, #tpu.memory_space<vmem>>, vector<1x16xf32>,
    %get3A_1772 = vector.shape_cast %get3A_1771 : vector<1x16xf32> to vector<16xf32>
    %add3A_1773 = arith.addf %add3A_1767, %get3A_1772 : vector<16xf32>
    %get3A_1774 = arith.constant 17 : i32
    %get3A_1775 = arith.index_cast %get3A_1774 : i32 to index
    %get3A_1776 = arith.constant 0 : index
    %get3A_1777 = tpu.vector_load %arg6[%get3A_1775, %get3A_1776] {strides = array<i32>} : memref<80x128xf32, #tpu.memory_space<vmem>>, vector<1x16xf32>,
    %get3A_1778 = vector.shape_cast %get3A_1777 : vector<1x16xf32> to vector<16xf32>
    %add3A_1779 = arith.addf %add3A_1773, %get3A_1778 : vector<16xf32>
    %get3A_1780 = arith.constant 18 : i32
    %get3A_1781 = arith.index_cast %get3A_1780 : i32 to index
    %get3A_1782 = arith.constant 0 : index
    %get3A_1783 = tpu.vector_load %arg6[%get3A_1781, %get3A_1782] {strides = array<i32>} : memref<80x128xf32, #tpu.memory_space<vmem>>, vector<1x16xf32>,
    %get3A_1784 = vector.shape_cast %get3A_1783 : vector<1x16xf32> to vector<16xf32>
    %add3A_1785 = arith.addf %add3A_1779, %get3A_1784 : vector<16xf32>
    %get3A_1786 = arith.constant 19 : i32
    %get3A_1787 = arith.index_cast %get3A_1786 : i32 to index
    %get3A_1788 = arith.constant 0 : index
    %get3A_1789 = tpu.vector_load %arg6[%get3A_1787, %get3A_1788] {strides = array<i32>} : memref<80x128xf32, #tpu.memory_space<vmem>>, vector<1x16xf32>,
    %get3A_1790 = vector.shape_cast %get3A_1789 : vector<1x16xf32> to vector<16xf32>
    %add3A_1791 = arith.addf %add3A_1785, %get3A_1790 : vector<16xf32>
    %mul3A_1792 = arith.constant 1.000000e-01 : f32
    %mul3A_1793 = vector.broadcast %mul3A_1792 : f32 to vector<16xf32>
    %mul3A_1794 = arith.mulf %add3A_1791, %mul3A_1793 : vector<16xf32>
    %swap3A_1795 = arith.constant 25 : i32
    %swap3A_1796 = arith.index_cast %swap3A_1795 : i32 to index
    %swap3A_1797 = arith.constant 0 : index
    %swap3A_1798 = tpu.vector_load %arg7[%swap3A_1796, %swap3A_1797] {strides = array<i32>} : memref<32x16xf32, #tpu.memory_space<vmem>>, vector<1x16xf32>,
    %swap3A_1799 = vector.shape_cast %swap3A_1798 : vector<1x16xf32> to vector<16xf32>
    %swap3A_1800 = vector.shape_cast %mul3A_1794 : vector<16xf32> to vector<1x16xf32>
    tpu.vector_store %arg7[%swap3A_1796, %swap3A_1797], %swap3A_1800 {strides = array<i32>} : memref<32x16xf32, #tpu.memory_space<vmem>>, vector<1x16xf32>,
    %get3A_1801 = arith.constant 20 : i32
    %get3A_1802 = arith.index_cast %get3A_1801 : i32 to index
    %get3A_1803 = arith.constant 0 : index
    %get3A_1804 = tpu.vector_load %arg6[%get3A_1802, %get3A_1803] {strides = array<i32>} : memref<80x128xf32, #tpu.memory_space<vmem>>, vector<1x16xf32>,
    %get3A_1805 = vector.shape_cast %get3A_1804 : vector<1x16xf32> to vector<16xf32>
    %get3A_1806 = arith.constant 21 : i32
    %get3A_1807 = arith.index_cast %get3A_1806 : i32 to index
    %get3A_1808 = arith.constant 0 : index
    %get3A_1809 = tpu.vector_load %arg6[%get3A_1807, %get3A_1808] {strides = array<i32>} : memref<80x128xf32, #tpu.memory_space<vmem>>, vector<1x16xf32>,
    %get3A_1810 = vector.shape_cast %get3A_1809 : vector<1x16xf32> to vector<16xf32>
    %add3A_1811 = arith.addf %get3A_1805, %get3A_1810 : vector<16xf32>
    %get3A_1812 = arith.constant 22 : i32
    %get3A_1813 = arith.index_cast %get3A_1812 : i32 to index
    %get3A_1814 = arith.constant 0 : index
    %get3A_1815 = tpu.vector_load %arg6[%get3A_1813, %get3A_1814] {strides = array<i32>} : memref<80x128xf32, #tpu.memory_space<vmem>>, vector<1x16xf32>,
    %get3A_1816 = vector.shape_cast %get3A_1815 : vector<1x16xf32> to vector<16xf32>
    %add3A_1817 = arith.addf %add3A_1811, %get3A_1816 : vector<16xf32>
    %get3A_1818 = arith.constant 23 : i32
    %get3A_1819 = arith.index_cast %get3A_1818 : i32 to index
    %get3A_1820 = arith.constant 0 : index
    %get3A_1821 = tpu.vector_load %arg6[%get3A_1819, %get3A_1820] {strides = array<i32>} : memref<80x128xf32, #tpu.memory_space<vmem>>, vector<1x16xf32>,
    %get3A_1822 = vector.shape_cast %get3A_1821 : vector<1x16xf32> to vector<16xf32>
    %add3A_1823 = arith.addf %add3A_1817, %get3A_1822 : vector<16xf32>
    %get3A_1824 = arith.constant 24 : i32
    %get3A_1825 = arith.index_cast %get3A_1824 : i32 to index
    %get3A_1826 = arith.constant 0 : index
    %get3A_1827 = tpu.vector_load %arg6[%get3A_1825, %get3A_1826] {strides = array<i32>} : memref<80x128xf32, #tpu.memory_space<vmem>>, vector<1x16xf32>,
    %get3A_1828 = vector.shape_cast %get3A_1827 : vector<1x16xf32> to vector<16xf32>
    %add3A_1829 = arith.addf %add3A_1823, %get3A_1828 : vector<16xf32>
    %get3A_1830 = arith.constant 25 : i32
    %get3A_1831 = arith.index_cast %get3A_1830 : i32 to index
    %get3A_1832 = arith.constant 0 : index
    %get3A_1833 = tpu.vector_load %arg6[%get3A_1831, %get3A_1832] {strides = array<i32>} : memref<80x128xf32, #tpu.memory_space<vmem>>, vector<1x16xf32>,
    %get3A_1834 = vector.shape_cast %get3A_1833 : vector<1x16xf32> to vector<16xf32>
    %add3A_1835 = arith.addf %add3A_1829, %get3A_1834 : vector<16xf32>
    %get3A_1836 = arith.constant 26 : i32
    %get3A_1837 = arith.index_cast %get3A_1836 : i32 to index
    %get3A_1838 = arith.constant 0 : index
    %get3A_1839 = tpu.vector_load %arg6[%get3A_1837, %get3A_1838] {strides = array<i32>} : memref<80x128xf32, #tpu.memory_space<vmem>>, vector<1x16xf32>,
    %get3A_1840 = vector.shape_cast %get3A_1839 : vector<1x16xf32> to vector<16xf32>
    %add3A_1841 = arith.addf %add3A_1835, %get3A_1840 : vector<16xf32>
    %get3A_1842 = arith.constant 27 : i32
    %get3A_1843 = arith.index_cast %get3A_1842 : i32 to index
    %get3A_1844 = arith.constant 0 : index
    %get3A_1845 = tpu.vector_load %arg6[%get3A_1843, %get3A_1844] {strides = array<i32>} : memref<80x128xf32, #tpu.memory_space<vmem>>, vector<1x16xf32>,
    %get3A_1846 = vector.shape_cast %get3A_1845 : vector<1x16xf32> to vector<16xf32>
    %add3A_1847 = arith.addf %add3A_1841, %get3A_1846 : vector<16xf32>
    %get3A_1848 = arith.constant 28 : i32
    %get3A_1849 = arith.index_cast %get3A_1848 : i32 to index
    %get3A_1850 = arith.constant 0 : index
    %get3A_1851 = tpu.vector_load %arg6[%get3A_1849, %get3A_1850] {strides = array<i32>} : memref<80x128xf32, #tpu.memory_space<vmem>>, vector<1x16xf32>,
    %get3A_1852 = vector.shape_cast %get3A_1851 : vector<1x16xf32> to vector<16xf32>
    %add3A_1853 = arith.addf %add3A_1847, %get3A_1852 : vector<16xf32>
    %get3A_1854 = arith.constant 29 : i32
    %get3A_1855 = arith.index_cast %get3A_1854 : i32 to index
    %get3A_1856 = arith.constant 0 : index
    %get3A_1857 = tpu.vector_load %arg6[%get3A_1855, %get3A_1856] {strides = array<i32>} : memref<80x128xf32, #tpu.memory_space<vmem>>, vector<1x16xf32>,
    %get3A_1858 = vector.shape_cast %get3A_1857 : vector<1x16xf32> to vector<16xf32>
    %add3A_1859 = arith.addf %add3A_1853, %get3A_1858 : vector<16xf32>
    %mul3A_1860 = arith.constant 1.000000e-01 : f32
    %mul3A_1861 = vector.broadcast %mul3A_1860 : f32 to vector<16xf32>
    %mul3A_1862 = arith.mulf %add3A_1859, %mul3A_1861 : vector<16xf32>
    %swap3A_1863 = arith.constant 26 : i32
    %swap3A_1864 = arith.index_cast %swap3A_1863 : i32 to index
    %swap3A_1865 = arith.constant 0 : index
    %swap3A_1866 = tpu.vector_load %arg7[%swap3A_1864, %swap3A_1865] {strides = array<i32>} : memref<32x16xf32, #tpu.memory_space<vmem>>, vector<1x16xf32>,
    %swap3A_1867 = vector.shape_cast %swap3A_1866 : vector<1x16xf32> to vector<16xf32>
    %swap3A_1868 = vector.shape_cast %mul3A_1862 : vector<16xf32> to vector<1x16xf32>
    tpu.vector_store %arg7[%swap3A_1864, %swap3A_1865], %swap3A_1868 {strides = array<i32>} : memref<32x16xf32, #tpu.memory_space<vmem>>, vector<1x16xf32>,
    %get3A_1869 = arith.constant 30 : i32
    %get3A_1870 = arith.index_cast %get3A_1869 : i32 to index
    %get3A_1871 = arith.constant 0 : index
    %get3A_1872 = tpu.vector_load %arg6[%get3A_1870, %get3A_1871] {strides = array<i32>} : memref<80x128xf32, #tpu.memory_space<vmem>>, vector<1x16xf32>,
    %get3A_1873 = vector.shape_cast %get3A_1872 : vector<1x16xf32> to vector<16xf32>
    %get3A_1874 = arith.constant 31 : i32
    %get3A_1875 = arith.index_cast %get3A_1874 : i32 to index
    %get3A_1876 = arith.constant 0 : index
    %get3A_1877 = tpu.vector_load %arg6[%get3A_1875, %get3A_1876] {strides = array<i32>} : memref<80x128xf32, #tpu.memory_space<vmem>>, vector<1x16xf32>,
    %get3A_1878 = vector.shape_cast %get3A_1877 : vector<1x16xf32> to vector<16xf32>
    %add3A_1879 = arith.addf %get3A_1873, %get3A_1878 : vector<16xf32>
    %get3A_1880 = arith.constant 32 : i32
    %get3A_1881 = arith.index_cast %get3A_1880 : i32 to index
    %get3A_1882 = arith.constant 0 : index
    %get3A_1883 = tpu.vector_load %arg6[%get3A_1881, %get3A_1882] {strides = array<i32>} : memref<80x128xf32, #tpu.memory_space<vmem>>, vector<1x16xf32>,
    %get3A_1884 = vector.shape_cast %get3A_1883 : vector<1x16xf32> to vector<16xf32>
    %add3A_1885 = arith.addf %add3A_1879, %get3A_1884 : vector<16xf32>
    %get3A_1886 = arith.constant 33 : i32
    %get3A_1887 = arith.index_cast %get3A_1886 : i32 to index
    %get3A_1888 = arith.constant 0 : index
    %get3A_1889 = tpu.vector_load %arg6[%get3A_1887, %get3A_1888] {strides = array<i32>} : memref<80x128xf32, #tpu.memory_space<vmem>>, vector<1x16xf32>,
    %get3A_1890 = vector.shape_cast %get3A_1889 : vector<1x16xf32> to vector<16xf32>
    %add3A_1891 = arith.addf %add3A_1885, %get3A_1890 : vector<16xf32>
    %get3A_1892 = arith.constant 34 : i32
    %get3A_1893 = arith.index_cast %get3A_1892 : i32 to index
    %get3A_1894 = arith.constant 0 : index
    %get3A_1895 = tpu.vector_load %arg6[%get3A_1893, %get3A_1894] {strides = array<i32>} : memref<80x128xf32, #tpu.memory_space<vmem>>, vector<1x16xf32>,
    %get3A_1896 = vector.shape_cast %get3A_1895 : vector<1x16xf32> to vector<16xf32>
    %add3A_1897 = arith.addf %add3A_1891, %get3A_1896 : vector<16xf32>
    %get3A_1898 = arith.constant 35 : i32
    %get3A_1899 = arith.index_cast %get3A_1898 : i32 to index
    %get3A_1900 = arith.constant 0 : index
    %get3A_1901 = tpu.vector_load %arg6[%get3A_1899, %get3A_1900] {strides = array<i32>} : memref<80x128xf32, #tpu.memory_space<vmem>>, vector<1x16xf32>,
    %get3A_1902 = vector.shape_cast %get3A_1901 : vector<1x16xf32> to vector<16xf32>
    %add3A_1903 = arith.addf %add3A_1897, %get3A_1902 : vector<16xf32>
    %get3A_1904 = arith.constant 36 : i32
    %get3A_1905 = arith.index_cast %get3A_1904 : i32 to index
    %get3A_1906 = arith.constant 0 : index
    %get3A_1907 = tpu.vector_load %arg6[%get3A_1905, %get3A_1906] {strides = array<i32>} : memref<80x128xf32, #tpu.memory_space<vmem>>, vector<1x16xf32>,
    %get3A_1908 = vector.shape_cast %get3A_1907 : vector<1x16xf32> to vector<16xf32>
    %add3A_1909 = arith.addf %add3A_1903, %get3A_1908 : vector<16xf32>
    %get3A_1910 = arith.constant 37 : i32
    %get3A_1911 = arith.index_cast %get3A_1910 : i32 to index
    %get3A_1912 = arith.constant 0 : index
    %get3A_1913 = tpu.vector_load %arg6[%get3A_1911, %get3A_1912] {strides = array<i32>} : memref<80x128xf32, #tpu.memory_space<vmem>>, vector<1x16xf32>,
    %get3A_1914 = vector.shape_cast %get3A_1913 : vector<1x16xf32> to vector<16xf32>
    %add3A_1915 = arith.addf %add3A_1909, %get3A_1914 : vector<16xf32>
    %get3A_1916 = arith.constant 38 : i32
    %get3A_1917 = arith.index_cast %get3A_1916 : i32 to index
    %get3A_1918 = arith.constant 0 : index
    %get3A_1919 = tpu.vector_load %arg6[%get3A_1917, %get3A_1918] {strides = array<i32>} : memref<80x128xf32, #tpu.memory_space<vmem>>, vector<1x16xf32>,
    %get3A_1920 = vector.shape_cast %get3A_1919 : vector<1x16xf32> to vector<16xf32>
    %add3A_1921 = arith.addf %add3A_1915, %get3A_1920 : vector<16xf32>
    %get3A_1922 = arith.constant 39 : i32
    %get3A_1923 = arith.index_cast %get3A_1922 : i32 to index
    %get3A_1924 = arith.constant 0 : index
    %get3A_1925 = tpu.vector_load %arg6[%get3A_1923, %get3A_1924] {strides = array<i32>} : memref<80x128xf32, #tpu.memory_space<vmem>>, vector<1x16xf32>,
    %get3A_1926 = vector.shape_cast %get3A_1925 : vector<1x16xf32> to vector<16xf32>
    %add3A_1927 = arith.addf %add3A_1921, %get3A_1926 : vector<16xf32>
    %mul3A_1928 = arith.constant 1.000000e-01 : f32
    %mul3A_1929 = vector.broadcast %mul3A_1928 : f32 to vector<16xf32>
    %mul3A_1930 = arith.mulf %add3A_1927, %mul3A_1929 : vector<16xf32>
    %swap3A_1931 = arith.constant 27 : i32
    %swap3A_1932 = arith.index_cast %swap3A_1931 : i32 to index
    %swap3A_1933 = arith.constant 0 : index
    %swap3A_1934 = tpu.vector_load %arg7[%swap3A_1932, %swap3A_1933] {strides = array<i32>} : memref<32x16xf32, #tpu.memory_space<vmem>>, vector<1x16xf32>,
    %swap3A_1935 = vector.shape_cast %swap3A_1934 : vector<1x16xf32> to vector<16xf32>
    %swap3A_1936 = vector.shape_cast %mul3A_1930 : vector<16xf32> to vector<1x16xf32>
    tpu.vector_store %arg7[%swap3A_1932, %swap3A_1933], %swap3A_1936 {strides = array<i32>} : memref<32x16xf32, #tpu.memory_space<vmem>>, vector<1x16xf32>,
    %get3A_1937 = arith.constant 40 : i32
    %get3A_1938 = arith.index_cast %get3A_1937 : i32 to index
    %get3A_1939 = arith.constant 0 : index
    %get3A_1940 = tpu.vector_load %arg6[%get3A_1938, %get3A_1939] {strides = array<i32>} : memref<80x128xf32, #tpu.memory_space<vmem>>, vector<1x16xf32>,
    %get3A_1941 = vector.shape_cast %get3A_1940 : vector<1x16xf32> to vector<16xf32>
    %get3A_1942 = arith.constant 41 : i32
    %get3A_1943 = arith.index_cast %get3A_1942 : i32 to index
    %get3A_1944 = arith.constant 0 : index
    %get3A_1945 = tpu.vector_load %arg6[%get3A_1943, %get3A_1944] {strides = array<i32>} : memref<80x128xf32, #tpu.memory_space<vmem>>, vector<1x16xf32>,
    %get3A_1946 = vector.shape_cast %get3A_1945 : vector<1x16xf32> to vector<16xf32>
    %add3A_1947 = arith.addf %get3A_1941, %get3A_1946 : vector<16xf32>
    %get3A_1948 = arith.constant 42 : i32
    %get3A_1949 = arith.index_cast %get3A_1948 : i32 to index
    %get3A_1950 = arith.constant 0 : index
    %get3A_1951 = tpu.vector_load %arg6[%get3A_1949, %get3A_1950] {strides = array<i32>} : memref<80x128xf32, #tpu.memory_space<vmem>>, vector<1x16xf32>,
    %get3A_1952 = vector.shape_cast %get3A_1951 : vector<1x16xf32> to vector<16xf32>
    %add3A_1953 = arith.addf %add3A_1947, %get3A_1952 : vector<16xf32>
    %get3A_1954 = arith.constant 43 : i32
    %get3A_1955 = arith.index_cast %get3A_1954 : i32 to index
    %get3A_1956 = arith.constant 0 : index
    %get3A_1957 = tpu.vector_load %arg6[%get3A_1955, %get3A_1956] {strides = array<i32>} : memref<80x128xf32, #tpu.memory_space<vmem>>, vector<1x16xf32>,
    %get3A_1958 = vector.shape_cast %get3A_1957 : vector<1x16xf32> to vector<16xf32>
    %add3A_1959 = arith.addf %add3A_1953, %get3A_1958 : vector<16xf32>
    %get3A_1960 = arith.constant 44 : i32
    %get3A_1961 = arith.index_cast %get3A_1960 : i32 to index
    %get3A_1962 = arith.constant 0 : index
    %get3A_1963 = tpu.vector_load %arg6[%get3A_1961, %get3A_1962] {strides = array<i32>} : memref<80x128xf32, #tpu.memory_space<vmem>>, vector<1x16xf32>,
    %get3A_1964 = vector.shape_cast %get3A_1963 : vector<1x16xf32> to vector<16xf32>
    %add3A_1965 = arith.addf %add3A_1959, %get3A_1964 : vector<16xf32>
    %get3A_1966 = arith.constant 45 : i32
    %get3A_1967 = arith.index_cast %get3A_1966 : i32 to index
    %get3A_1968 = arith.constant 0 : index
    %get3A_1969 = tpu.vector_load %arg6[%get3A_1967, %get3A_1968] {strides = array<i32>} : memref<80x128xf32, #tpu.memory_space<vmem>>, vector<1x16xf32>,
    %get3A_1970 = vector.shape_cast %get3A_1969 : vector<1x16xf32> to vector<16xf32>
    %add3A_1971 = arith.addf %add3A_1965, %get3A_1970 : vector<16xf32>
    %get3A_1972 = arith.constant 46 : i32
    %get3A_1973 = arith.index_cast %get3A_1972 : i32 to index
    %get3A_1974 = arith.constant 0 : index
    %get3A_1975 = tpu.vector_load %arg6[%get3A_1973, %get3A_1974] {strides = array<i32>} : memref<80x128xf32, #tpu.memory_space<vmem>>, vector<1x16xf32>,
    %get3A_1976 = vector.shape_cast %get3A_1975 : vector<1x16xf32> to vector<16xf32>
    %add3A_1977 = arith.addf %add3A_1971, %get3A_1976 : vector<16xf32>
    %get3A_1978 = arith.constant 47 : i32
    %get3A_1979 = arith.index_cast %get3A_1978 : i32 to index
    %get3A_1980 = arith.constant 0 : index
    %get3A_1981 = tpu.vector_load %arg6[%get3A_1979, %get3A_1980] {strides = array<i32>} : memref<80x128xf32, #tpu.memory_space<vmem>>, vector<1x16xf32>,
    %get3A_1982 = vector.shape_cast %get3A_1981 : vector<1x16xf32> to vector<16xf32>
    %add3A_1983 = arith.addf %add3A_1977, %get3A_1982 : vector<16xf32>
    %get3A_1984 = arith.constant 48 : i32
    %get3A_1985 = arith.index_cast %get3A_1984 : i32 to index
    %get3A_1986 = arith.constant 0 : index
    %get3A_1987 = tpu.vector_load %arg6[%get3A_1985, %get3A_1986] {strides = array<i32>} : memref<80x128xf32, #tpu.memory_space<vmem>>, vector<1x16xf32>,
    %get3A_1988 = vector.shape_cast %get3A_1987 : vector<1x16xf32> to vector<16xf32>
    %add3A_1989 = arith.addf %add3A_1983, %get3A_1988 : vector<16xf32>
    %get3A_1990 = arith.constant 49 : i32
    %get3A_1991 = arith.index_cast %get3A_1990 : i32 to index
    %get3A_1992 = arith.constant 0 : index
    %get3A_1993 = tpu.vector_load %arg6[%get3A_1991, %get3A_1992] {strides = array<i32>} : memref<80x128xf32, #tpu.memory_space<vmem>>, vector<1x16xf32>,
    %get3A_1994 = vector.shape_cast %get3A_1993 : vector<1x16xf32> to vector<16xf32>
    %add3A_1995 = arith.addf %add3A_1989, %get3A_1994 : vector<16xf32>
    %mul3A_1996 = arith.constant 1.000000e-01 : f32
    %mul3A_1997 = vector.broadcast %mul3A_1996 : f32 to vector<16xf32>
    %mul3A_1998 = arith.mulf %add3A_1995, %mul3A_1997 : vector<16xf32>
    %swap3A_1999 = arith.constant 28 : i32
    %swap3A_2000 = arith.index_cast %swap3A_1999 : i32 to index
    %swap3A_2001 = arith.constant 0 : index
    %swap3A_2002 = tpu.vector_load %arg7[%swap3A_2000, %swap3A_2001] {strides = array<i32>} : memref<32x16xf32, #tpu.memory_space<vmem>>, vector<1x16xf32>,
    %swap3A_2003 = vector.shape_cast %swap3A_2002 : vector<1x16xf32> to vector<16xf32>
    %swap3A_2004 = vector.shape_cast %mul3A_1998 : vector<16xf32> to vector<1x16xf32>
    tpu.vector_store %arg7[%swap3A_2000, %swap3A_2001], %swap3A_2004 {strides = array<i32>} : memref<32x16xf32, #tpu.memory_space<vmem>>, vector<1x16xf32>,
    %get3A_2005 = arith.constant 50 : i32
    %get3A_2006 = arith.index_cast %get3A_2005 : i32 to index
    %get3A_2007 = arith.constant 0 : index
    %get3A_2008 = tpu.vector_load %arg6[%get3A_2006, %get3A_2007] {strides = array<i32>} : memref<80x128xf32, #tpu.memory_space<vmem>>, vector<1x16xf32>,
    %get3A_2009 = vector.shape_cast %get3A_2008 : vector<1x16xf32> to vector<16xf32>
    %get3A_2010 = arith.constant 51 : i32
    %get3A_2011 = arith.index_cast %get3A_2010 : i32 to index
    %get3A_2012 = arith.constant 0 : index
    %get3A_2013 = tpu.vector_load %arg6[%get3A_2011, %get3A_2012] {strides = array<i32>} : memref<80x128xf32, #tpu.memory_space<vmem>>, vector<1x16xf32>,
    %get3A_2014 = vector.shape_cast %get3A_2013 : vector<1x16xf32> to vector<16xf32>
    %add3A_2015 = arith.addf %get3A_2009, %get3A_2014 : vector<16xf32>
    %get3A_2016 = arith.constant 52 : i32
    %get3A_2017 = arith.index_cast %get3A_2016 : i32 to index
    %get3A_2018 = arith.constant 0 : index
    %get3A_2019 = tpu.vector_load %arg6[%get3A_2017, %get3A_2018] {strides = array<i32>} : memref<80x128xf32, #tpu.memory_space<vmem>>, vector<1x16xf32>,
    %get3A_2020 = vector.shape_cast %get3A_2019 : vector<1x16xf32> to vector<16xf32>
    %add3A_2021 = arith.addf %add3A_2015, %get3A_2020 : vector<16xf32>
    %get3A_2022 = arith.constant 53 : i32
    %get3A_2023 = arith.index_cast %get3A_2022 : i32 to index
    %get3A_2024 = arith.constant 0 : index
    %get3A_2025 = tpu.vector_load %arg6[%get3A_2023, %get3A_2024] {strides = array<i32>} : memref<80x128xf32, #tpu.memory_space<vmem>>, vector<1x16xf32>,
    %get3A_2026 = vector.shape_cast %get3A_2025 : vector<1x16xf32> to vector<16xf32>
    %add3A_2027 = arith.addf %add3A_2021, %get3A_2026 : vector<16xf32>
    %get3A_2028 = arith.constant 54 : i32
    %get3A_2029 = arith.index_cast %get3A_2028 : i32 to index
    %get3A_2030 = arith.constant 0 : index
    %get3A_2031 = tpu.vector_load %arg6[%get3A_2029, %get3A_2030] {strides = array<i32>} : memref<80x128xf32, #tpu.memory_space<vmem>>, vector<1x16xf32>,
    %get3A_2032 = vector.shape_cast %get3A_2031 : vector<1x16xf32> to vector<16xf32>
    %add3A_2033 = arith.addf %add3A_2027, %get3A_2032 : vector<16xf32>
    %get3A_2034 = arith.constant 55 : i32
    %get3A_2035 = arith.index_cast %get3A_2034 : i32 to index
    %get3A_2036 = arith.constant 0 : index
    %get3A_2037 = tpu.vector_load %arg6[%get3A_2035, %get3A_2036] {strides = array<i32>} : memref<80x128xf32, #tpu.memory_space<vmem>>, vector<1x16xf32>,
    %get3A_2038 = vector.shape_cast %get3A_2037 : vector<1x16xf32> to vector<16xf32>
    %add3A_2039 = arith.addf %add3A_2033, %get3A_2038 : vector<16xf32>
    %get3A_2040 = arith.constant 56 : i32
    %get3A_2041 = arith.index_cast %get3A_2040 : i32 to index
    %get3A_2042 = arith.constant 0 : index
    %get3A_2043 = tpu.vector_load %arg6[%get3A_2041, %get3A_2042] {strides = array<i32>} : memref<80x128xf32, #tpu.memory_space<vmem>>, vector<1x16xf32>,
    %get3A_2044 = vector.shape_cast %get3A_2043 : vector<1x16xf32> to vector<16xf32>
    %add3A_2045 = arith.addf %add3A_2039, %get3A_2044 : vector<16xf32>
    %get3A_2046 = arith.constant 57 : i32
    %get3A_2047 = arith.index_cast %get3A_2046 : i32 to index
    %get3A_2048 = arith.constant 0 : index
    %get3A_2049 = tpu.vector_load %arg6[%get3A_2047, %get3A_2048] {strides = array<i32>} : memref<80x128xf32, #tpu.memory_space<vmem>>, vector<1x16xf32>,
    %get3A_2050 = vector.shape_cast %get3A_2049 : vector<1x16xf32> to vector<16xf32>
    %add3A_2051 = arith.addf %add3A_2045, %get3A_2050 : vector<16xf32>
    %get3A_2052 = arith.constant 58 : i32
    %get3A_2053 = arith.index_cast %get3A_2052 : i32 to index
    %get3A_2054 = arith.constant 0 : index
    %get3A_2055 = tpu.vector_load %arg6[%get3A_2053, %get3A_2054] {strides = array<i32>} : memref<80x128xf32, #tpu.memory_space<vmem>>, vector<1x16xf32>,
    %get3A_2056 = vector.shape_cast %get3A_2055 : vector<1x16xf32> to vector<16xf32>
    %add3A_2057 = arith.addf %add3A_2051, %get3A_2056 : vector<16xf32>
    %get3A_2058 = arith.constant 59 : i32
    %get3A_2059 = arith.index_cast %get3A_2058 : i32 to index
    %get3A_2060 = arith.constant 0 : index
    %get3A_2061 = tpu.vector_load %arg6[%get3A_2059, %get3A_2060] {strides = array<i32>} : memref<80x128xf32, #tpu.memory_space<vmem>>, vector<1x16xf32>,
    %get3A_2062 = vector.shape_cast %get3A_2061 : vector<1x16xf32> to vector<16xf32>
    %add3A_2063 = arith.addf %add3A_2057, %get3A_2062 : vector<16xf32>
    %mul3A_2064 = arith.constant 1.000000e-01 : f32
    %mul3A_2065 = vector.broadcast %mul3A_2064 : f32 to vector<16xf32>
    %mul3A_2066 = arith.mulf %add3A_2063, %mul3A_2065 : vector<16xf32>
    %swap3A_2067 = arith.constant 29 : i32
    %swap3A_2068 = arith.index_cast %swap3A_2067 : i32 to index
    %swap3A_2069 = arith.constant 0 : index
    %swap3A_2070 = tpu.vector_load %arg7[%swap3A_2068, %swap3A_2069] {strides = array<i32>} : memref<32x16xf32, #tpu.memory_space<vmem>>, vector<1x16xf32>,
    %swap3A_2071 = vector.shape_cast %swap3A_2070 : vector<1x16xf32> to vector<16xf32>
    %swap3A_2072 = vector.shape_cast %mul3A_2066 : vector<16xf32> to vector<1x16xf32>
    tpu.vector_store %arg7[%swap3A_2068, %swap3A_2069], %swap3A_2072 {strides = array<i32>} : memref<32x16xf32, #tpu.memory_space<vmem>>, vector<1x16xf32>,
    %get3A_2073 = arith.constant 60 : i32
    %get3A_2074 = arith.index_cast %get3A_2073 : i32 to index
    %get3A_2075 = arith.constant 0 : index
    %get3A_2076 = tpu.vector_load %arg6[%get3A_2074, %get3A_2075] {strides = array<i32>} : memref<80x128xf32, #tpu.memory_space<vmem>>, vector<1x16xf32>,
    %get3A_2077 = vector.shape_cast %get3A_2076 : vector<1x16xf32> to vector<16xf32>
    %get3A_2078 = arith.constant 61 : i32
    %get3A_2079 = arith.index_cast %get3A_2078 : i32 to index
    %get3A_2080 = arith.constant 0 : index
    %get3A_2081 = tpu.vector_load %arg6[%get3A_2079, %get3A_2080] {strides = array<i32>} : memref<80x128xf32, #tpu.memory_space<vmem>>, vector<1x16xf32>,
    %get3A_2082 = vector.shape_cast %get3A_2081 : vector<1x16xf32> to vector<16xf32>
    %add3A_2083 = arith.addf %get3A_2077, %get3A_2082 : vector<16xf32>
    %get3A_2084 = arith.constant 62 : i32
    %get3A_2085 = arith.index_cast %get3A_2084 : i32 to index
    %get3A_2086 = arith.constant 0 : index
    %get3A_2087 = tpu.vector_load %arg6[%get3A_2085, %get3A_2086] {strides = array<i32>} : memref<80x128xf32, #tpu.memory_space<vmem>>, vector<1x16xf32>,
    %get3A_2088 = vector.shape_cast %get3A_2087 : vector<1x16xf32> to vector<16xf32>
    %add3A_2089 = arith.addf %add3A_2083, %get3A_2088 : vector<16xf32>
    %get3A_2090 = arith.constant 63 : i32
    %get3A_2091 = arith.index_cast %get3A_2090 : i32 to index
    %get3A_2092 = arith.constant 0 : index
    %get3A_2093 = tpu.vector_load %arg6[%get3A_2091, %get3A_2092] {strides = array<i32>} : memref<80x128xf32, #tpu.memory_space<vmem>>, vector<1x16xf32>,
    %get3A_2094 = vector.shape_cast %get3A_2093 : vector<1x16xf32> to vector<16xf32>
    %add3A_2095 = arith.addf %add3A_2089, %get3A_2094 : vector<16xf32>
    %get3A_2096 = arith.constant 64 : i32
    %get3A_2097 = arith.index_cast %get3A_2096 : i32 to index
    %get3A_2098 = arith.constant 0 : index
    %get3A_2099 = tpu.vector_load %arg6[%get3A_2097, %get3A_2098] {strides = array<i32>} : memref<80x128xf32, #tpu.memory_space<vmem>>, vector<1x16xf32>,
    %get3A_2100 = vector.shape_cast %get3A_2099 : vector<1x16xf32> to vector<16xf32>
    %add3A_2101 = arith.addf %add3A_2095, %get3A_2100 : vector<16xf32>
    %get3A_2102 = arith.constant 65 : i32
    %get3A_2103 = arith.index_cast %get3A_2102 : i32 to index
    %get3A_2104 = arith.constant 0 : index
    %get3A_2105 = tpu.vector_load %arg6[%get3A_2103, %get3A_2104] {strides = array<i32>} : memref<80x128xf32, #tpu.memory_space<vmem>>, vector<1x16xf32>,
    %get3A_2106 = vector.shape_cast %get3A_2105 : vector<1x16xf32> to vector<16xf32>
    %add3A_2107 = arith.addf %add3A_2101, %get3A_2106 : vector<16xf32>
    %get3A_2108 = arith.constant 66 : i32
    %get3A_2109 = arith.index_cast %get3A_2108 : i32 to index
    %get3A_2110 = arith.constant 0 : index
    %get3A_2111 = tpu.vector_load %arg6[%get3A_2109, %get3A_2110] {strides = array<i32>} : memref<80x128xf32, #tpu.memory_space<vmem>>, vector<1x16xf32>,
    %get3A_2112 = vector.shape_cast %get3A_2111 : vector<1x16xf32> to vector<16xf32>
    %add3A_2113 = arith.addf %add3A_2107, %get3A_2112 : vector<16xf32>
    %get3A_2114 = arith.constant 67 : i32
    %get3A_2115 = arith.index_cast %get3A_2114 : i32 to index
    %get3A_2116 = arith.constant 0 : index
    %get3A_2117 = tpu.vector_load %arg6[%get3A_2115, %get3A_2116] {strides = array<i32>} : memref<80x128xf32, #tpu.memory_space<vmem>>, vector<1x16xf32>,
    %get3A_2118 = vector.shape_cast %get3A_2117 : vector<1x16xf32> to vector<16xf32>
    %add3A_2119 = arith.addf %add3A_2113, %get3A_2118 : vector<16xf32>
    %get3A_2120 = arith.constant 68 : i32
    %get3A_2121 = arith.index_cast %get3A_2120 : i32 to index
    %get3A_2122 = arith.constant 0 : index
    %get3A_2123 = tpu.vector_load %arg6[%get3A_2121, %get3A_2122] {strides = array<i32>} : memref<80x128xf32, #tpu.memory_space<vmem>>, vector<1x16xf32>,
    %get3A_2124 = vector.shape_cast %get3A_2123 : vector<1x16xf32> to vector<16xf32>
    %add3A_2125 = arith.addf %add3A_2119, %get3A_2124 : vector<16xf32>
    %get3A_2126 = arith.constant 69 : i32
    %get3A_2127 = arith.index_cast %get3A_2126 : i32 to index
    %get3A_2128 = arith.constant 0 : index
    %get3A_2129 = tpu.vector_load %arg6[%get3A_2127, %get3A_2128] {strides = array<i32>} : memref<80x128xf32, #tpu.memory_space<vmem>>, vector<1x16xf32>,
    %get3A_2130 = vector.shape_cast %get3A_2129 : vector<1x16xf32> to vector<16xf32>
    %add3A_2131 = arith.addf %add3A_2125, %get3A_2130 : vector<16xf32>
    %mul3A_2132 = arith.constant 1.000000e-01 : f32
    %mul3A_2133 = vector.broadcast %mul3A_2132 : f32 to vector<16xf32>
    %mul3A_2134 = arith.mulf %add3A_2131, %mul3A_2133 : vector<16xf32>
    %swap3A_2135 = arith.constant 30 : i32
    %swap3A_2136 = arith.index_cast %swap3A_2135 : i32 to index
    %swap3A_2137 = arith.constant 0 : index
    %swap3A_2138 = tpu.vector_load %arg7[%swap3A_2136, %swap3A_2137] {strides = array<i32>} : memref<32x16xf32, #tpu.memory_space<vmem>>, vector<1x16xf32>,
    %swap3A_2139 = vector.shape_cast %swap3A_2138 : vector<1x16xf32> to vector<16xf32>
    %swap3A_2140 = vector.shape_cast %mul3A_2134 : vector<16xf32> to vector<1x16xf32>
    tpu.vector_store %arg7[%swap3A_2136, %swap3A_2137], %swap3A_2140 {strides = array<i32>} : memref<32x16xf32, #tpu.memory_space<vmem>>, vector<1x16xf32>,
    %get3A_2141 = arith.constant 70 : i32
    %get3A_2142 = arith.index_cast %get3A_2141 : i32 to index
    %get3A_2143 = arith.constant 0 : index
    %get3A_2144 = tpu.vector_load %arg6[%get3A_2142, %get3A_2143] {strides = array<i32>} : memref<80x128xf32, #tpu.memory_space<vmem>>, vector<1x16xf32>,
    %get3A_2145 = vector.shape_cast %get3A_2144 : vector<1x16xf32> to vector<16xf32>
    %get3A_2146 = arith.constant 71 : i32
    %get3A_2147 = arith.index_cast %get3A_2146 : i32 to index
    %get3A_2148 = arith.constant 0 : index
    %get3A_2149 = tpu.vector_load %arg6[%get3A_2147, %get3A_2148] {strides = array<i32>} : memref<80x128xf32, #tpu.memory_space<vmem>>, vector<1x16xf32>,
    %get3A_2150 = vector.shape_cast %get3A_2149 : vector<1x16xf32> to vector<16xf32>
    %add3A_2151 = arith.addf %get3A_2145, %get3A_2150 : vector<16xf32>
    %get3A_2152 = arith.constant 72 : i32
    %get3A_2153 = arith.index_cast %get3A_2152 : i32 to index
    %get3A_2154 = arith.constant 0 : index
    %get3A_2155 = tpu.vector_load %arg6[%get3A_2153, %get3A_2154] {strides = array<i32>} : memref<80x128xf32, #tpu.memory_space<vmem>>, vector<1x16xf32>,
    %get3A_2156 = vector.shape_cast %get3A_2155 : vector<1x16xf32> to vector<16xf32>
    %add3A_2157 = arith.addf %add3A_2151, %get3A_2156 : vector<16xf32>
    %get3A_2158 = arith.constant 73 : i32
    %get3A_2159 = arith.index_cast %get3A_2158 : i32 to index
    %get3A_2160 = arith.constant 0 : index
    %get3A_2161 = tpu.vector_load %arg6[%get3A_2159, %get3A_2160] {strides = array<i32>} : memref<80x128xf32, #tpu.memory_space<vmem>>, vector<1x16xf32>,
    %get3A_2162 = vector.shape_cast %get3A_2161 : vector<1x16xf32> to vector<16xf32>
    %add3A_2163 = arith.addf %add3A_2157, %get3A_2162 : vector<16xf32>
    %get3A_2164 = arith.constant 74 : i32
    %get3A_2165 = arith.index_cast %get3A_2164 : i32 to index
    %get3A_2166 = arith.constant 0 : index
    %get3A_2167 = tpu.vector_load %arg6[%get3A_2165, %get3A_2166] {strides = array<i32>} : memref<80x128xf32, #tpu.memory_space<vmem>>, vector<1x16xf32>,
    %get3A_2168 = vector.shape_cast %get3A_2167 : vector<1x16xf32> to vector<16xf32>
    %add3A_2169 = arith.addf %add3A_2163, %get3A_2168 : vector<16xf32>
    %get3A_2170 = arith.constant 75 : i32
    %get3A_2171 = arith.index_cast %get3A_2170 : i32 to index
    %get3A_2172 = arith.constant 0 : index
    %get3A_2173 = tpu.vector_load %arg6[%get3A_2171, %get3A_2172] {strides = array<i32>} : memref<80x128xf32, #tpu.memory_space<vmem>>, vector<1x16xf32>,
    %get3A_2174 = vector.shape_cast %get3A_2173 : vector<1x16xf32> to vector<16xf32>
    %add3A_2175 = arith.addf %add3A_2169, %get3A_2174 : vector<16xf32>
    %get3A_2176 = arith.constant 76 : i32
    %get3A_2177 = arith.index_cast %get3A_2176 : i32 to index
    %get3A_2178 = arith.constant 0 : index
    %get3A_2179 = tpu.vector_load %arg6[%get3A_2177, %get3A_2178] {strides = array<i32>} : memref<80x128xf32, #tpu.memory_space<vmem>>, vector<1x16xf32>,
    %get3A_2180 = vector.shape_cast %get3A_2179 : vector<1x16xf32> to vector<16xf32>
    %add3A_2181 = arith.addf %add3A_2175, %get3A_2180 : vector<16xf32>
    %get3A_2182 = arith.constant 77 : i32
    %get3A_2183 = arith.index_cast %get3A_2182 : i32 to index
    %get3A_2184 = arith.constant 0 : index
    %get3A_2185 = tpu.vector_load %arg6[%get3A_2183, %get3A_2184] {strides = array<i32>} : memref<80x128xf32, #tpu.memory_space<vmem>>, vector<1x16xf32>,
    %get3A_2186 = vector.shape_cast %get3A_2185 : vector<1x16xf32> to vector<16xf32>
    %add3A_2187 = arith.addf %add3A_2181, %get3A_2186 : vector<16xf32>
    %get3A_2188 = arith.constant 78 : i32
    %get3A_2189 = arith.index_cast %get3A_2188 : i32 to index
    %get3A_2190 = arith.constant 0 : index
    %get3A_2191 = tpu.vector_load %arg6[%get3A_2189, %get3A_2190] {strides = array<i32>} : memref<80x128xf32, #tpu.memory_space<vmem>>, vector<1x16xf32>,
    %get3A_2192 = vector.shape_cast %get3A_2191 : vector<1x16xf32> to vector<16xf32>
    %add3A_2193 = arith.addf %add3A_2187, %get3A_2192 : vector<16xf32>
    %get3A_2194 = arith.constant 79 : i32
    %get3A_2195 = arith.index_cast %get3A_2194 : i32 to index
    %get3A_2196 = arith.constant 0 : index
    %get3A_2197 = tpu.vector_load %arg6[%get3A_2195, %get3A_2196] {strides = array<i32>} : memref<80x128xf32, #tpu.memory_space<vmem>>, vector<1x16xf32>,
    %get3A_2198 = vector.shape_cast %get3A_2197 : vector<1x16xf32> to vector<16xf32>
    %add3A_2199 = arith.addf %add3A_2193, %get3A_2198 : vector<16xf32>
    %mul3A_2200 = arith.constant 1.000000e-01 : f32
    %mul3A_2201 = vector.broadcast %mul3A_2200 : f32 to vector<16xf32>
    %mul3A_2202 = arith.mulf %add3A_2199, %mul3A_2201 : vector<16xf32>
    %swap3A_2203 = arith.constant 31 : i32
    %swap3A_2204 = arith.index_cast %swap3A_2203 : i32 to index
    %swap3A_2205 = arith.constant 0 : index
    %swap3A_2206 = tpu.vector_load %arg7[%swap3A_2204, %swap3A_2205] {strides = array<i32>} : memref<32x16xf32, #tpu.memory_space<vmem>>, vector<1x16xf32>,
    %swap3A_2207 = vector.shape_cast %swap3A_2206 : vector<1x16xf32> to vector<16xf32>
    %swap3A_2208 = vector.shape_cast %mul3A_2202 : vector<16xf32> to vector<1x16xf32>
    tpu.vector_store %arg7[%swap3A_2204, %swap3A_2205], %swap3A_2208 {strides = array<i32>} : memref<32x16xf32, #tpu.memory_space<vmem>>, vector<1x16xf32>,
    %mul3A_2209 = arith.constant 32 : i32
    %mul3A_2210 = arith.muli %add3A, %mul3A_2209 : i32
    "tpu.region"() ({
      %run_scoped3A = tpu.sem_alloc : memref<!tpu.dma_semaphore, #tpu.memory_space<semaphore_mem>>
      %dma_start3A_2211 = arith.constant 0 : i32
      %dma_start3A_2212 = tpu.memref_slice %arg4[%mul3A_2210, %dma_start3A_2211] : memref<1024x16xf32, #tpu.memory_space<hbm>> -> memref<32x16xf32, #tpu.memory_space<hbm>>
      %dma_start3A_2213 = arith.constant 0 : i32
      %dma_start3A_2214 = tpu.memref_slice %arg4[%mul3A_2210, %dma_start3A_2213] : memref<1024x16xf32, #tpu.memory_space<hbm>> -> memref<32x16xf32, #tpu.memory_space<hbm>>
      tpu.enqueue_dma source(%arg7 : memref<32x16xf32, #tpu.memory_space<vmem>>) target(%dma_start3A_2214 : memref<32x16xf32, #tpu.memory_space<hbm>>) target_semaphore(%run_scoped3A : memref<!tpu.dma_semaphore, #tpu.memory_space<semaphore_mem>>)
      %dma_wait3A_2215 = arith.constant 0 : i32
      %dma_wait3A_2216 = tpu.memref_slice %arg4[%mul3A_2210, %dma_wait3A_2215] : memref<1024x16xf32, #tpu.memory_space<hbm>> -> memref<32x16xf32, #tpu.memory_space<hbm>>
      %dma_wait3A_2217 = arith.constant 0 : i32
      %dma_wait3A_2218 = tpu.memref_slice %arg4[%mul3A_2210, %dma_wait3A_2217] : memref<1024x16xf32, #tpu.memory_space<hbm>> -> memref<32x16xf32, #tpu.memory_space<hbm>>
      tpu.wait_dma2 semaphore(%run_scoped3A : memref<!tpu.dma_semaphore, #tpu.memory_space<semaphore_mem>>) src(%arg7 : memref<32x16xf32, #tpu.memory_space<vmem>>) dst(%dma_wait3A_2218 : memref<32x16xf32, #tpu.memory_space<hbm>>)
      tpu.yield
    }) : () -> ()
    return
  }
}

module attributes {stable_mosaic.version = 14 : i64} {
  func.func @_linear_relu_body(%arg0: memref<1024x16xf32, #tpu.memory_space<vmem>>, %arg1: memref<16x16xf32, #tpu.memory_space<vmem>>, %arg2: memref<1x16xf32, #tpu.memory_space<vmem>>, %arg3: memref<1024x16xf32, #tpu.memory_space<vmem>>) attributes {dimension_semantics = [], scalar_prefetch = 0 : i64, scratch_operands = 0 : i64, tpu.core_type = #tpu.core_type<tc>} {
    %get3A = arith.constant 0 : index
    %get3A_0 = arith.constant 0 : index
    %get3A_1 = vector.load %arg0[%get3A, %get3A_0] : memref<1024x16xf32, #tpu.memory_space<vmem>>, vector<1024x16xf32>
    %get3A_2 = arith.constant 0 : index
    %get3A_3 = arith.constant 0 : index
    %get3A_4 = vector.load %arg1[%get3A_2, %get3A_3] : memref<16x16xf32, #tpu.memory_space<vmem>>, vector<16x16xf32>
    %dot_general3A = arith.constant dense<0.000000e+00> : vector<1024x16xf32>
    %dot_general3A_5 = tpu.matmul %get3A_1, %get3A_4, %dot_general3A {dimension_numbers = #tpu.dot_dimension_numbers<[1], [1], [0], [0], [0, 0, 1, 0], [], []>, transpose_lhs_hint = false} : vector<1024x16xf32>, vector<16x16xf32>, vector<1024x16xf32> -> vector<1024x16xf32>
    %get3A_6 = arith.constant 0 : index
    %get3A_7 = arith.constant 0 : index
    %get3A_8 = vector.load %arg2[%get3A_6, %get3A_7] : memref<1x16xf32, #tpu.memory_space<vmem>>, vector<1x16xf32>
    %add3A = vector.broadcast %get3A_8 : vector<1x16xf32> to vector<1024x16xf32>
    %add3A_9 = arith.addf %dot_general3A_5, %add3A : vector<1024x16xf32>
    %max3A = arith.constant 0.000000e+00 : f32
    %max3A_10 = vector.broadcast %max3A : f32 to vector<1024x16xf32>
    %max3A_11 = arith.maximumf %add3A_9, %max3A_10 : vector<1024x16xf32>
    %swap3A = arith.constant 0 : index
    %swap3A_12 = arith.constant 0 : index
    %swap3A_13 = vector.load %arg3[%swap3A, %swap3A_12] : memref<1024x16xf32, #tpu.memory_space<vmem>>, vector<1024x16xf32>
    tpu.vector_store %arg3[%swap3A, %swap3A_12], %max3A_11 {strides = array<i32>} : memref<1024x16xf32, #tpu.memory_space<vmem>>, vector<1024x16xf32>,
    return
  }
}

module attributes {stable_mosaic.version = 14 : i64} {
  func.func @_keys_body(%arg0: i32, %arg1: memref<1024x16xf32, #tpu.memory_space<vmem>>, %arg2: memref<16x16xf32, #tpu.memory_space<vmem>>, %arg3: memref<16x1xf32, #tpu.memory_space<vmem>>, %arg4: memref<1x16xf32, #tpu.memory_space<vmem>>, %arg5: memref<16x1024xf32, #tpu.memory_space<vmem>>, %arg6: memref<1024x128xf32, #tpu.memory_space<vmem>>) attributes {dimension_semantics = [#tpu.dimension_semantics<arbitrary>], iteration_bounds = array<i64: 100>, scalar_prefetch = 0 : i64, scratch_operands = 0 : i64, tpu.core_type = #tpu.core_type<tc>, window_params = [{transform_indices = @transform_0, window_bounds = array<i64: 1024, 16>}, {pipeline_mode = #tpu.pipeline_mode<synchronous>, transform_indices = @transform_1, window_bounds = array<i64: 16, 16>}, {pipeline_mode = #tpu.pipeline_mode<synchronous>, transform_indices = @transform_2, window_bounds = array<i64: 16, 1>}, {pipeline_mode = #tpu.pipeline_mode<synchronous>, transform_indices = @transform_3, window_bounds = array<i64: 1, 16>}, {transform_indices = @transform_4, window_bounds = array<i64: 16, 1024>}, {transform_indices = @transform_5, window_bounds = array<i64: 1024, 128>}]} {
    %get3A = arith.constant 0 : index
    %get3A_0 = arith.constant 0 : index
    %get3A_1 = vector.load %arg1[%get3A, %get3A_0] : memref<1024x16xf32, #tpu.memory_space<vmem>>, vector<1024x16xf32>
    %get3A_2 = arith.constant 0 : index
    %get3A_3 = arith.constant 0 : index
    %get3A_4 = vector.load %arg2[%get3A_2, %get3A_3] : memref<16x16xf32, #tpu.memory_space<vmem>>, vector<16x16xf32>
    %dot_general3A = arith.constant dense<0.000000e+00> : vector<16x1024xf32>
    %dot_general3A_5 = tpu.matmul %get3A_4, %get3A_1, %dot_general3A {dimension_numbers = #tpu.dot_dimension_numbers<[1], [1], [0], [0], [0, 0, 1, 0], [], []>, transpose_lhs_hint = false} : vector<16x16xf32>, vector<1024x16xf32>, vector<16x1024xf32> -> vector<16x1024xf32>
    %get3A_6 = arith.constant 0 : index
    %get3A_7 = arith.constant 0 : index
    %get3A_8 = vector.load %arg3[%get3A_6, %get3A_7] : memref<16x1xf32, #tpu.memory_space<vmem>>, vector<16x1xf32>
    %add3A = vector.broadcast %get3A_8 : vector<16x1xf32> to vector<16x1024xf32>
    %add3A_9 = arith.addf %dot_general3A_5, %add3A : vector<16x1024xf32>
    %max3A = arith.constant 0.000000e+00 : f32
    %max3A_10 = vector.broadcast %max3A : f32 to vector<16x1024xf32>
    %max3A_11 = arith.maximumf %add3A_9, %max3A_10 : vector<16x1024xf32>
    %swap3A = arith.constant 0 : index
    %swap3A_12 = arith.constant 0 : index
    %swap3A_13 = vector.load %arg5[%swap3A, %swap3A_12] : memref<16x1024xf32, #tpu.memory_space<vmem>>, vector<16x1024xf32>
    tpu.vector_store %arg5[%swap3A, %swap3A_12], %max3A_11 {strides = array<i32>} : memref<16x1024xf32, #tpu.memory_space<vmem>>, vector<16x1024xf32>,
    %dot_general3A_14 = arith.constant dense<0.000000e+00> : vector<1024x16xf32>
    %dot_general3A_15 = tpu.matmul %get3A_1, %get3A_4, %dot_general3A_14 {dimension_numbers = #tpu.dot_dimension_numbers<[1], [1], [0], [0], [0, 0, 1, 0], [], []>, transpose_lhs_hint = false} : vector<1024x16xf32>, vector<16x16xf32>, vector<1024x16xf32> -> vector<1024x16xf32>
    %get3A_16 = arith.constant 0 : index
    %get3A_17 = arith.constant 0 : index
    %get3A_18 = vector.load %arg4[%get3A_16, %get3A_17] : memref<1x16xf32, #tpu.memory_space<vmem>>, vector<1x16xf32>
    %add3A_19 = vector.broadcast %get3A_18 : vector<1x16xf32> to vector<1024x16xf32>
    %add3A_20 = arith.addf %dot_general3A_15, %add3A_19 : vector<1024x16xf32>
    %max3A_21 = arith.constant 0.000000e+00 : f32
    %max3A_22 = vector.broadcast %max3A_21 : f32 to vector<1024x16xf32>
    %max3A_23 = arith.maximumf %add3A_20, %max3A_22 : vector<1024x16xf32>
    %broadcast_in_dim3A = arith.constant 0.000000e+00 : f32
    %broadcast_in_dim3A_24 = vector.broadcast %broadcast_in_dim3A : f32 to vector<1024x112xf32>
    %concatenate3A = tpu.concatenate %max3A_23, %broadcast_in_dim3A_24 in 1 : vector<1024x16xf32>, vector<1024x112xf32> -> vector<1024x128xf32>
    %swap3A_25 = arith.constant 0 : index
    %swap3A_26 = arith.constant 0 : index
    %swap3A_27 = vector.load %arg6[%swap3A_25, %swap3A_26] : memref<1024x128xf32, #tpu.memory_space<vmem>>, vector<1024x128xf32>
    tpu.vector_store %arg6[%swap3A_25, %swap3A_26], %concatenate3A {strides = array<i32>} : memref<1024x128xf32, #tpu.memory_space<vmem>>, vector<1024x128xf32>,
    return
  }
  func.func @transform_0(%arg0: i32) -> (i32, i32) {
    %c0_i32 = arith.constant 0 : i32
    %c0_i32_0 = arith.constant 0 : i32
    return %arg0, %c0_i32 : i32, i32
  }
  func.func @transform_1(%arg0: i32) -> (i32, i32) {
    %c0_i32 = arith.constant 0 : i32
    %c0_i32_0 = arith.constant 0 : i32
    %c0_i32_1 = arith.constant 0 : i32
    return %c0_i32, %c0_i32_0 : i32, i32
  }
  func.func @transform_2(%arg0: i32) -> (i32, i32) {
    %c0_i32 = arith.constant 0 : i32
    %c0_i32_0 = arith.constant 0 : i32
    %c0_i32_1 = arith.constant 0 : i32
    return %c0_i32, %c0_i32_0 : i32, i32
  }
  func.func @transform_3(%arg0: i32) -> (i32, i32) {
    %c0_i32 = arith.constant 0 : i32
    %c0_i32_0 = arith.constant 0 : i32
    %c0_i32_1 = arith.constant 0 : i32
    return %c0_i32, %c0_i32_0 : i32, i32
  }
  func.func @transform_4(%arg0: i32) -> (i32, i32) {
    %c0_i32 = arith.constant 0 : i32
    %c0_i32_0 = arith.constant 0 : i32
    return %c0_i32, %arg0 : i32, i32
  }
  func.func @transform_5(%arg0: i32) -> (i32, i32) {
    %c0_i32 = arith.constant 0 : i32
    %c0_i32_0 = arith.constant 0 : i32
    return %arg0, %c0_i32 : i32, i32
  }
}

module attributes {stable_mosaic.version = 14 : i64} {
  func.func @_pass1_body(%arg0: i32, %arg1: i32, %arg2: memref<512x16xf32, #tpu.memory_space<vmem>>, %arg3: memref<16x4096xf32, #tpu.memory_space<vmem>>, %arg4: memref<512x1xf32, #tpu.memory_space<vmem>>, %arg5: memref<512x1xf32, #tpu.memory_space<vmem>>, %arg6: memref<512x10xi32, #tpu.memory_space<vmem>>, %arg7: memref<512x10xf32, #tpu.memory_space<vmem>>, %arg8: memref<512x10xf32, #tpu.memory_space<vmem>>, %arg9: memref<8x512x10xf32, #tpu.memory_space<vmem>>, %arg10: memref<8x512x10xf32, #tpu.memory_space<vmem>>) attributes {dimension_semantics = [#tpu.dimension_semantics<arbitrary>, #tpu.dimension_semantics<arbitrary>], iteration_bounds = array<i64: 2, 25>, scalar_prefetch = 0 : i64, scratch_operands = 4 : i64, tpu.core_type = #tpu.core_type<tc>, window_params = [{transform_indices = @transform_0, window_bounds = array<i64: 512, 16>}, {transform_indices = @transform_1, window_bounds = array<i64: 16, 4096>}, {transform_indices = @transform_2, window_bounds = array<i64: 512, 1>}, {transform_indices = @transform_3, window_bounds = array<i64: 512, 1>}, {transform_indices = @transform_4, window_bounds = array<i64: 512, 10>}]} {
    %get3A = arith.constant 0 : index
    %get3A_0 = arith.constant 0 : index
    %get3A_1 = vector.load %arg2[%get3A, %get3A_0] : memref<512x16xf32, #tpu.memory_space<vmem>>, vector<512x16xf32>
    %get3A_2 = arith.constant 0 : index
    %get3A_3 = arith.constant 0 : index
    %get3A_4 = vector.load %arg3[%get3A_2, %get3A_3] : memref<16x4096xf32, #tpu.memory_space<vmem>>, vector<16x4096xf32>
    %dot_general3A = arith.constant dense<0.000000e+00> : vector<512x4096xf32>
    %dot_general3A_5 = tpu.matmul %get3A_1, %get3A_4, %dot_general3A {dimension_numbers = #tpu.dot_dimension_numbers<[1], [0], [0], [1], [0, 0, 1, 1], [], []>, transpose_lhs_hint = false} : vector<512x16xf32>, vector<16x4096xf32>, vector<512x4096xf32> -> vector<512x4096xf32>
    %mul3A = arith.constant 0.0883883461 : f32
    %mul3A_6 = vector.broadcast %mul3A : f32 to vector<512x4096xf32>
    %mul3A_7 = arith.mulf %dot_general3A_5, %mul3A_6 : vector<512x4096xf32>
    %iota3A = tpu.iota {dimensions = array<i32: 1>} : vector<1x4096xi32>
    %convert_element_type3A = arith.sitofp %iota3A : vector<1x4096xi32> to vector<1x4096xf32>
    %mul3A_8 = arith.constant 4096 : i32
    %mul3A_9 = arith.muli %arg1, %mul3A_8 : i32
    %convert_element_type3A_10 = arith.sitofp %mul3A_9 : i32 to f32
    %add3A = vector.broadcast %convert_element_type3A_10 : f32 to vector<1x4096xf32>
    %add3A_11 = arith.addf %convert_element_type3A, %add3A : vector<1x4096xf32>
    %lt3A = arith.constant 1.000000e+05 : f32
    %lt3A_12 = vector.broadcast %lt3A : f32 to vector<1x4096xf32>
    %lt3A_13 = arith.cmpf olt, %add3A_11, %lt3A_12 : vector<1x4096xf32>
    %jit3A = arith.constant -1.000000e+30 : f32
    %broadcast_in_dim3A = vector.shape_cast %lt3A_13 : vector<1x4096xi1> to vector<1x4096xi1>
    %broadcast_in_dim3A_14 = vector.broadcast %broadcast_in_dim3A : vector<1x4096xi1> to vector<512x4096xi1>
    %broadcast_in_dim3A_15 = vector.broadcast %jit3A : f32 to vector<512x4096xf32>
    %select_n3A = arith.select %broadcast_in_dim3A_14, %mul3A_7, %broadcast_in_dim3A_15 : vector<512x4096xi1>, vector<512x4096xf32>
    %eq3A = arith.constant 0 : i32
    %eq3A_16 = arith.cmpi eq, %arg1, %eq3A : i32
    %convert_element_type3A_17 = arith.extui %eq3A_16 : i1 to i32
    %cond3A = arith.constant 0 : i32
    %cond3A_18 = arith.cmpi ne, %convert_element_type3A_17, %cond3A : i32
    scf.if %cond3A_18 {
      %broadcast_in_dim3A_252 = arith.constant 0.000000e+00 : f32
      %broadcast_in_dim3A_253 = vector.broadcast %broadcast_in_dim3A_252 : f32 to vector<512x1xf32>
      %swap3A_254 = arith.constant 0 : index
      %swap3A_255 = arith.constant 0 : index
      %swap3A_256 = vector.load %arg4[%swap3A_254, %swap3A_255] : memref<512x1xf32, #tpu.memory_space<vmem>>, vector<512x1xf32>
      tpu.vector_store %arg4[%swap3A_254, %swap3A_255], %broadcast_in_dim3A_253 {strides = array<i32>} : memref<512x1xf32, #tpu.memory_space<vmem>>, vector<512x1xf32>,
      %broadcast_in_dim3A_257 = arith.constant 0.000000e+00 : f32
      %broadcast_in_dim3A_258 = vector.broadcast %broadcast_in_dim3A_257 : f32 to vector<512x1xf32>
      %swap3A_259 = arith.constant 0 : index
      %swap3A_260 = arith.constant 0 : index
      %swap3A_261 = vector.load %arg5[%swap3A_259, %swap3A_260] : memref<512x1xf32, #tpu.memory_space<vmem>>, vector<512x1xf32>
      tpu.vector_store %arg5[%swap3A_259, %swap3A_260], %broadcast_in_dim3A_258 {strides = array<i32>} : memref<512x1xf32, #tpu.memory_space<vmem>>, vector<512x1xf32>,
      %broadcast_in_dim3A_262 = arith.constant -1.000000e+00 : f32
      %broadcast_in_dim3A_263 = vector.broadcast %broadcast_in_dim3A_262 : f32 to vector<512x10xf32>
      %swap3A_264 = arith.constant 0 : index
      %swap3A_265 = arith.constant 0 : index
      %swap3A_266 = vector.load %arg7[%swap3A_264, %swap3A_265] : memref<512x10xf32, #tpu.memory_space<vmem>>, vector<512x10xf32>
      tpu.vector_store %arg7[%swap3A_264, %swap3A_265], %broadcast_in_dim3A_263 {strides = array<i32>} : memref<512x10xf32, #tpu.memory_space<vmem>>, vector<512x10xf32>,
      %broadcast_in_dim3A_267 = arith.constant 1.07374182E+9 : f32
      %broadcast_in_dim3A_268 = vector.broadcast %broadcast_in_dim3A_267 : f32 to vector<512x10xf32>
      %swap3A_269 = arith.constant 0 : index
      %swap3A_270 = arith.constant 0 : index
      %swap3A_271 = vector.load %arg8[%swap3A_269, %swap3A_270] : memref<512x10xf32, #tpu.memory_space<vmem>>, vector<512x10xf32>
      tpu.vector_store %arg8[%swap3A_269, %swap3A_270], %broadcast_in_dim3A_268 {strides = array<i32>} : memref<512x10xf32, #tpu.memory_space<vmem>>, vector<512x10xf32>,
    } else {
    }
    %get3A_19 = arith.constant 0 : index
    %get3A_20 = arith.constant 0 : index
    %get3A_21 = vector.load %arg4[%get3A_19, %get3A_20] : memref<512x1xf32, #tpu.memory_space<vmem>>, vector<512x1xf32>
    %get3A_22 = arith.constant 0 : index
    %get3A_23 = arith.constant 0 : index
    %get3A_24 = vector.load %arg5[%get3A_22, %get3A_23] : memref<512x1xf32, #tpu.memory_space<vmem>>, vector<512x1xf32>
    %reduce_max3A = arith.constant dense<0xFF800000> : vector<512xf32>
    %reduce_max3A_25 = vector.multi_reduction <maximumf>, %select_n3A, %reduce_max3A [1] : vector<512x4096xf32> to vector<512xf32>
    %broadcast_in_dim3A_26 = vector.shape_cast %reduce_max3A_25 : vector<512xf32> to vector<512x1xf32>
    %max3A = arith.maximumf %get3A_21, %broadcast_in_dim3A_26 : vector<512x1xf32>
    %sub3A = vector.broadcast %max3A : vector<512x1xf32> to vector<512x4096xf32>
    %sub3A_27 = arith.subf %select_n3A, %sub3A : vector<512x4096xf32>
    %exp3A = math.exp %sub3A_27 : vector<512x4096xf32>
    %sub3A_28 = arith.subf %get3A_21, %max3A : vector<512x1xf32>
    %exp3A_29 = math.exp %sub3A_28 : vector<512x1xf32>
    %mul3A_30 = arith.mulf %get3A_24, %exp3A_29 : vector<512x1xf32>
    %reduce_sum3A = arith.constant dense<0.000000e+00> : vector<512xf32>
    %reduce_sum3A_31 = vector.multi_reduction <add>, %exp3A, %reduce_sum3A [1] : vector<512x4096xf32> to vector<512xf32>
    %broadcast_in_dim3A_32 = vector.shape_cast %reduce_sum3A_31 : vector<512xf32> to vector<512x1xf32>
    %add3A_33 = arith.addf %mul3A_30, %broadcast_in_dim3A_32 : vector<512x1xf32>
    %swap3A = arith.constant 0 : index
    %swap3A_34 = arith.constant 0 : index
    %swap3A_35 = vector.load %arg5[%swap3A, %swap3A_34] : memref<512x1xf32, #tpu.memory_space<vmem>>, vector<512x1xf32>
    tpu.vector_store %arg5[%swap3A, %swap3A_34], %add3A_33 {strides = array<i32>} : memref<512x1xf32, #tpu.memory_space<vmem>>, vector<512x1xf32>,
    %swap3A_36 = arith.constant 0 : index
    %swap3A_37 = arith.constant 0 : index
    %swap3A_38 = vector.load %arg4[%swap3A_36, %swap3A_37] : memref<512x1xf32, #tpu.memory_space<vmem>>, vector<512x1xf32>
    tpu.vector_store %arg4[%swap3A_36, %swap3A_37], %max3A {strides = array<i32>} : memref<512x1xf32, #tpu.memory_space<vmem>>, vector<512x1xf32>,
    %eq3A_39 = vector.broadcast %broadcast_in_dim3A_26 : vector<512x1xf32> to vector<512x4096xf32>
    %eq3A_40 = arith.cmpf oeq, %select_n3A, %eq3A_39 : vector<512x4096xf32>
    %jit3A_41 = arith.constant 1.07374182E+9 : f32
    %broadcast_in_dim3A_42 = vector.shape_cast %add3A_11 : vector<1x4096xf32> to vector<1x4096xf32>
    %broadcast_in_dim3A_43 = vector.broadcast %broadcast_in_dim3A_42 : vector<1x4096xf32> to vector<512x4096xf32>
    %broadcast_in_dim3A_44 = vector.broadcast %jit3A_41 : f32 to vector<512x4096xf32>
    %select_n3A_45 = arith.select %eq3A_40, %broadcast_in_dim3A_43, %broadcast_in_dim3A_44 : vector<512x4096xi1>, vector<512x4096xf32>
    %reduce_min3A = arith.constant dense<0x7F800000> : vector<512xf32>
    %reduce_min3A_46 = vector.multi_reduction <minimumf>, %select_n3A_45, %reduce_min3A [1] : vector<512x4096xf32> to vector<512xf32>
    %broadcast_in_dim3A_47 = vector.shape_cast %reduce_min3A_46 : vector<512xf32> to vector<512x1xf32>
    %eq3A_48 = vector.broadcast %add3A_11 : vector<1x4096xf32> to vector<512x4096xf32>
    %eq3A_49 = vector.broadcast %broadcast_in_dim3A_47 : vector<512x1xf32> to vector<512x4096xf32>
    %eq3A_50 = arith.cmpf oeq, %eq3A_48, %eq3A_49 : vector<512x4096xf32>
    %jit3A_51 = arith.constant -2.000000e+00 : f32
    %broadcast_in_dim3A_52 = vector.broadcast %jit3A_51 : f32 to vector<512x4096xf32>
    %select_n3A_53 = arith.select %eq3A_50, %broadcast_in_dim3A_52, %select_n3A : vector<512x4096xi1>, vector<512x4096xf32>
    %reduce_max3A_54 = arith.constant dense<0xFF800000> : vector<512xf32>
    %reduce_max3A_55 = vector.multi_reduction <maximumf>, %select_n3A_53, %reduce_max3A_54 [1] : vector<512x4096xf32> to vector<512xf32>
    %broadcast_in_dim3A_56 = vector.shape_cast %reduce_max3A_55 : vector<512xf32> to vector<512x1xf32>
    %eq3A_57 = vector.broadcast %broadcast_in_dim3A_56 : vector<512x1xf32> to vector<512x4096xf32>
    %eq3A_58 = arith.cmpf oeq, %select_n3A_53, %eq3A_57 : vector<512x4096xf32>
    %jit3A_59 = arith.constant 1.07374182E+9 : f32
    %broadcast_in_dim3A_60 = vector.shape_cast %add3A_11 : vector<1x4096xf32> to vector<1x4096xf32>
    %broadcast_in_dim3A_61 = vector.broadcast %broadcast_in_dim3A_60 : vector<1x4096xf32> to vector<512x4096xf32>
    %broadcast_in_dim3A_62 = vector.broadcast %jit3A_59 : f32 to vector<512x4096xf32>
    %select_n3A_63 = arith.select %eq3A_58, %broadcast_in_dim3A_61, %broadcast_in_dim3A_62 : vector<512x4096xi1>, vector<512x4096xf32>
    %reduce_min3A_64 = arith.constant dense<0x7F800000> : vector<512xf32>
    %reduce_min3A_65 = vector.multi_reduction <minimumf>, %select_n3A_63, %reduce_min3A_64 [1] : vector<512x4096xf32> to vector<512xf32>
    %broadcast_in_dim3A_66 = vector.shape_cast %reduce_min3A_65 : vector<512xf32> to vector<512x1xf32>
    %eq3A_67 = vector.broadcast %add3A_11 : vector<1x4096xf32> to vector<512x4096xf32>
    %eq3A_68 = vector.broadcast %broadcast_in_dim3A_66 : vector<512x1xf32> to vector<512x4096xf32>
    %eq3A_69 = arith.cmpf oeq, %eq3A_67, %eq3A_68 : vector<512x4096xf32>
    %jit3A_70 = arith.constant -2.000000e+00 : f32
    %broadcast_in_dim3A_71 = vector.broadcast %jit3A_70 : f32 to vector<512x4096xf32>
    %select_n3A_72 = arith.select %eq3A_69, %broadcast_in_dim3A_71, %select_n3A_53 : vector<512x4096xi1>, vector<512x4096xf32>
    %reduce_max3A_73 = arith.constant dense<0xFF800000> : vector<512xf32>
    %reduce_max3A_74 = vector.multi_reduction <maximumf>, %select_n3A_72, %reduce_max3A_73 [1] : vector<512x4096xf32> to vector<512xf32>
    %broadcast_in_dim3A_75 = vector.shape_cast %reduce_max3A_74 : vector<512xf32> to vector<512x1xf32>
    %eq3A_76 = vector.broadcast %broadcast_in_dim3A_75 : vector<512x1xf32> to vector<512x4096xf32>
    %eq3A_77 = arith.cmpf oeq, %select_n3A_72, %eq3A_76 : vector<512x4096xf32>
    %jit3A_78 = arith.constant 1.07374182E+9 : f32
    %broadcast_in_dim3A_79 = vector.shape_cast %add3A_11 : vector<1x4096xf32> to vector<1x4096xf32>
    %broadcast_in_dim3A_80 = vector.broadcast %broadcast_in_dim3A_79 : vector<1x4096xf32> to vector<512x4096xf32>
    %broadcast_in_dim3A_81 = vector.broadcast %jit3A_78 : f32 to vector<512x4096xf32>
    %select_n3A_82 = arith.select %eq3A_77, %broadcast_in_dim3A_80, %broadcast_in_dim3A_81 : vector<512x4096xi1>, vector<512x4096xf32>
    %reduce_min3A_83 = arith.constant dense<0x7F800000> : vector<512xf32>
    %reduce_min3A_84 = vector.multi_reduction <minimumf>, %select_n3A_82, %reduce_min3A_83 [1] : vector<512x4096xf32> to vector<512xf32>
    %broadcast_in_dim3A_85 = vector.shape_cast %reduce_min3A_84 : vector<512xf32> to vector<512x1xf32>
    %eq3A_86 = vector.broadcast %add3A_11 : vector<1x4096xf32> to vector<512x4096xf32>
    %eq3A_87 = vector.broadcast %broadcast_in_dim3A_85 : vector<512x1xf32> to vector<512x4096xf32>
    %eq3A_88 = arith.cmpf oeq, %eq3A_86, %eq3A_87 : vector<512x4096xf32>
    %jit3A_89 = arith.constant -2.000000e+00 : f32
    %broadcast_in_dim3A_90 = vector.broadcast %jit3A_89 : f32 to vector<512x4096xf32>
    %select_n3A_91 = arith.select %eq3A_88, %broadcast_in_dim3A_90, %select_n3A_72 : vector<512x4096xi1>, vector<512x4096xf32>
    %reduce_max3A_92 = arith.constant dense<0xFF800000> : vector<512xf32>
    %reduce_max3A_93 = vector.multi_reduction <maximumf>, %select_n3A_91, %reduce_max3A_92 [1] : vector<512x4096xf32> to vector<512xf32>
    %broadcast_in_dim3A_94 = vector.shape_cast %reduce_max3A_93 : vector<512xf32> to vector<512x1xf32>
    %eq3A_95 = vector.broadcast %broadcast_in_dim3A_94 : vector<512x1xf32> to vector<512x4096xf32>
    %eq3A_96 = arith.cmpf oeq, %select_n3A_91, %eq3A_95 : vector<512x4096xf32>
    %jit3A_97 = arith.constant 1.07374182E+9 : f32
    %broadcast_in_dim3A_98 = vector.shape_cast %add3A_11 : vector<1x4096xf32> to vector<1x4096xf32>
    %broadcast_in_dim3A_99 = vector.broadcast %broadcast_in_dim3A_98 : vector<1x4096xf32> to vector<512x4096xf32>
    %broadcast_in_dim3A_100 = vector.broadcast %jit3A_97 : f32 to vector<512x4096xf32>
    %select_n3A_101 = arith.select %eq3A_96, %broadcast_in_dim3A_99, %broadcast_in_dim3A_100 : vector<512x4096xi1>, vector<512x4096xf32>
    %reduce_min3A_102 = arith.constant dense<0x7F800000> : vector<512xf32>
    %reduce_min3A_103 = vector.multi_reduction <minimumf>, %select_n3A_101, %reduce_min3A_102 [1] : vector<512x4096xf32> to vector<512xf32>
    %broadcast_in_dim3A_104 = vector.shape_cast %reduce_min3A_103 : vector<512xf32> to vector<512x1xf32>
    %eq3A_105 = vector.broadcast %add3A_11 : vector<1x4096xf32> to vector<512x4096xf32>
    %eq3A_106 = vector.broadcast %broadcast_in_dim3A_104 : vector<512x1xf32> to vector<512x4096xf32>
    %eq3A_107 = arith.cmpf oeq, %eq3A_105, %eq3A_106 : vector<512x4096xf32>
    %jit3A_108 = arith.constant -2.000000e+00 : f32
    %broadcast_in_dim3A_109 = vector.broadcast %jit3A_108 : f32 to vector<512x4096xf32>
    %select_n3A_110 = arith.select %eq3A_107, %broadcast_in_dim3A_109, %select_n3A_91 : vector<512x4096xi1>, vector<512x4096xf32>
    %reduce_max3A_111 = arith.constant dense<0xFF800000> : vector<512xf32>
    %reduce_max3A_112 = vector.multi_reduction <maximumf>, %select_n3A_110, %reduce_max3A_111 [1] : vector<512x4096xf32> to vector<512xf32>
    %broadcast_in_dim3A_113 = vector.shape_cast %reduce_max3A_112 : vector<512xf32> to vector<512x1xf32>
    %eq3A_114 = vector.broadcast %broadcast_in_dim3A_113 : vector<512x1xf32> to vector<512x4096xf32>
    %eq3A_115 = arith.cmpf oeq, %select_n3A_110, %eq3A_114 : vector<512x4096xf32>
    %jit3A_116 = arith.constant 1.07374182E+9 : f32
    %broadcast_in_dim3A_117 = vector.shape_cast %add3A_11 : vector<1x4096xf32> to vector<1x4096xf32>
    %broadcast_in_dim3A_118 = vector.broadcast %broadcast_in_dim3A_117 : vector<1x4096xf32> to vector<512x4096xf32>
    %broadcast_in_dim3A_119 = vector.broadcast %jit3A_116 : f32 to vector<512x4096xf32>
    %select_n3A_120 = arith.select %eq3A_115, %broadcast_in_dim3A_118, %broadcast_in_dim3A_119 : vector<512x4096xi1>, vector<512x4096xf32>
    %reduce_min3A_121 = arith.constant dense<0x7F800000> : vector<512xf32>
    %reduce_min3A_122 = vector.multi_reduction <minimumf>, %select_n3A_120, %reduce_min3A_121 [1] : vector<512x4096xf32> to vector<512xf32>
    %broadcast_in_dim3A_123 = vector.shape_cast %reduce_min3A_122 : vector<512xf32> to vector<512x1xf32>
    %eq3A_124 = vector.broadcast %add3A_11 : vector<1x4096xf32> to vector<512x4096xf32>
    %eq3A_125 = vector.broadcast %broadcast_in_dim3A_123 : vector<512x1xf32> to vector<512x4096xf32>
    %eq3A_126 = arith.cmpf oeq, %eq3A_124, %eq3A_125 : vector<512x4096xf32>
    %jit3A_127 = arith.constant -2.000000e+00 : f32
    %broadcast_in_dim3A_128 = vector.broadcast %jit3A_127 : f32 to vector<512x4096xf32>
    %select_n3A_129 = arith.select %eq3A_126, %broadcast_in_dim3A_128, %select_n3A_110 : vector<512x4096xi1>, vector<512x4096xf32>
    %reduce_max3A_130 = arith.constant dense<0xFF800000> : vector<512xf32>
    %reduce_max3A_131 = vector.multi_reduction <maximumf>, %select_n3A_129, %reduce_max3A_130 [1] : vector<512x4096xf32> to vector<512xf32>
    %broadcast_in_dim3A_132 = vector.shape_cast %reduce_max3A_131 : vector<512xf32> to vector<512x1xf32>
    %eq3A_133 = vector.broadcast %broadcast_in_dim3A_132 : vector<512x1xf32> to vector<512x4096xf32>
    %eq3A_134 = arith.cmpf oeq, %select_n3A_129, %eq3A_133 : vector<512x4096xf32>
    %jit3A_135 = arith.constant 1.07374182E+9 : f32
    %broadcast_in_dim3A_136 = vector.shape_cast %add3A_11 : vector<1x4096xf32> to vector<1x4096xf32>
    %broadcast_in_dim3A_137 = vector.broadcast %broadcast_in_dim3A_136 : vector<1x4096xf32> to vector<512x4096xf32>
    %broadcast_in_dim3A_138 = vector.broadcast %jit3A_135 : f32 to vector<512x4096xf32>
    %select_n3A_139 = arith.select %eq3A_134, %broadcast_in_dim3A_137, %broadcast_in_dim3A_138 : vector<512x4096xi1>, vector<512x4096xf32>
    %reduce_min3A_140 = arith.constant dense<0x7F800000> : vector<512xf32>
    %reduce_min3A_141 = vector.multi_reduction <minimumf>, %select_n3A_139, %reduce_min3A_140 [1] : vector<512x4096xf32> to vector<512xf32>
    %broadcast_in_dim3A_142 = vector.shape_cast %reduce_min3A_141 : vector<512xf32> to vector<512x1xf32>
    %eq3A_143 = vector.broadcast %add3A_11 : vector<1x4096xf32> to vector<512x4096xf32>
    %eq3A_144 = vector.broadcast %broadcast_in_dim3A_142 : vector<512x1xf32> to vector<512x4096xf32>
    %eq3A_145 = arith.cmpf oeq, %eq3A_143, %eq3A_144 : vector<512x4096xf32>
    %jit3A_146 = arith.constant -2.000000e+00 : f32
    %broadcast_in_dim3A_147 = vector.broadcast %jit3A_146 : f32 to vector<512x4096xf32>
    %select_n3A_148 = arith.select %eq3A_145, %broadcast_in_dim3A_147, %select_n3A_129 : vector<512x4096xi1>, vector<512x4096xf32>
    %reduce_max3A_149 = arith.constant dense<0xFF800000> : vector<512xf32>
    %reduce_max3A_150 = vector.multi_reduction <maximumf>, %select_n3A_148, %reduce_max3A_149 [1] : vector<512x4096xf32> to vector<512xf32>
    %broadcast_in_dim3A_151 = vector.shape_cast %reduce_max3A_150 : vector<512xf32> to vector<512x1xf32>
    %eq3A_152 = vector.broadcast %broadcast_in_dim3A_151 : vector<512x1xf32> to vector<512x4096xf32>
    %eq3A_153 = arith.cmpf oeq, %select_n3A_148, %eq3A_152 : vector<512x4096xf32>
    %jit3A_154 = arith.constant 1.07374182E+9 : f32
    %broadcast_in_dim3A_155 = vector.shape_cast %add3A_11 : vector<1x4096xf32> to vector<1x4096xf32>
    %broadcast_in_dim3A_156 = vector.broadcast %broadcast_in_dim3A_155 : vector<1x4096xf32> to vector<512x4096xf32>
    %broadcast_in_dim3A_157 = vector.broadcast %jit3A_154 : f32 to vector<512x4096xf32>
    %select_n3A_158 = arith.select %eq3A_153, %broadcast_in_dim3A_156, %broadcast_in_dim3A_157 : vector<512x4096xi1>, vector<512x4096xf32>
    %reduce_min3A_159 = arith.constant dense<0x7F800000> : vector<512xf32>
    %reduce_min3A_160 = vector.multi_reduction <minimumf>, %select_n3A_158, %reduce_min3A_159 [1] : vector<512x4096xf32> to vector<512xf32>
    %broadcast_in_dim3A_161 = vector.shape_cast %reduce_min3A_160 : vector<512xf32> to vector<512x1xf32>
    %eq3A_162 = vector.broadcast %add3A_11 : vector<1x4096xf32> to vector<512x4096xf32>
    %eq3A_163 = vector.broadcast %broadcast_in_dim3A_161 : vector<512x1xf32> to vector<512x4096xf32>
    %eq3A_164 = arith.cmpf oeq, %eq3A_162, %eq3A_163 : vector<512x4096xf32>
    %jit3A_165 = arith.constant -2.000000e+00 : f32
    %broadcast_in_dim3A_166 = vector.broadcast %jit3A_165 : f32 to vector<512x4096xf32>
    %select_n3A_167 = arith.select %eq3A_164, %broadcast_in_dim3A_166, %select_n3A_148 : vector<512x4096xi1>, vector<512x4096xf32>
    %reduce_max3A_168 = arith.constant dense<0xFF800000> : vector<512xf32>
    %reduce_max3A_169 = vector.multi_reduction <maximumf>, %select_n3A_167, %reduce_max3A_168 [1] : vector<512x4096xf32> to vector<512xf32>
    %broadcast_in_dim3A_170 = vector.shape_cast %reduce_max3A_169 : vector<512xf32> to vector<512x1xf32>
    %eq3A_171 = vector.broadcast %broadcast_in_dim3A_170 : vector<512x1xf32> to vector<512x4096xf32>
    %eq3A_172 = arith.cmpf oeq, %select_n3A_167, %eq3A_171 : vector<512x4096xf32>
    %jit3A_173 = arith.constant 1.07374182E+9 : f32
    %broadcast_in_dim3A_174 = vector.shape_cast %add3A_11 : vector<1x4096xf32> to vector<1x4096xf32>
    %broadcast_in_dim3A_175 = vector.broadcast %broadcast_in_dim3A_174 : vector<1x4096xf32> to vector<512x4096xf32>
    %broadcast_in_dim3A_176 = vector.broadcast %jit3A_173 : f32 to vector<512x4096xf32>
    %select_n3A_177 = arith.select %eq3A_172, %broadcast_in_dim3A_175, %broadcast_in_dim3A_176 : vector<512x4096xi1>, vector<512x4096xf32>
    %reduce_min3A_178 = arith.constant dense<0x7F800000> : vector<512xf32>
    %reduce_min3A_179 = vector.multi_reduction <minimumf>, %select_n3A_177, %reduce_min3A_178 [1] : vector<512x4096xf32> to vector<512xf32>
    %broadcast_in_dim3A_180 = vector.shape_cast %reduce_min3A_179 : vector<512xf32> to vector<512x1xf32>
    %eq3A_181 = vector.broadcast %add3A_11 : vector<1x4096xf32> to vector<512x4096xf32>
    %eq3A_182 = vector.broadcast %broadcast_in_dim3A_180 : vector<512x1xf32> to vector<512x4096xf32>
    %eq3A_183 = arith.cmpf oeq, %eq3A_181, %eq3A_182 : vector<512x4096xf32>
    %jit3A_184 = arith.constant -2.000000e+00 : f32
    %broadcast_in_dim3A_185 = vector.broadcast %jit3A_184 : f32 to vector<512x4096xf32>
    %select_n3A_186 = arith.select %eq3A_183, %broadcast_in_dim3A_185, %select_n3A_167 : vector<512x4096xi1>, vector<512x4096xf32>
    %reduce_max3A_187 = arith.constant dense<0xFF800000> : vector<512xf32>
    %reduce_max3A_188 = vector.multi_reduction <maximumf>, %select_n3A_186, %reduce_max3A_187 [1] : vector<512x4096xf32> to vector<512xf32>
    %broadcast_in_dim3A_189 = vector.shape_cast %reduce_max3A_188 : vector<512xf32> to vector<512x1xf32>
    %eq3A_190 = vector.broadcast %broadcast_in_dim3A_189 : vector<512x1xf32> to vector<512x4096xf32>
    %eq3A_191 = arith.cmpf oeq, %select_n3A_186, %eq3A_190 : vector<512x4096xf32>
    %jit3A_192 = arith.constant 1.07374182E+9 : f32
    %broadcast_in_dim3A_193 = vector.shape_cast %add3A_11 : vector<1x4096xf32> to vector<1x4096xf32>
    %broadcast_in_dim3A_194 = vector.broadcast %broadcast_in_dim3A_193 : vector<1x4096xf32> to vector<512x4096xf32>
    %broadcast_in_dim3A_195 = vector.broadcast %jit3A_192 : f32 to vector<512x4096xf32>
    %select_n3A_196 = arith.select %eq3A_191, %broadcast_in_dim3A_194, %broadcast_in_dim3A_195 : vector<512x4096xi1>, vector<512x4096xf32>
    %reduce_min3A_197 = arith.constant dense<0x7F800000> : vector<512xf32>
    %reduce_min3A_198 = vector.multi_reduction <minimumf>, %select_n3A_196, %reduce_min3A_197 [1] : vector<512x4096xf32> to vector<512xf32>
    %broadcast_in_dim3A_199 = vector.shape_cast %reduce_min3A_198 : vector<512xf32> to vector<512x1xf32>
    %eq3A_200 = vector.broadcast %add3A_11 : vector<1x4096xf32> to vector<512x4096xf32>
    %eq3A_201 = vector.broadcast %broadcast_in_dim3A_199 : vector<512x1xf32> to vector<512x4096xf32>
    %eq3A_202 = arith.cmpf oeq, %eq3A_200, %eq3A_201 : vector<512x4096xf32>
    %jit3A_203 = arith.constant -2.000000e+00 : f32
    %broadcast_in_dim3A_204 = vector.broadcast %jit3A_203 : f32 to vector<512x4096xf32>
    %select_n3A_205 = arith.select %eq3A_202, %broadcast_in_dim3A_204, %select_n3A_186 : vector<512x4096xi1>, vector<512x4096xf32>
    %reduce_max3A_206 = arith.constant dense<0xFF800000> : vector<512xf32>
    %reduce_max3A_207 = vector.multi_reduction <maximumf>, %select_n3A_205, %reduce_max3A_206 [1] : vector<512x4096xf32> to vector<512xf32>
    %broadcast_in_dim3A_208 = vector.shape_cast %reduce_max3A_207 : vector<512xf32> to vector<512x1xf32>
    %eq3A_209 = vector.broadcast %broadcast_in_dim3A_208 : vector<512x1xf32> to vector<512x4096xf32>
    %eq3A_210 = arith.cmpf oeq, %select_n3A_205, %eq3A_209 : vector<512x4096xf32>
    %jit3A_211 = arith.constant 1.07374182E+9 : f32
    %broadcast_in_dim3A_212 = vector.shape_cast %add3A_11 : vector<1x4096xf32> to vector<1x4096xf32>
    %broadcast_in_dim3A_213 = vector.broadcast %broadcast_in_dim3A_212 : vector<1x4096xf32> to vector<512x4096xf32>
    %broadcast_in_dim3A_214 = vector.broadcast %jit3A_211 : f32 to vector<512x4096xf32>
    %select_n3A_215 = arith.select %eq3A_210, %broadcast_in_dim3A_213, %broadcast_in_dim3A_214 : vector<512x4096xi1>, vector<512x4096xf32>
    %reduce_min3A_216 = arith.constant dense<0x7F800000> : vector<512xf32>
    %reduce_min3A_217 = vector.multi_reduction <minimumf>, %select_n3A_215, %reduce_min3A_216 [1] : vector<512x4096xf32> to vector<512xf32>
    %broadcast_in_dim3A_218 = vector.shape_cast %reduce_min3A_217 : vector<512xf32> to vector<512x1xf32>
    %jit3A_219 = arith.constant 8 : i32
    %eq3A_220 = arith.constant 0 : i32
    %eq3A_221 = arith.cmpi eq, %jit3A_219, %eq3A_220 : i32
    %jit3A_222 = arith.constant 1 : i32
    %select_n3A_223 = arith.select %eq3A_221, %jit3A_222, %jit3A_219 : i32
    %rem3A = arith.remsi %arg1, %select_n3A_223 : i32
    %ne3A = arith.constant 0 : i32
    %ne3A_224 = arith.cmpi ne, %rem3A, %ne3A : i32
    %lt3A_225 = arith.constant 0 : i32
    %lt3A_226 = arith.cmpi slt, %rem3A, %lt3A_225 : i32
    %lt3A_227 = arith.constant 0 : i32
    %lt3A_228 = arith.cmpi slt, %select_n3A_223, %lt3A_227 : i32
    %ne3A_229 = arith.xori %lt3A_226, %lt3A_228 : i1
    %and3A = arith.andi %ne3A_229, %ne3A_224 : i1
    %add3A_230 = arith.addi %rem3A, %select_n3A_223 : i32
    %select_n3A_231 = arith.select %and3A, %add3A_230, %rem3A : i32
    %concatenate3A = tpu.concatenate %broadcast_in_dim3A_26, %broadcast_in_dim3A_56, %broadcast_in_dim3A_75, %broadcast_in_dim3A_94, %broadcast_in_dim3A_113, %broadcast_in_dim3A_132, %broadcast_in_dim3A_151, %broadcast_in_dim3A_170, %broadcast_in_dim3A_189, %broadcast_in_dim3A_208 in 1 : vector<512x1xf32>, vector<512x1xf32>, vector<512x1xf32>, vector<512x1xf32>, vector<512x1xf32>, vector<512x1xf32>, vector<512x1xf32>, vector<512x1xf32>, vector<512x1xf32>, vector<512x1xf32> -> vector<512x10xf32>
    %swap3A_232 = arith.index_cast %select_n3A_231 : i32 to index
    %swap3A_233 = arith.constant 0 : index
    %swap3A_234 = arith.constant 0 : index
    %swap3A_235 = vector.load %arg9[%swap3A_232, %swap3A_233, %swap3A_234] : memref<8x512x10xf32, #tpu.memory_space<vmem>>, vector<1x512x10xf32>
    %swap3A_236 = vector.shape_cast %swap3A_235 : vector<1x512x10xf32> to vector<512x10xf32>
    %swap3A_237 = vector.shape_cast %concatenate3A : vector<512x10xf32> to vector<1x512x10xf32>
    tpu.vector_store %arg9[%swap3A_232, %swap3A_233, %swap3A_234], %swap3A_237 {strides = array<i32>} : memref<8x512x10xf32, #tpu.memory_space<vmem>>, vector<1x512x10xf32>,
    %concatenate3A_238 = tpu.concatenate %broadcast_in_dim3A_47, %broadcast_in_dim3A_66, %broadcast_in_dim3A_85, %broadcast_in_dim3A_104, %broadcast_in_dim3A_123, %broadcast_in_dim3A_142, %broadcast_in_dim3A_161, %broadcast_in_dim3A_180, %broadcast_in_dim3A_199, %broadcast_in_dim3A_218 in 1 : vector<512x1xf32>, vector<512x1xf32>, vector<512x1xf32>, vector<512x1xf32>, vector<512x1xf32>, vector<512x1xf32>, vector<512x1xf32>, vector<512x1xf32>, vector<512x1xf32>, vector<512x1xf32> -> vector<512x10xf32>
    %swap3A_239 = arith.index_cast %select_n3A_231 : i32 to index
    %swap3A_240 = arith.constant 0 : index
    %swap3A_241 = arith.constant 0 : index
    %swap3A_242 = vector.load %arg10[%swap3A_239, %swap3A_240, %swap3A_241] : memref<8x512x10xf32, #tpu.memory_space<vmem>>, vector<1x512x10xf32>
    %swap3A_243 = vector.shape_cast %swap3A_242 : vector<1x512x10xf32> to vector<512x10xf32>
    %swap3A_244 = vector.shape_cast %concatenate3A_238 : vector<512x10xf32> to vector<1x512x10xf32>
    tpu.vector_store %arg10[%swap3A_239, %swap3A_240, %swap3A_241], %swap3A_244 {strides = array<i32>} : memref<8x512x10xf32, #tpu.memory_space<vmem>>, vector<1x512x10xf32>,
    %eq3A_245 = arith.constant 7 : i32
    %eq3A_246 = arith.cmpi eq, %select_n3A_231, %eq3A_245 : i32
    %eq3A_247 = arith.constant 24 : i32
    %eq3A_248 = arith.cmpi eq, %arg1, %eq3A_247 : i32
    %or3A = arith.ori %eq3A_246, %eq3A_248 : i1
    %convert_element_type3A_249 = arith.extui %or3A : i1 to i32
    %cond3A_250 = arith.constant 0 : i32
    %cond3A_251 = arith.cmpi ne, %convert_element_type3A_249, %cond3A_250 : i32
    scf.if %cond3A_251 {
      %get3A_252 = arith.constant 0 : index
      %get3A_253 = arith.constant 0 : index
      %get3A_254 = vector.load %arg7[%get3A_252, %get3A_253] : memref<512x10xf32, #tpu.memory_space<vmem>>, vector<512x10xf32>
      %get3A_255 = arith.constant 0 : index
      %get3A_256 = arith.constant 0 : index
      %get3A_257 = arith.constant 0 : index
      %get3A_258 = vector.load %arg9[%get3A_255, %get3A_256, %get3A_257] : memref<8x512x10xf32, #tpu.memory_space<vmem>>, vector<1x512x10xf32>
      %get3A_259 = vector.shape_cast %get3A_258 : vector<1x512x10xf32> to vector<512x10xf32>
      %get3A_260 = arith.constant 1 : index
      %get3A_261 = arith.constant 0 : index
      %get3A_262 = arith.constant 0 : index
      %get3A_263 = vector.load %arg9[%get3A_260, %get3A_261, %get3A_262] : memref<8x512x10xf32, #tpu.memory_space<vmem>>, vector<1x512x10xf32>
      %get3A_264 = vector.shape_cast %get3A_263 : vector<1x512x10xf32> to vector<512x10xf32>
      %get3A_265 = arith.constant 2 : index
      %get3A_266 = arith.constant 0 : index
      %get3A_267 = arith.constant 0 : index
      %get3A_268 = vector.load %arg9[%get3A_265, %get3A_266, %get3A_267] : memref<8x512x10xf32, #tpu.memory_space<vmem>>, vector<1x512x10xf32>
      %get3A_269 = vector.shape_cast %get3A_268 : vector<1x512x10xf32> to vector<512x10xf32>
      %get3A_270 = arith.constant 3 : index
      %get3A_271 = arith.constant 0 : index
      %get3A_272 = arith.constant 0 : index
      %get3A_273 = vector.load %arg9[%get3A_270, %get3A_271, %get3A_272] : memref<8x512x10xf32, #tpu.memory_space<vmem>>, vector<1x512x10xf32>
      %get3A_274 = vector.shape_cast %get3A_273 : vector<1x512x10xf32> to vector<512x10xf32>
      %get3A_275 = arith.constant 4 : index
      %get3A_276 = arith.constant 0 : index
      %get3A_277 = arith.constant 0 : index
      %get3A_278 = vector.load %arg9[%get3A_275, %get3A_276, %get3A_277] : memref<8x512x10xf32, #tpu.memory_space<vmem>>, vector<1x512x10xf32>
      %get3A_279 = vector.shape_cast %get3A_278 : vector<1x512x10xf32> to vector<512x10xf32>
      %get3A_280 = arith.constant 5 : index
      %get3A_281 = arith.constant 0 : index
      %get3A_282 = arith.constant 0 : index
      %get3A_283 = vector.load %arg9[%get3A_280, %get3A_281, %get3A_282] : memref<8x512x10xf32, #tpu.memory_space<vmem>>, vector<1x512x10xf32>
      %get3A_284 = vector.shape_cast %get3A_283 : vector<1x512x10xf32> to vector<512x10xf32>
      %get3A_285 = arith.constant 6 : index
      %get3A_286 = arith.constant 0 : index
      %get3A_287 = arith.constant 0 : index
      %get3A_288 = vector.load %arg9[%get3A_285, %get3A_286, %get3A_287] : memref<8x512x10xf32, #tpu.memory_space<vmem>>, vector<1x512x10xf32>
      %get3A_289 = vector.shape_cast %get3A_288 : vector<1x512x10xf32> to vector<512x10xf32>
      %get3A_290 = arith.constant 7 : index
      %get3A_291 = arith.constant 0 : index
      %get3A_292 = arith.constant 0 : index
      %get3A_293 = vector.load %arg9[%get3A_290, %get3A_291, %get3A_292] : memref<8x512x10xf32, #tpu.memory_space<vmem>>, vector<1x512x10xf32>
      %get3A_294 = vector.shape_cast %get3A_293 : vector<1x512x10xf32> to vector<512x10xf32>
      %concatenate3A_295 = tpu.concatenate %get3A_254, %get3A_259, %get3A_264, %get3A_269, %get3A_274, %get3A_279, %get3A_284, %get3A_289, %get3A_294 in 1 : vector<512x10xf32>, vector<512x10xf32>, vector<512x10xf32>, vector<512x10xf32>, vector<512x10xf32>, vector<512x10xf32>, vector<512x10xf32>, vector<512x10xf32>, vector<512x10xf32> -> vector<512x90xf32>
      %get3A_296 = arith.constant 0 : index
      %get3A_297 = arith.constant 0 : index
      %get3A_298 = vector.load %arg8[%get3A_296, %get3A_297] : memref<512x10xf32, #tpu.memory_space<vmem>>, vector<512x10xf32>
      %get3A_299 = arith.constant 0 : index
      %get3A_300 = arith.constant 0 : index
      %get3A_301 = arith.constant 0 : index
      %get3A_302 = vector.load %arg10[%get3A_299, %get3A_300, %get3A_301] : memref<8x512x10xf32, #tpu.memory_space<vmem>>, vector<1x512x10xf32>
      %get3A_303 = vector.shape_cast %get3A_302 : vector<1x512x10xf32> to vector<512x10xf32>
      %get3A_304 = arith.constant 1 : index
      %get3A_305 = arith.constant 0 : index
      %get3A_306 = arith.constant 0 : index
      %get3A_307 = vector.load %arg10[%get3A_304, %get3A_305, %get3A_306] : memref<8x512x10xf32, #tpu.memory_space<vmem>>, vector<1x512x10xf32>
      %get3A_308 = vector.shape_cast %get3A_307 : vector<1x512x10xf32> to vector<512x10xf32>
      %get3A_309 = arith.constant 2 : index
      %get3A_310 = arith.constant 0 : index
      %get3A_311 = arith.constant 0 : index
      %get3A_312 = vector.load %arg10[%get3A_309, %get3A_310, %get3A_311] : memref<8x512x10xf32, #tpu.memory_space<vmem>>, vector<1x512x10xf32>
      %get3A_313 = vector.shape_cast %get3A_312 : vector<1x512x10xf32> to vector<512x10xf32>
      %get3A_314 = arith.constant 3 : index
      %get3A_315 = arith.constant 0 : index
      %get3A_316 = arith.constant 0 : index
      %get3A_317 = vector.load %arg10[%get3A_314, %get3A_315, %get3A_316] : memref<8x512x10xf32, #tpu.memory_space<vmem>>, vector<1x512x10xf32>
      %get3A_318 = vector.shape_cast %get3A_317 : vector<1x512x10xf32> to vector<512x10xf32>
      %get3A_319 = arith.constant 4 : index
      %get3A_320 = arith.constant 0 : index
      %get3A_321 = arith.constant 0 : index
      %get3A_322 = vector.load %arg10[%get3A_319, %get3A_320, %get3A_321] : memref<8x512x10xf32, #tpu.memory_space<vmem>>, vector<1x512x10xf32>
      %get3A_323 = vector.shape_cast %get3A_322 : vector<1x512x10xf32> to vector<512x10xf32>
      %get3A_324 = arith.constant 5 : index
      %get3A_325 = arith.constant 0 : index
      %get3A_326 = arith.constant 0 : index
      %get3A_327 = vector.load %arg10[%get3A_324, %get3A_325, %get3A_326] : memref<8x512x10xf32, #tpu.memory_space<vmem>>, vector<1x512x10xf32>
      %get3A_328 = vector.shape_cast %get3A_327 : vector<1x512x10xf32> to vector<512x10xf32>
      %get3A_329 = arith.constant 6 : index
      %get3A_330 = arith.constant 0 : index
      %get3A_331 = arith.constant 0 : index
      %get3A_332 = vector.load %arg10[%get3A_329, %get3A_330, %get3A_331] : memref<8x512x10xf32, #tpu.memory_space<vmem>>, vector<1x512x10xf32>
      %get3A_333 = vector.shape_cast %get3A_332 : vector<1x512x10xf32> to vector<512x10xf32>
      %get3A_334 = arith.constant 7 : index
      %get3A_335 = arith.constant 0 : index
      %get3A_336 = arith.constant 0 : index
      %get3A_337 = vector.load %arg10[%get3A_334, %get3A_335, %get3A_336] : memref<8x512x10xf32, #tpu.memory_space<vmem>>, vector<1x512x10xf32>
      %get3A_338 = vector.shape_cast %get3A_337 : vector<1x512x10xf32> to vector<512x10xf32>
      %concatenate3A_339 = tpu.concatenate %get3A_298, %get3A_303, %get3A_308, %get3A_313, %get3A_318, %get3A_323, %get3A_328, %get3A_333, %get3A_338 in 1 : vector<512x10xf32>, vector<512x10xf32>, vector<512x10xf32>, vector<512x10xf32>, vector<512x10xf32>, vector<512x10xf32>, vector<512x10xf32>, vector<512x10xf32>, vector<512x10xf32> -> vector<512x90xf32>
      %reduce_max3A_340 = arith.constant dense<0xFF800000> : vector<512xf32>
      %reduce_max3A_341 = vector.multi_reduction <maximumf>, %concatenate3A_295, %reduce_max3A_340 [1] : vector<512x90xf32> to vector<512xf32>
      %broadcast_in_dim3A_342 = vector.shape_cast %reduce_max3A_341 : vector<512xf32> to vector<512x1xf32>
      %eq3A_343 = vector.broadcast %broadcast_in_dim3A_342 : vector<512x1xf32> to vector<512x90xf32>
      %eq3A_344 = arith.cmpf oeq, %concatenate3A_295, %eq3A_343 : vector<512x90xf32>
      %jit3A_345 = arith.constant 1.07374182E+9 : f32
      %broadcast_in_dim3A_346 = vector.broadcast %jit3A_345 : f32 to vector<512x90xf32>
      %select_n3A_347 = arith.select %eq3A_344, %concatenate3A_339, %broadcast_in_dim3A_346 : vector<512x90xi1>, vector<512x90xf32>
      %reduce_min3A_348 = arith.constant dense<0x7F800000> : vector<512xf32>
      %reduce_min3A_349 = vector.multi_reduction <minimumf>, %select_n3A_347, %reduce_min3A_348 [1] : vector<512x90xf32> to vector<512xf32>
      %broadcast_in_dim3A_350 = vector.shape_cast %reduce_min3A_349 : vector<512xf32> to vector<512x1xf32>
      %eq3A_351 = vector.broadcast %broadcast_in_dim3A_350 : vector<512x1xf32> to vector<512x90xf32>
      %eq3A_352 = arith.cmpf oeq, %concatenate3A_339, %eq3A_351 : vector<512x90xf32>
      %jit3A_353 = arith.constant -3.000000e+00 : f32
      %broadcast_in_dim3A_354 = vector.broadcast %jit3A_353 : f32 to vector<512x90xf32>
      %select_n3A_355 = arith.select %eq3A_352, %broadcast_in_dim3A_354, %concatenate3A_295 : vector<512x90xi1>, vector<512x90xf32>
      %reduce_max3A_356 = arith.constant dense<0xFF800000> : vector<512xf32>
      %reduce_max3A_357 = vector.multi_reduction <maximumf>, %select_n3A_355, %reduce_max3A_356 [1] : vector<512x90xf32> to vector<512xf32>
      %broadcast_in_dim3A_358 = vector.shape_cast %reduce_max3A_357 : vector<512xf32> to vector<512x1xf32>
      %eq3A_359 = vector.broadcast %broadcast_in_dim3A_358 : vector<512x1xf32> to vector<512x90xf32>
      %eq3A_360 = arith.cmpf oeq, %select_n3A_355, %eq3A_359 : vector<512x90xf32>
      %jit3A_361 = arith.constant 1.07374182E+9 : f32
      %broadcast_in_dim3A_362 = vector.broadcast %jit3A_361 : f32 to vector<512x90xf32>
      %select_n3A_363 = arith.select %eq3A_360, %concatenate3A_339, %broadcast_in_dim3A_362 : vector<512x90xi1>, vector<512x90xf32>
      %reduce_min3A_364 = arith.constant dense<0x7F800000> : vector<512xf32>
      %reduce_min3A_365 = vector.multi_reduction <minimumf>, %select_n3A_363, %reduce_min3A_364 [1] : vector<512x90xf32> to vector<512xf32>
      %broadcast_in_dim3A_366 = vector.shape_cast %reduce_min3A_365 : vector<512xf32> to vector<512x1xf32>
      %eq3A_367 = vector.broadcast %broadcast_in_dim3A_366 : vector<512x1xf32> to vector<512x90xf32>
      %eq3A_368 = arith.cmpf oeq, %concatenate3A_339, %eq3A_367 : vector<512x90xf32>
      %jit3A_369 = arith.constant -3.000000e+00 : f32
      %broadcast_in_dim3A_370 = vector.broadcast %jit3A_369 : f32 to vector<512x90xf32>
      %select_n3A_371 = arith.select %eq3A_368, %broadcast_in_dim3A_370, %select_n3A_355 : vector<512x90xi1>, vector<512x90xf32>
      %reduce_max3A_372 = arith.constant dense<0xFF800000> : vector<512xf32>
      %reduce_max3A_373 = vector.multi_reduction <maximumf>, %select_n3A_371, %reduce_max3A_372 [1] : vector<512x90xf32> to vector<512xf32>
      %broadcast_in_dim3A_374 = vector.shape_cast %reduce_max3A_373 : vector<512xf32> to vector<512x1xf32>
      %eq3A_375 = vector.broadcast %broadcast_in_dim3A_374 : vector<512x1xf32> to vector<512x90xf32>
      %eq3A_376 = arith.cmpf oeq, %select_n3A_371, %eq3A_375 : vector<512x90xf32>
      %jit3A_377 = arith.constant 1.07374182E+9 : f32
      %broadcast_in_dim3A_378 = vector.broadcast %jit3A_377 : f32 to vector<512x90xf32>
      %select_n3A_379 = arith.select %eq3A_376, %concatenate3A_339, %broadcast_in_dim3A_378 : vector<512x90xi1>, vector<512x90xf32>
      %reduce_min3A_380 = arith.constant dense<0x7F800000> : vector<512xf32>
      %reduce_min3A_381 = vector.multi_reduction <minimumf>, %select_n3A_379, %reduce_min3A_380 [1] : vector<512x90xf32> to vector<512xf32>
      %broadcast_in_dim3A_382 = vector.shape_cast %reduce_min3A_381 : vector<512xf32> to vector<512x1xf32>
      %eq3A_383 = vector.broadcast %broadcast_in_dim3A_382 : vector<512x1xf32> to vector<512x90xf32>
      %eq3A_384 = arith.cmpf oeq, %concatenate3A_339, %eq3A_383 : vector<512x90xf32>
      %jit3A_385 = arith.constant -3.000000e+00 : f32
      %broadcast_in_dim3A_386 = vector.broadcast %jit3A_385 : f32 to vector<512x90xf32>
      %select_n3A_387 = arith.select %eq3A_384, %broadcast_in_dim3A_386, %select_n3A_371 : vector<512x90xi1>, vector<512x90xf32>
      %reduce_max3A_388 = arith.constant dense<0xFF800000> : vector<512xf32>
      %reduce_max3A_389 = vector.multi_reduction <maximumf>, %select_n3A_387, %reduce_max3A_388 [1] : vector<512x90xf32> to vector<512xf32>
      %broadcast_in_dim3A_390 = vector.shape_cast %reduce_max3A_389 : vector<512xf32> to vector<512x1xf32>
      %eq3A_391 = vector.broadcast %broadcast_in_dim3A_390 : vector<512x1xf32> to vector<512x90xf32>
      %eq3A_392 = arith.cmpf oeq, %select_n3A_387, %eq3A_391 : vector<512x90xf32>
      %jit3A_393 = arith.constant 1.07374182E+9 : f32
      %broadcast_in_dim3A_394 = vector.broadcast %jit3A_393 : f32 to vector<512x90xf32>
      %select_n3A_395 = arith.select %eq3A_392, %concatenate3A_339, %broadcast_in_dim3A_394 : vector<512x90xi1>, vector<512x90xf32>
      %reduce_min3A_396 = arith.constant dense<0x7F800000> : vector<512xf32>
      %reduce_min3A_397 = vector.multi_reduction <minimumf>, %select_n3A_395, %reduce_min3A_396 [1] : vector<512x90xf32> to vector<512xf32>
      %broadcast_in_dim3A_398 = vector.shape_cast %reduce_min3A_397 : vector<512xf32> to vector<512x1xf32>
      %eq3A_399 = vector.broadcast %broadcast_in_dim3A_398 : vector<512x1xf32> to vector<512x90xf32>
      %eq3A_400 = arith.cmpf oeq, %concatenate3A_339, %eq3A_399 : vector<512x90xf32>
      %jit3A_401 = arith.constant -3.000000e+00 : f32
      %broadcast_in_dim3A_402 = vector.broadcast %jit3A_401 : f32 to vector<512x90xf32>
      %select_n3A_403 = arith.select %eq3A_400, %broadcast_in_dim3A_402, %select_n3A_387 : vector<512x90xi1>, vector<512x90xf32>
      %reduce_max3A_404 = arith.constant dense<0xFF800000> : vector<512xf32>
      %reduce_max3A_405 = vector.multi_reduction <maximumf>, %select_n3A_403, %reduce_max3A_404 [1] : vector<512x90xf32> to vector<512xf32>
      %broadcast_in_dim3A_406 = vector.shape_cast %reduce_max3A_405 : vector<512xf32> to vector<512x1xf32>
      %eq3A_407 = vector.broadcast %broadcast_in_dim3A_406 : vector<512x1xf32> to vector<512x90xf32>
      %eq3A_408 = arith.cmpf oeq, %select_n3A_403, %eq3A_407 : vector<512x90xf32>
      %jit3A_409 = arith.constant 1.07374182E+9 : f32
      %broadcast_in_dim3A_410 = vector.broadcast %jit3A_409 : f32 to vector<512x90xf32>
      %select_n3A_411 = arith.select %eq3A_408, %concatenate3A_339, %broadcast_in_dim3A_410 : vector<512x90xi1>, vector<512x90xf32>
      %reduce_min3A_412 = arith.constant dense<0x7F800000> : vector<512xf32>
      %reduce_min3A_413 = vector.multi_reduction <minimumf>, %select_n3A_411, %reduce_min3A_412 [1] : vector<512x90xf32> to vector<512xf32>
      %broadcast_in_dim3A_414 = vector.shape_cast %reduce_min3A_413 : vector<512xf32> to vector<512x1xf32>
      %eq3A_415 = vector.broadcast %broadcast_in_dim3A_414 : vector<512x1xf32> to vector<512x90xf32>
      %eq3A_416 = arith.cmpf oeq, %concatenate3A_339, %eq3A_415 : vector<512x90xf32>
      %jit3A_417 = arith.constant -3.000000e+00 : f32
      %broadcast_in_dim3A_418 = vector.broadcast %jit3A_417 : f32 to vector<512x90xf32>
      %select_n3A_419 = arith.select %eq3A_416, %broadcast_in_dim3A_418, %select_n3A_403 : vector<512x90xi1>, vector<512x90xf32>
      %reduce_max3A_420 = arith.constant dense<0xFF800000> : vector<512xf32>
      %reduce_max3A_421 = vector.multi_reduction <maximumf>, %select_n3A_419, %reduce_max3A_420 [1] : vector<512x90xf32> to vector<512xf32>
      %broadcast_in_dim3A_422 = vector.shape_cast %reduce_max3A_421 : vector<512xf32> to vector<512x1xf32>
      %eq3A_423 = vector.broadcast %broadcast_in_dim3A_422 : vector<512x1xf32> to vector<512x90xf32>
      %eq3A_424 = arith.cmpf oeq, %select_n3A_419, %eq3A_423 : vector<512x90xf32>
      %jit3A_425 = arith.constant 1.07374182E+9 : f32
      %broadcast_in_dim3A_426 = vector.broadcast %jit3A_425 : f32 to vector<512x90xf32>
      %select_n3A_427 = arith.select %eq3A_424, %concatenate3A_339, %broadcast_in_dim3A_426 : vector<512x90xi1>, vector<512x90xf32>
      %reduce_min3A_428 = arith.constant dense<0x7F800000> : vector<512xf32>
      %reduce_min3A_429 = vector.multi_reduction <minimumf>, %select_n3A_427, %reduce_min3A_428 [1] : vector<512x90xf32> to vector<512xf32>
      %broadcast_in_dim3A_430 = vector.shape_cast %reduce_min3A_429 : vector<512xf32> to vector<512x1xf32>
      %eq3A_431 = vector.broadcast %broadcast_in_dim3A_430 : vector<512x1xf32> to vector<512x90xf32>
      %eq3A_432 = arith.cmpf oeq, %concatenate3A_339, %eq3A_431 : vector<512x90xf32>
      %jit3A_433 = arith.constant -3.000000e+00 : f32
      %broadcast_in_dim3A_434 = vector.broadcast %jit3A_433 : f32 to vector<512x90xf32>
      %select_n3A_435 = arith.select %eq3A_432, %broadcast_in_dim3A_434, %select_n3A_419 : vector<512x90xi1>, vector<512x90xf32>
      %reduce_max3A_436 = arith.constant dense<0xFF800000> : vector<512xf32>
      %reduce_max3A_437 = vector.multi_reduction <maximumf>, %select_n3A_435, %reduce_max3A_436 [1] : vector<512x90xf32> to vector<512xf32>
      %broadcast_in_dim3A_438 = vector.shape_cast %reduce_max3A_437 : vector<512xf32> to vector<512x1xf32>
      %eq3A_439 = vector.broadcast %broadcast_in_dim3A_438 : vector<512x1xf32> to vector<512x90xf32>
      %eq3A_440 = arith.cmpf oeq, %select_n3A_435, %eq3A_439 : vector<512x90xf32>
      %jit3A_441 = arith.constant 1.07374182E+9 : f32
      %broadcast_in_dim3A_442 = vector.broadcast %jit3A_441 : f32 to vector<512x90xf32>
      %select_n3A_443 = arith.select %eq3A_440, %concatenate3A_339, %broadcast_in_dim3A_442 : vector<512x90xi1>, vector<512x90xf32>
      %reduce_min3A_444 = arith.constant dense<0x7F800000> : vector<512xf32>
      %reduce_min3A_445 = vector.multi_reduction <minimumf>, %select_n3A_443, %reduce_min3A_444 [1] : vector<512x90xf32> to vector<512xf32>
      %broadcast_in_dim3A_446 = vector.shape_cast %reduce_min3A_445 : vector<512xf32> to vector<512x1xf32>
      %eq3A_447 = vector.broadcast %broadcast_in_dim3A_446 : vector<512x1xf32> to vector<512x90xf32>
      %eq3A_448 = arith.cmpf oeq, %concatenate3A_339, %eq3A_447 : vector<512x90xf32>
      %jit3A_449 = arith.constant -3.000000e+00 : f32
      %broadcast_in_dim3A_450 = vector.broadcast %jit3A_449 : f32 to vector<512x90xf32>
      %select_n3A_451 = arith.select %eq3A_448, %broadcast_in_dim3A_450, %select_n3A_435 : vector<512x90xi1>, vector<512x90xf32>
      %reduce_max3A_452 = arith.constant dense<0xFF800000> : vector<512xf32>
      %reduce_max3A_453 = vector.multi_reduction <maximumf>, %select_n3A_451, %reduce_max3A_452 [1] : vector<512x90xf32> to vector<512xf32>
      %broadcast_in_dim3A_454 = vector.shape_cast %reduce_max3A_453 : vector<512xf32> to vector<512x1xf32>
      %eq3A_455 = vector.broadcast %broadcast_in_dim3A_454 : vector<512x1xf32> to vector<512x90xf32>
      %eq3A_456 = arith.cmpf oeq, %select_n3A_451, %eq3A_455 : vector<512x90xf32>
      %jit3A_457 = arith.constant 1.07374182E+9 : f32
      %broadcast_in_dim3A_458 = vector.broadcast %jit3A_457 : f32 to vector<512x90xf32>
      %select_n3A_459 = arith.select %eq3A_456, %concatenate3A_339, %broadcast_in_dim3A_458 : vector<512x90xi1>, vector<512x90xf32>
      %reduce_min3A_460 = arith.constant dense<0x7F800000> : vector<512xf32>
      %reduce_min3A_461 = vector.multi_reduction <minimumf>, %select_n3A_459, %reduce_min3A_460 [1] : vector<512x90xf32> to vector<512xf32>
      %broadcast_in_dim3A_462 = vector.shape_cast %reduce_min3A_461 : vector<512xf32> to vector<512x1xf32>
      %eq3A_463 = vector.broadcast %broadcast_in_dim3A_462 : vector<512x1xf32> to vector<512x90xf32>
      %eq3A_464 = arith.cmpf oeq, %concatenate3A_339, %eq3A_463 : vector<512x90xf32>
      %jit3A_465 = arith.constant -3.000000e+00 : f32
      %broadcast_in_dim3A_466 = vector.broadcast %jit3A_465 : f32 to vector<512x90xf32>
      %select_n3A_467 = arith.select %eq3A_464, %broadcast_in_dim3A_466, %select_n3A_451 : vector<512x90xi1>, vector<512x90xf32>
      %reduce_max3A_468 = arith.constant dense<0xFF800000> : vector<512xf32>
      %reduce_max3A_469 = vector.multi_reduction <maximumf>, %select_n3A_467, %reduce_max3A_468 [1] : vector<512x90xf32> to vector<512xf32>
      %broadcast_in_dim3A_470 = vector.shape_cast %reduce_max3A_469 : vector<512xf32> to vector<512x1xf32>
      %eq3A_471 = vector.broadcast %broadcast_in_dim3A_470 : vector<512x1xf32> to vector<512x90xf32>
      %eq3A_472 = arith.cmpf oeq, %select_n3A_467, %eq3A_471 : vector<512x90xf32>
      %jit3A_473 = arith.constant 1.07374182E+9 : f32
      %broadcast_in_dim3A_474 = vector.broadcast %jit3A_473 : f32 to vector<512x90xf32>
      %select_n3A_475 = arith.select %eq3A_472, %concatenate3A_339, %broadcast_in_dim3A_474 : vector<512x90xi1>, vector<512x90xf32>
      %reduce_min3A_476 = arith.constant dense<0x7F800000> : vector<512xf32>
      %reduce_min3A_477 = vector.multi_reduction <minimumf>, %select_n3A_475, %reduce_min3A_476 [1] : vector<512x90xf32> to vector<512xf32>
      %broadcast_in_dim3A_478 = vector.shape_cast %reduce_min3A_477 : vector<512xf32> to vector<512x1xf32>
      %eq3A_479 = vector.broadcast %broadcast_in_dim3A_478 : vector<512x1xf32> to vector<512x90xf32>
      %eq3A_480 = arith.cmpf oeq, %concatenate3A_339, %eq3A_479 : vector<512x90xf32>
      %jit3A_481 = arith.constant -3.000000e+00 : f32
      %broadcast_in_dim3A_482 = vector.broadcast %jit3A_481 : f32 to vector<512x90xf32>
      %select_n3A_483 = arith.select %eq3A_480, %broadcast_in_dim3A_482, %select_n3A_467 : vector<512x90xi1>, vector<512x90xf32>
      %reduce_max3A_484 = arith.constant dense<0xFF800000> : vector<512xf32>
      %reduce_max3A_485 = vector.multi_reduction <maximumf>, %select_n3A_483, %reduce_max3A_484 [1] : vector<512x90xf32> to vector<512xf32>
      %broadcast_in_dim3A_486 = vector.shape_cast %reduce_max3A_485 : vector<512xf32> to vector<512x1xf32>
      %eq3A_487 = vector.broadcast %broadcast_in_dim3A_486 : vector<512x1xf32> to vector<512x90xf32>
      %eq3A_488 = arith.cmpf oeq, %select_n3A_483, %eq3A_487 : vector<512x90xf32>
      %jit3A_489 = arith.constant 1.07374182E+9 : f32
      %broadcast_in_dim3A_490 = vector.broadcast %jit3A_489 : f32 to vector<512x90xf32>
      %select_n3A_491 = arith.select %eq3A_488, %concatenate3A_339, %broadcast_in_dim3A_490 : vector<512x90xi1>, vector<512x90xf32>
      %reduce_min3A_492 = arith.constant dense<0x7F800000> : vector<512xf32>
      %reduce_min3A_493 = vector.multi_reduction <minimumf>, %select_n3A_491, %reduce_min3A_492 [1] : vector<512x90xf32> to vector<512xf32>
      %broadcast_in_dim3A_494 = vector.shape_cast %reduce_min3A_493 : vector<512xf32> to vector<512x1xf32>
      %concatenate3A_495 = tpu.concatenate %broadcast_in_dim3A_342, %broadcast_in_dim3A_358, %broadcast_in_dim3A_374, %broadcast_in_dim3A_390, %broadcast_in_dim3A_406, %broadcast_in_dim3A_422, %broadcast_in_dim3A_438, %broadcast_in_dim3A_454, %broadcast_in_dim3A_470, %broadcast_in_dim3A_486 in 1 : vector<512x1xf32>, vector<512x1xf32>, vector<512x1xf32>, vector<512x1xf32>, vector<512x1xf32>, vector<512x1xf32>, vector<512x1xf32>, vector<512x1xf32>, vector<512x1xf32>, vector<512x1xf32> -> vector<512x10xf32>
      %swap3A_496 = arith.constant 0 : index
      %swap3A_497 = arith.constant 0 : index
      %swap3A_498 = vector.load %arg7[%swap3A_496, %swap3A_497] : memref<512x10xf32, #tpu.memory_space<vmem>>, vector<512x10xf32>
      tpu.vector_store %arg7[%swap3A_496, %swap3A_497], %concatenate3A_495 {strides = array<i32>} : memref<512x10xf32, #tpu.memory_space<vmem>>, vector<512x10xf32>,
      %concatenate3A_499 = tpu.concatenate %broadcast_in_dim3A_350, %broadcast_in_dim3A_366, %broadcast_in_dim3A_382, %broadcast_in_dim3A_398, %broadcast_in_dim3A_414, %broadcast_in_dim3A_430, %broadcast_in_dim3A_446, %broadcast_in_dim3A_462, %broadcast_in_dim3A_478, %broadcast_in_dim3A_494 in 1 : vector<512x1xf32>, vector<512x1xf32>, vector<512x1xf32>, vector<512x1xf32>, vector<512x1xf32>, vector<512x1xf32>, vector<512x1xf32>, vector<512x1xf32>, vector<512x1xf32>, vector<512x1xf32> -> vector<512x10xf32>
      %swap3A_500 = arith.constant 0 : index
      %swap3A_501 = arith.constant 0 : index
      %swap3A_502 = vector.load %arg8[%swap3A_500, %swap3A_501] : memref<512x10xf32, #tpu.memory_space<vmem>>, vector<512x10xf32>
      tpu.vector_store %arg8[%swap3A_500, %swap3A_501], %concatenate3A_499 {strides = array<i32>} : memref<512x10xf32, #tpu.memory_space<vmem>>, vector<512x10xf32>,
      %concatenate3A_503 = tpu.concatenate %broadcast_in_dim3A_350, %broadcast_in_dim3A_366, %broadcast_in_dim3A_382, %broadcast_in_dim3A_398, %broadcast_in_dim3A_414, %broadcast_in_dim3A_430, %broadcast_in_dim3A_446, %broadcast_in_dim3A_462, %broadcast_in_dim3A_478, %broadcast_in_dim3A_494 in 1 : vector<512x1xf32>, vector<512x1xf32>, vector<512x1xf32>, vector<512x1xf32>, vector<512x1xf32>, vector<512x1xf32>, vector<512x1xf32>, vector<512x1xf32>, vector<512x1xf32>, vector<512x1xf32> -> vector<512x10xf32>
      %convert_element_type3A_504 = arith.fptosi %concatenate3A_503 : vector<512x10xf32> to vector<512x10xi32>
      %swap3A_505 = arith.constant 0 : index
      %swap3A_506 = arith.constant 0 : index
      %swap3A_507 = vector.load %arg6[%swap3A_505, %swap3A_506] : memref<512x10xi32, #tpu.memory_space<vmem>>, vector<512x10xi32>
      tpu.vector_store %arg6[%swap3A_505, %swap3A_506], %convert_element_type3A_504 {strides = array<i32>} : memref<512x10xi32, #tpu.memory_space<vmem>>, vector<512x10xi32>,
    } else {
    }
    return
  }
  func.func @transform_0(%arg0: i32, %arg1: i32) -> (i32, i32) {
    %c0_i32 = arith.constant 0 : i32
    %c0_i32_0 = arith.constant 0 : i32
    return %arg0, %c0_i32 : i32, i32
  }
  func.func @transform_1(%arg0: i32, %arg1: i32) -> (i32, i32) {
    %c0_i32 = arith.constant 0 : i32
    %c0_i32_0 = arith.constant 0 : i32
    return %c0_i32, %arg1 : i32, i32
  }
  func.func @transform_2(%arg0: i32, %arg1: i32) -> (i32, i32) {
    %c0_i32 = arith.constant 0 : i32
    %c0_i32_0 = arith.constant 0 : i32
    return %arg0, %c0_i32 : i32, i32
  }
  func.func @transform_3(%arg0: i32, %arg1: i32) -> (i32, i32) {
    %c0_i32 = arith.constant 0 : i32
    %c0_i32_0 = arith.constant 0 : i32
    return %arg0, %c0_i32 : i32, i32
  }
  func.func @transform_4(%arg0: i32, %arg1: i32) -> (i32, i32) {
    %c0_i32 = arith.constant 0 : i32
    %c0_i32_0 = arith.constant 0 : i32
    return %arg0, %c0_i32 : i32, i32
  }
}

module attributes {stable_mosaic.version = 14 : i64} {
  func.func @_pass2_body(%arg0: i32, %arg1: i32, %arg2: memref<512x16xf32, #tpu.memory_space<vmem>>, %arg3: memref<16x4096xf32, #tpu.memory_space<vmem>>, %arg4: memref<512x1xf32, #tpu.memory_space<vmem>>, %arg5: memref<512x1xf32, #tpu.memory_space<vmem>>, %arg6: memref<512x4096xf32, #tpu.memory_space<vmem>>) attributes {dimension_semantics = [#tpu.dimension_semantics<arbitrary>, #tpu.dimension_semantics<arbitrary>], iteration_bounds = array<i64: 2, 25>, scalar_prefetch = 0 : i64, scratch_operands = 0 : i64, tpu.core_type = #tpu.core_type<tc>, window_params = [{transform_indices = @transform_0, window_bounds = array<i64: 512, 16>}, {transform_indices = @transform_1, window_bounds = array<i64: 16, 4096>}, {transform_indices = @transform_2, window_bounds = array<i64: 512, 1>}, {transform_indices = @transform_3, window_bounds = array<i64: 512, 1>}, {transform_indices = @transform_4, window_bounds = array<i64: 512, 4096>}]} {
    %get3A = arith.constant 0 : index
    %get3A_0 = arith.constant 0 : index
    %get3A_1 = vector.load %arg2[%get3A, %get3A_0] : memref<512x16xf32, #tpu.memory_space<vmem>>, vector<512x16xf32>
    %get3A_2 = arith.constant 0 : index
    %get3A_3 = arith.constant 0 : index
    %get3A_4 = vector.load %arg3[%get3A_2, %get3A_3] : memref<16x4096xf32, #tpu.memory_space<vmem>>, vector<16x4096xf32>
    %dot_general3A = arith.constant dense<0.000000e+00> : vector<512x4096xf32>
    %dot_general3A_5 = tpu.matmul %get3A_1, %get3A_4, %dot_general3A {dimension_numbers = #tpu.dot_dimension_numbers<[1], [0], [0], [1], [0, 0, 1, 1], [], []>, transpose_lhs_hint = false} : vector<512x16xf32>, vector<16x4096xf32>, vector<512x4096xf32> -> vector<512x4096xf32>
    %mul3A = arith.constant 0.0883883461 : f32
    %mul3A_6 = vector.broadcast %mul3A : f32 to vector<512x4096xf32>
    %mul3A_7 = arith.mulf %dot_general3A_5, %mul3A_6 : vector<512x4096xf32>
    %get3A_8 = arith.constant 0 : index
    %get3A_9 = arith.constant 0 : index
    %get3A_10 = vector.load %arg4[%get3A_8, %get3A_9] : memref<512x1xf32, #tpu.memory_space<vmem>>, vector<512x1xf32>
    %sub3A = vector.broadcast %get3A_10 : vector<512x1xf32> to vector<512x4096xf32>
    %sub3A_11 = arith.subf %mul3A_7, %sub3A : vector<512x4096xf32>
    %exp3A = math.exp %sub3A_11 : vector<512x4096xf32>
    %get3A_12 = arith.constant 0 : index
    %get3A_13 = arith.constant 0 : index
    %get3A_14 = vector.load %arg5[%get3A_12, %get3A_13] : memref<512x1xf32, #tpu.memory_space<vmem>>, vector<512x1xf32>
    %div3A = vector.broadcast %get3A_14 : vector<512x1xf32> to vector<512x4096xf32>
    %div3A_15 = arith.divf %exp3A, %div3A : vector<512x4096xf32>
    %swap3A = arith.constant 0 : index
    %swap3A_16 = arith.constant 0 : index
    %swap3A_17 = vector.load %arg6[%swap3A, %swap3A_16] : memref<512x4096xf32, #tpu.memory_space<vmem>>, vector<512x4096xf32>
    tpu.vector_store %arg6[%swap3A, %swap3A_16], %div3A_15 {strides = array<i32>} : memref<512x4096xf32, #tpu.memory_space<vmem>>, vector<512x4096xf32>,
    return
  }
  func.func @transform_0(%arg0: i32, %arg1: i32) -> (i32, i32) {
    %c0_i32 = arith.constant 0 : i32
    %c0_i32_0 = arith.constant 0 : i32
    return %arg0, %c0_i32 : i32, i32
  }
  func.func @transform_1(%arg0: i32, %arg1: i32) -> (i32, i32) {
    %c0_i32 = arith.constant 0 : i32
    %c0_i32_0 = arith.constant 0 : i32
    return %c0_i32, %arg1 : i32, i32
  }
  func.func @transform_2(%arg0: i32, %arg1: i32) -> (i32, i32) {
    %c0_i32 = arith.constant 0 : i32
    %c0_i32_0 = arith.constant 0 : i32
    return %arg0, %c0_i32 : i32, i32
  }
  func.func @transform_3(%arg0: i32, %arg1: i32) -> (i32, i32) {
    %c0_i32 = arith.constant 0 : i32
    %c0_i32_0 = arith.constant 0 : i32
    return %arg0, %c0_i32 : i32, i32
  }
  func.func @transform_4(%arg0: i32, %arg1: i32) -> (i32, i32) {
    %c0_i32 = arith.constant 0 : i32
    return %arg0, %arg1 : i32, i32
  }
}

</mosaic_0001>

<sc_bundles>
// kernel: kernel.8.cloned.1.call-start
scs
__scs_entry_jumppad:
0x0: {  	(pc) =	sbr.rel $0x88, $3  }
0x1: {  	(tag) =	ssettag $0x0;
	lr =	simm.s32 $0x1  }
0x2: {  	[smem:$0x3F99] =	sst lr;
	_ =	strace $0xD0000000  }
0x3: {  	_ = 	snop  }
0x4: {  	_ = 	snop  }
0x5: {  	_ = 	snop  }
0x6: {  	_ = 	snop  }
0x7: {  	_ = 	snop  }
__scs_overlays_trampoline_lowered:
0x8: {  	[smem:$0x3FA8] =	sst s0  }
0x9: {  	[smem:$0x3FA9] =	sst s1  }
0xa: {  	[smem:$0x3FAA] =	sst s2  }
0xb: {  	[smem:$0x3FAB] =	sst s3  }
0xc: {  	[smem:$0x3FAC] =	sst s4  }
0xd: {  	[smem:$0x3FAD] =	sst s5  }
0xe: {  	[smem:$0x3FAE] =	sst s6  }
0xf: {  	[smem:$0x3FAF] =	sst s7  }
0x10: {  	[smem:$0x3FB0] =	sst s8  }
0x11: {  	[smem:$0x3FB1] =	sst s9;
	s0 =	simm.s32 @!p0 $0x0  }
0x12: {  	s1 =	sld [smem:$0x3F97];
	s0 =	simm.s32 @p0 $0x1  }
0x13: {  	[smem:$0x3FB2] =	sst s0;
	s0 =	simm.s32 @!p1 $0x0  }
0x14: {  	s2 =	sld [smem:$0x3F96];
	s0 =	simm.s32 @p1 $0x1  }
0x15: {  	[smem:$0x3FB3] =	sst s0;
	s0 =	simm.s32 @!p2 $0x0  }
0x16: {  	s3 =	sld [smem:$0x3FDB];
	s0 =	simm.s32 @p2 $0x1  }
0x17: {  	s4 =	simm.s32 $0x1BF5;
	[smem:$0x3FB5] =	sst s0  }
0x18: {  	s0 =	sld [smem:$0x3F98];
	_ =	swait.ge [sflag:s4], $0x0  }
0x19: {  	s7 =	sld [smem:$0x3F99]  }
0x1a: {  	s8 =	sadd.s32 $0xFFFFE003, lr  }
0x1b: {  	s9 =	sadd.s32 $0xFFFFFEF7, lr;
	s5 =	simm.s32 $0xFFFFFFFF;
	p2 =	slt.u32 s8, $0xFFFFF086  }
0x1c: {  	p1 =	slt.u32 s9, $0xF7A;
	s5 =	simm.s32 @!p2 $0x0  }
0x1d: {  	s5 =	simm.s32 @p1 $0x1;
	p0 =	seq.s32 s7, s2  }
0x1e: {  	s7 =	smul.u32 @!p0 $0xF7A, s2;
	p2 =	seq.s32 @!p0 s5, $0x0  }
0x1f: {  	s9 =	smul.u32 $0xF7A, s1;
	s8 =	simm.s32 @!p0 $0x1BF5;
	p2 =	por !p2, p0  }
0x20: {  	[sflag:s8] =	ssyncset.s32 @!p0 $0xFFFFF086;
	s6 =	sadd.s32 @!p0 s3, s7;
	s7 =	simm.s32 @!p0 $0x108  }
0x21: {  	s3 =	sadd.s32 s3, s9;
	s6 =	sadd.s32 @!p0 $0x88, s6;
	s7 =	simm.s32 @p2 $0x1082  }
0x22: {  	[simem:s7], [sflag:s8] =	dma.local @!p0 [hbm:s6], $0xF7A  }
0x23: {  	s9 =	sor.u32 $0xD0000000, s2;
	s6 =	simm.s32 $0x108;
	_ =	swait.ge @!p0 [sflag:s8], $0x0  }
0x24: {  	s3 =	sadd.s32 $0x88, s3;
	s6 =	simm.s32 @!p1 $0x1082;
	[sflag:s4] =	ssyncset.s32 $0xFFFFF086  }
0x25: {  	[simem:s6], [sflag:s4] =	dma.local [hbm:s3], $0xF7A  }
0x26: {  	[smem:$0x3F99] =	sst s1;
	(tag) =	ssettag s2;
	_ =	strace s9  }
0x27: {  	s1 =	sld [smem:$0x3FA9]  }
0x28: {  	s2 =	sld [smem:$0x3FAA]  }
0x29: {  	s4 =	sld [smem:$0x3FAC]  }
0x2a: {  	p0 =	seq.s32 s5, $0x0;
	s5 =	sld [smem:$0x3FAD]  }
0x2b: {  	s6 =	sld [smem:$0x3FAE]  }
0x2c: {  	s7 =	sld [smem:$0x3FAF]  }
0x2d: {  	s3 =	simm.s32 $0x108;
	s8 =	sld [smem:$0x3FB0]  }
0x2e: {  	s3 =	simm.s32 @!p0 $0x1082;
	s9 =	sld [smem:$0x3FB1]  }
0x2f: {  	lr =	sadd.s32 s0, s3;
	s0 =	sld [smem:$0x3FA8]  }
0x30: {  	s3 =	sld [smem:$0x3FAB]  }
0x31: {  	[smem:$0x3FB4] =	sst s10  }
0x32: {  	s10 =	sld [smem:$0x3FB2];
	_ =	sdelay $0x3  }
0x33: {  	p0 =	seq.s32 s10, $0x1;
	s10 =	sld [smem:$0x3FB4];
	_ =	sdelay $0x3  }
0x34: {  	[smem:$0x3FB4] =	sst s10  }
0x35: {  	s10 =	sld [smem:$0x3FB3];
	_ =	sdelay $0x3  }
0x36: {  	p1 =	seq.s32 s10, $0x1;
	s10 =	sld [smem:$0x3FB4];
	_ =	sdelay $0x3  }
0x37: {  	[smem:$0x3FB4] =	sst s10  }
0x38: {  	s10 =	sld [smem:$0x3FB5]  }
0x39: {  	_ = 	snop;
	(pc) =	sbr.ind lr, $3  }
0x3a: {  	_ = 	snop  }
0x3b: {  	_ = 	snop  }
0x3c: {  	p2 =	seq.s32 s10, $0x1;
	s10 =	sld [smem:$0x3FB4]  }
0x3d: {  	_ =	shalt  }
0x3e: {  	_ =	shalt  }
0x3f: {  	_ =	shalt  }
0x40: {  	_ =	shalt  }
0x41: {  	_ =	shalt  }
0x42: {  	_ =	shalt  }
0x43: {  	_ =	shalt  }
0x44: {  	_ =	shalt  }
0x45: {  	_ =	shalt  }
0x46: {  	_ =	shalt  }
0x47: {  	_ =	shalt  }
0x48: {  	_ =	shalt  }
0x49: {  	_ =	shalt  }
0x4a: {  	_ =	shalt  }
0x4b: {  	_ =	shalt  }
0x4c: {  	_ =	shalt  }
0x4d: {  	_ =	shalt  }
0x4e: {  	_ =	shalt  }
0x4f: {  	_ =	shalt  }
0x50: {  	_ =	shalt  }
0x51: {  	_ =	shalt  }
0x52: {  	_ =	shalt  }
0x53: {  	_ =	shalt  }
0x54: {  	_ =	shalt  }
0x55: {  	_ =	shalt  }
0x56: {  	_ =	shalt  }
0x57: {  	_ =	shalt  }
0x58: {  	_ =	shalt  }
0x59: {  	_ =	shalt  }
0x5a: {  	_ =	shalt  }
0x5b: {  	_ =	shalt  }
0x5c: {  	_ =	shalt  }
0x5d: {  	_ =	shalt  }
0x5e: {  	_ =	shalt  }
0x5f: {  	_ =	shalt  }
0x60: {  	_ =	shalt  }
0x61: {  	_ =	shalt  }
0x62: {  	_ =	shalt  }
0x63: {  	_ =	shalt  }
0x64: {  	_ =	shalt  }
0x65: {  	_ =	shalt  }
0x66: {  	_ =	shalt  }
0x67: {  	_ =	shalt  }
0x68: {  	_ =	shalt  }
0x69: {  	_ =	shalt  }
0x6a: {  	_ =	shalt  }
0x6b: {  	_ =	shalt  }
0x6c: {  	_ =	shalt  }
0x6d: {  	_ =	shalt  }
0x6e: {  	_ =	shalt  }
0x6f: {  	_ =	shalt  }
0x70: {  	_ =	shalt  }
0x71: {  	_ =	shalt  }
0x72: {  	_ =	shalt  }
0x73: {  	_ =	shalt  }
0x74: {  	_ =	shalt  }
0x75: {  	_ =	shalt  }
0x76: {  	_ =	shalt  }
0x77: {  	_ =	shalt  }
0x78: {  	_ =	shalt  }
0x79: {  	_ =	shalt  }
0x7a: {  	_ =	shalt  }
0x7b: {  	_ =	shalt  }
0x7c: {  	_ =	shalt  }
0x7d: {  	_ =	shalt  }
0x7e: {  	_ =	shalt  }
0x7f: {  	_ =	shalt  }
0x80: {  	_ =	shalt  }
0x81: {  	_ =	shalt  }
0x82: {  	_ =	shalt  }
0x83: {  	_ =	shalt  }
0x84: {  	_ =	shalt  }
0x85: {  	_ =	shalt  }
0x86: {  	_ =	shalt  }
0x87: {  	_ =	shalt  }
.Lfunc_end0:
.L_simem_size_0:
called_computation_lowered:
.L_overlay_start_0:
0x88: {  	s2 =	sld [smem:$0x3FD9]  }
0x89: {  	s3 =	sld [smem:$0x3FFE];
	_ =	sdelay $0x1  }
0x8a: {  	s1 =	srdreg.scid  }
0x8b: {  	s0 =	sand.u32 $0x1, s1  }
0x8c: {  	s14 =	sshll.u32 s0, $0xA;
	s2 =	sadd.s32 s3, s2  }
0x8d: {  	s2 =	sadd.s32 s2, s14  }
0x8e: {  	[smem:$0x3FC0] =	sst s2  }
0x8f: {  	_ = 	snop  }
0x90: {  	s2 =	sld [smem:$0x3FD0];
	_ =	sdelay $0x2  }
0x91: {  	s15 =	simm.s32 $0xA;
	s4 =	simm.s32 $0x10  }
0x92: {  	[smem:s4], [sflag:s15] =	dma.local [hbm:s2], $0x1  }
0x93: {  	_ =	swait.eq [sflag:s15], $0x1  }
0x94: {  	[sflag:s15] =	ssyncset.done $0x0  }
0x95: {  	[sflag:s15] =	ssyncadd.s32 $0xFFFFFFFF  }
0x96: {  	s16 =	sld [smem:$0x10];
	(tm) =	ssettm $0x1  }
0x97: {  	s17 =	sld [smem:$0x3FFB];
	_ =	sdelay $0x3  }
0x98: {  	_ =	strace s17  }
0x99: {  	s3 =	sld [smem:$0x3FFC];
	_ =	sdelay $0x3  }
0x9a: {  	_ =	strace s3  }
0x9b: {  	s3 =	sld [smem:$0x3FFD];
	_ =	sdelay $0x3  }
0x9c: {  	_ =	strace s3  }
0x9d: {  	_ =	strace $0x8FFFFFFF  }
0x9e: {  	s18 =	sld [smem:$0x3FDB];
	_ =	sdelay $0x1  }
0x9f: {  	s19 =	simm.s32 $_scs_section_size  }
0xa0: {  	s5 =	simm.s32 $_size__tile_overlayer_lowered;
	s6 =	simm.s32 $_tile_overlayer_lowered  }
0xa1: {  	s22 =	simm.s32 $0x1BFF;
	s21 =	sshll.u32 s6, $0x1;
	s3 =	sadd.s32 s19, s18  }
0xa2: {  	s7 =	simm.s32 $0x0;
	s20 =	sshll.u32 s5, $0x1;
	s5 =	sadd.s32 s21, s3  }
0xa3: {  	[timem:s7], [sflag:s22] =	dma.local [hbm:s5], s20  }
0xa4: {  	_ =	swait.ge [sflag:s22], s20  }
0xa5: {  	s4 =	ssub.s32 $0x0, s20;
	[sflag:s22] =	ssyncset.done $0x0  }
0xa6: {  	[sflag:s22] =	ssyncadd.s32 s4;
	_ =	sdelay $0x1  }
0xa7: {  	s23 =	simm.s32 $0x1B8B  }
0xa8: {  	_ =	swait.ge [sflag:s23], $0x1  }
0xa9: {  	[sflag:s23] =	ssyncset.done $0x0  }
0xaa: {  	s25 =	simm.s32 $0x1B8E;
	s24 =	sld [smem:$0x3FFE];
	[sflag:s23] =	ssyncadd.s32 $0xFFFFFFFF  }
0xab: {  	s26 =	simm.s32 $execute0_lowered;
	[smem:$0x3FD2] =	sst s25  }
0xac: {  	s5 =	sshll.u32 s26, $0x1;
	_ =	strace $0x80000046;
	[dreg:$0x1] =	wrdreg $0xFFFFFFFF  }
0xad: {  	s28 =	simm.s32 $_size_execute0_lowered;
	s3 =	sadd.s32 s3, s5;
	[dreg:$0x0] =	wrdreg $0x0  }
0xae: {  	s5 =	sshll.u32 s28, $0x1;
	[dreg:$0x2] =	wrdreg s3  }
0xaf: {  	[dreg:$0x3] =	wrdreg s5  }
0xb0: {  	[dreg:$0x4] =	wrdreg $0xC0  }
0xb1: {  	_ =	task [dreg:s7], $0x5FFFF  }
0xb2: {  	[dreg:$0x1] =	wrdreg $0xFFFFFFFF  }
0xb3: {  	[dreg:$0x0] =	wrdreg $0x60  }
0xb4: {  	[dreg:$0x2] =	wrdreg s24  }
0xb5: {  	[dreg:$0x3] =	wrdreg s16  }
0xb6: {  	[dreg:$0x4] =	wrdreg $0x9  }
0xb7: {  	_ =	task.clear_ibuf [dreg:s7], $0x5FFFF;
	_ =	strace $0x90000046  }
0xb8: {  	s29 =	simm.s32 $0x9;
	_ =	strace $0x80000048  }
0xb9: {  	_ =	swait.ge [sflag:s29], $0x1  }
0xba: {  	[sflag:s29] =	ssyncadd.s32 $0xFFFFFFFF  }
0xbb: {  	_ =	strace $0x90000048  }
0xbc: {  	_ =	sfence  }
0xbd: {  	s30 =	sld [smem:$0x0];
	_ =	sdelay $0x2  }
0xbe: {  	s31 =	sshll.u32 s1, $0xD;
	s1 =	sshrl.u32 s1, $0x2  }
0xbf: {  	s3 =	sand.u32 $0x4000, s31;
	s1 =	sadd.s32 s1, s30  }
0xc0: {  	s0 =	sor.u32 s3, s0;
	s1 =	sshll.u32 s1, $0x11  }
0xc1: {  	s0 =	sor.u32 s1, s0  }
0xc2: {  	s0 =	sadd.s32 $0x8F2B, s0  }
0xc3: {  	[sflag:s0] =	ssyncadd.remote.s32 $0x1  }
0xc4: {  	_ =	sfence.sel $0xFFFF  }
0xc5: {  	[dreg:$0x0] =	wrdreg $0xFFFFFFFF;
	(pc) =	sbr.abs _section_cstart, $3  }
0xc6: {  	[dreg:$0x1] =	wrdreg $0xFFFFFFFF  }
0xc7: {  	_ =	task.clear_ibuf [dreg:s7], $0x2FFFF;
	_ =	strace $0x9FFFFFFF  }
0xc8: {  	(tm) =	ssettm $0x7FFFFFFF  }
0xc9: {  	_ =	shalt  }
tec
execute0_lowered:
.L_overlay_start_1:
0x0: {  	(tag) =	ssettag $0x1  }
0x1: {  	s5 =	rddreg [dreg:$0x0]  }
0x2: {  	s1 =	srdreg.scid;
	s0 =	stileid.u32  }
0x3: {  	s4 =	rddreg [dreg:$0x1];
	s2 =	simm.s32 $0x0;
	s10 =	simm.s32 $0x2  }
0x4: {  	s11 =	simm.s32 $0x50;
	s12 =	simm.s32 $0x80;
	s13 =	simm.s32 $0x1  }
0x5: {  	s6 =	sand.u32 $0x1, s1;
	s3 =	sshll.u32 s0, $0x1;
	s1 =	rddreg [dreg:$0x2]  }
0x6: {  	s14 =	simm.s32 $0x2880;
	[smem:$0x7FF] =	sst s2;
	s7 =	sor.u32 s6, s3  }
0x7: {  	_ =	strace $0x80000047;
	s6 =	ssub.s32 $0x2, s6;
	s8 =	smul.u32 $0x140, s7  }
0x8: {  	s3 =	sadd.s32 $0x1800, s5;
	s7 =	sshll.u32 s7, $0x9;
	s9 =	sshrl.u32 s6, $0x1  }
0x9: {  	s31 =	sadd.s32 s7, s5;
	s9 =	ssub.s32 s6, s9;
	s8 =	sshrl.u32 s8, $0x3  }
0xa: {  	s9 =	smax.u32 s9, $0x1;
	s4 =	sadd.s32 s4, s8;
	s8 =	sadd.s32 $0x191800, s31  }
0xb: {  	s5 =	sadd.s32 $0xA, s4;
	s6 =	sadd.s32 $0x14, s4;
	s7 =	sadd.s32 $0x1E, s4  }
.LBB2_1:
0xc: {  	[tilespmem:s2], [sflag:$0x2] =	stream.linear.gather [hbm4b:s4+s2], $0x50, $0x38;
	[tilespmem:$0x3880] =	vst v63  }
0xd: {  	_ =	swait.ge [sflag:s10], $0x50  }
0xe: {  	[sflag:s10] =	ssyncset.done $0x0  }
0xf: {  	[sflag:s10] =	ssyncadd.s32 $0xFFFFFFB0  }
0x10: {  	[tilespmem:s12], [sflag:$0x1] =	stream.indirect.gather [hbm4b:s3+s11], $0x80, s2, s11, $0xb8;
	[tilespmem:$0x3880] =	vst v63  }
0x11: {  	_ =	swait.ge [sflag:s13], $0x2800  }
0x12: {  	[sflag:s13] =	ssyncset.done $0x0  }
0x13: {  	[sflag:s13] =	ssyncadd.s32 $0xFFFFD800  }
0x14: {  	v0 =	vld [tilespmem:$0x80]  }
0x15: {  	v1 =	vld [tilespmem:$0x100]  }
0x16: {  	v2 =	vld [tilespmem:$0x180]  }
0x17: {  	v3 =	vld [tilespmem:$0x200]  }
0x18: {  	v4 =	vld [tilespmem:$0x280]  }
0x19: {  	v5 =	vld [tilespmem:$0x300]  }
0x1a: {  	v6 =	vld [tilespmem:$0x380]  }
0x1b: {  	v7 =	vld [tilespmem:$0x400]  }
0x1c: {  	v8 =	vld [tilespmem:$0x480]  }
0x1d: {  	v9 =	vld [tilespmem:$0x500]  }
0x1e: {  	v10 =	vld [tilespmem:$0x580]  }
0x1f: {  	v11 =	vld [tilespmem:$0x600]  }
0x20: {  	v12 =	vld [tilespmem:$0x680]  }
0x21: {  	v13 =	vld [tilespmem:$0x700]  }
0x22: {  	v14 =	vld [tilespmem:$0x780]  }
0x23: {  	v15 =	vld [tilespmem:$0x800]  }
0x24: {  	v16 =	vld [tilespmem:$0x880]  }
0x25: {  	v17 =	vld [tilespmem:$0x900]  }
0x26: {  	v18 =	vld [tilespmem:$0x980]  }
0x27: {  	v19 =	vld [tilespmem:$0xA00]  }
0x28: {  	v20 =	vld [tilespmem:$0xA80]  }
0x29: {  	v21 =	vld [tilespmem:$0xB00]  }
0x2a: {  	v22 =	vld [tilespmem:$0xB80]  }
0x2b: {  	v23 =	vld [tilespmem:$0xC00]  }
0x2c: {  	v24 =	vld [tilespmem:$0xC80]  }
0x2d: {  	v25 =	vld [tilespmem:$0xD00]  }
0x2e: {  	v26 =	vld [tilespmem:$0xD80]  }
0x2f: {  	v27 =	vld [tilespmem:$0xE00]  }
0x30: {  	v28 =	vld [tilespmem:$0xE80]  }
0x31: {  	v29 =	vld [tilespmem:$0xF00]  }
0x32: {  	v30 =	vld [tilespmem:$0xF80]  }
0x33: {  	v31 =	vld [tilespmem:$0x1000]  }
0x34: {  	v32 =	vld [tilespmem:$0x1080]  }
0x35: {  	v33 =	vld [tilespmem:$0x1100]  }
0x36: {  	v34 =	vld [tilespmem:$0x1180]  }
0x37: {  	v35 =	vld [tilespmem:$0x1200]  }
0x38: {  	v36 =	vld [tilespmem:$0x1280]  }
0x39: {  	v37 =	vld [tilespmem:$0x1300]  }
0x3a: {  	v38 =	vld [tilespmem:$0x1380]  }
0x3b: {  	v39 =	vld [tilespmem:$0x1400]  }
0x3c: {  	v40 =	vld [tilespmem:$0x1480]  }
0x3d: {  	v41 =	vld [tilespmem:$0x1500]  }
0x3e: {  	v42 =	vld [tilespmem:$0x1580]  }
0x3f: {  	v43 =	vld [tilespmem:$0x1600]  }
0x40: {  	v44 =	vld [tilespmem:$0x1680]  }
0x41: {  	v45 =	vld [tilespmem:$0x1700]  }
0x42: {  	v46 =	vld [tilespmem:$0x1780]  }
0x43: {  	v51 =	vld [tilespmem:$0x1800];
	v0 =	vadd.f32 v1, v0  }
0x44: {  	v56 =	vld [tilespmem:$0x1980];
	v10 =	vadd.f32 v11, v10;
	v53 =	vadd.f32 v21, v20  }
0x45: {  	v57 =	vld [tilespmem:$0x1A00];
	v55 =	vadd.f32 v31, v30;
	v0 =	vadd.f32 v2, v0  }
0x46: {  	v52 =	vld [tilespmem:$0x1880];
	v10 =	vadd.f32 v12, v10;
	v2 =	vadd.f32 v22, v53  }
0x47: {  	v54 =	vld [tilespmem:$0x1900];
	v12 =	vadd.f32 v32, v55;
	v0 =	vadd.f32 v3, v0  }
0x48: {  	v58 =	vld [tilespmem:$0x1A80];
	v10 =	vadd.f32 v13, v10;
	v2 =	vadd.f32 v23, v2  }
0x49: {  	v59 =	vld [tilespmem:$0x1B00];
	v12 =	vadd.f32 v33, v12;
	v33 =	vadd.f32 v41, v40  }
0x4a: {  	v60 =	vld [tilespmem:$0x1B80];
	v3 =	vadd.f32 v57, v56;
	v0 =	vadd.f32 v4, v0  }
0x4b: {  	v61 =	vld [tilespmem:$0x1C00];
	v10 =	vadd.f32 v14, v10;
	v2 =	vadd.f32 v24, v2  }
0x4c: {  	v62 =	vld [tilespmem:$0x1C80];
	v12 =	vadd.f32 v34, v12;
	v22 =	vadd.f32 v42, v33  }
0x4d: {  	v63 =	vld [tilespmem:$0x1D00];
	v3 =	vadd.f32 v58, v3;
	v0 =	vadd.f32 v5, v0  }
0x4e: {  	v47 =	vld [tilespmem:$0x2700];
	v10 =	vadd.f32 v15, v10;
	v2 =	vadd.f32 v25, v2  }
0x4f: {  	v30 =	vld [tilespmem:$0x2380];
	v12 =	vadd.f32 v35, v12;
	v3 =	vadd.f32 v59, v3  }
0x50: {  	v31 =	vld [tilespmem:$0x2400];
	v0 =	vadd.f32 v6, v0;
	v10 =	vadd.f32 v16, v10  }
0x51: {  	v32 =	vld [tilespmem:$0x1F80];
	v2 =	vadd.f32 v26, v2;
	v12 =	vadd.f32 v36, v12  }
0x52: {  	v26 =	vld [tilespmem:$0x1E80];
	v3 =	vadd.f32 v60, v3;
	v0 =	vadd.f32 v7, v0  }
0x53: {  	v10 =	vadd.f32 v17, v10;
	v2 =	vadd.f32 v27, v2;
	v27 =	vld [tilespmem:$0x1F00]  }
0x54: {  	v34 =	vld [tilespmem:$0x2480];
	v12 =	vadd.f32 v37, v12;
	v3 =	vadd.f32 v61, v3  }
0x55: {  	v40 =	vld [tilespmem:$0x2100];
	v0 =	vadd.f32 v8, v0;
	v10 =	vadd.f32 v18, v10  }
0x56: {  	v36 =	vld [tilespmem:$0x2500];
	v2 =	vadd.f32 v28, v2;
	v12 =	vadd.f32 v38, v12  }
0x57: {  	v35 =	vld [tilespmem:$0x2000];
	v0 =	vadd.f32 v9, v0;
	v9 =	vadd.f32 v31, v30  }
0x58: {  	v12 =	vadd.f32 v39, v12;
	v39 =	vld [tilespmem:$0x2580];
	v8 =	vadd.f32 v27, v26  }
0x59: {  	v37 =	vld [tilespmem:$0x2080];
	v38 =	vadd.f32 v43, v22;
	v9 =	vadd.f32 v34, v9  }
0x5a: {  	v41 =	vld [tilespmem:$0x2600];
	v3 =	vadd.f32 v62, v3;
	v8 =	vadd.f32 v32, v8  }
0x5b: {  	v24 =	vld [tilespmem:$0x1D80];
	v10 =	vadd.f32 v19, v10;
	v9 =	vadd.f32 v36, v9  }
0x5c: {  	v18 =	vadd.f32 v44, v38;
	v44 =	vld [tilespmem:$0x2680];
	v8 =	vadd.f32 v35, v8  }
0x5d: {  	v42 =	vld [tilespmem:$0x2180];
	v2 =	vadd.f32 v29, v2;
	v9 =	vadd.f32 v39, v9  }
0x5e: {  	v25 =	vld [tilespmem:$0x1E00];
	v43 =	vadd.f32 v45, v18;
	v8 =	vadd.f32 v37, v8  }
0x5f: {  	v3 =	vadd.f32 v63, v3;
	v45 =	vld [tilespmem:$0x2200];
	v9 =	vadd.f32 v41, v9  }
0x60: {  	v49 =	vld [tilespmem:$0x2780];
	v17 =	vadd.f32 v46, v43;
	v4 =	vadd.f32 v40, v8  }
0x61: {  	v48 =	vld [tilespmem:$0x2280];
	v3 =	vadd.f32 v24, v3;
	v9 =	vadd.f32 v44, v9  }
0x62: {  	v1 =	vadd.f32 v51, v17;
	v51 =	vld [tilespmem:$0x2800];
	v4 =	vadd.f32 v42, v4  }
0x63: {  	v50 =	vld [tilespmem:$0x2300];
	v0 =	vmul.f32 $1.000000010e-01, v0;
	v3 =	vadd.f32 v25, v3;
	v8 =	vadd.f32 v47, v9  }
0x64: {  	v10 =	vmul.f32 $1.000000010e-01, v10;
	v1 =	vadd.f32 v52, v1;
	v4 =	vadd.f32 v45, v4  }
0x65: {  	[tilespmem:$0x2880] =	vst v0;
	v58 =	vmul.f32 $1.000000010e-01, v3;
	v55 =	vadd.f32 v49, v8  }
0x66: {  	[tilespmem:$0x2900] =	vst v10;
	v52 =	vmul.f32 $1.000000010e-01, v2;
	v1 =	vadd.f32 v54, v1;
	v53 =	vadd.f32 v48, v4  }
0x67: {  	[tilespmem:$0x2B00] =	vst v58;
	v54 =	vmul.f32 $1.000000010e-01, v12;
	v59 =	vadd.f32 v51, v55  }
0x68: {  	[tilespmem:$0x2980] =	vst v52;
	v56 =	vmul.f32 $1.000000010e-01, v1;
	v57 =	vadd.f32 v50, v53  }
0x69: {  	[tilespmem:$0x2A00] =	vst v54;
	v61 =	vmul.f32 $1.000000010e-01, v59  }
0x6a: {  	[tilespmem:$0x2A80] =	vst v56;
	v60 =	vmul.f32 $1.000000010e-01, v57  }
0x6b: {  	[tilespmem:$0x2C00] =	vst v61  }
0x6c: {  	[tilespmem:$0x2B80] =	vst v60  }
0x6d: {  	[tilespmem:s2], [sflag:$0x2] =	stream.linear.gather [hbm4b:s5+s2], $0x50, $0x38;
	[tilespmem:$0x3880] =	vst v63  }
0x6e: {  	_ =	swait.ge [sflag:s10], $0x50  }
0x6f: {  	[sflag:s10] =	ssyncset.done $0x0  }
0x70: {  	[sflag:s10] =	ssyncadd.s32 $0xFFFFFFB0  }
0x71: {  	[tilespmem:s12], [sflag:$0x1] =	stream.indirect.gather [hbm4b:s3+s11], $0x80, s2, s11, $0xb8;
	[tilespmem:$0x3880] =	vst v63  }
0x72: {  	_ =	swait.ge [sflag:s13], $0x2800  }
0x73: {  	[sflag:s13] =	ssyncset.done $0x0  }
0x74: {  	[sflag:s13] =	ssyncadd.s32 $0xFFFFD800  }
0x75: {  	v0 =	vld [tilespmem:$0x80]  }
0x76: {  	v1 =	vld [tilespmem:$0x100]  }
0x77: {  	v2 =	vld [tilespmem:$0x180]  }
0x78: {  	v3 =	vld [tilespmem:$0x200]  }
0x79: {  	v4 =	vld [tilespmem:$0x280]  }
0x7a: {  	v5 =	vld [tilespmem:$0x300]  }
0x7b: {  	v6 =	vld [tilespmem:$0x380]  }
0x7c: {  	v7 =	vld [tilespmem:$0x400]  }
0x7d: {  	v8 =	vld [tilespmem:$0x480]  }
0x7e: {  	v9 =	vld [tilespmem:$0x500]  }
0x7f: {  	v10 =	vld [tilespmem:$0x580]  }
0x80: {  	v11 =	vld [tilespmem:$0x600]  }
0x81: {  	v12 =	vld [tilespmem:$0x680]  }
0x82: {  	v13 =	vld [tilespmem:$0x700]  }
0x83: {  	v14 =	vld [tilespmem:$0x780]  }
0x84: {  	v15 =	vld [tilespmem:$0x800]  }
0x85: {  	v16 =	vld [tilespmem:$0x880]  }
0x86: {  	v17 =	vld [tilespmem:$0x900]  }
0x87: {  	v18 =	vld [tilespmem:$0x980]  }
0x88: {  	v19 =	vld [tilespmem:$0xA00]  }
0x89: {  	v62 =	vld [tilespmem:$0xA80]  }
0x8a: {  	v63 =	vld [tilespmem:$0xB00]  }
0x8b: {  	v48 =	vld [tilespmem:$0xB80]  }
0x8c: {  	v49 =	vld [tilespmem:$0xC00]  }
0x8d: {  	v50 =	vld [tilespmem:$0xC80]  }
0x8e: {  	v25 =	vld [tilespmem:$0xD00]  }
0x8f: {  	v26 =	vld [tilespmem:$0xD80]  }
0x90: {  	v27 =	vld [tilespmem:$0xE00]  }
0x91: {  	v28 =	vld [tilespmem:$0xE80]  }
0x92: {  	v29 =	vld [tilespmem:$0xF00]  }
0x93: {  	v51 =	vld [tilespmem:$0xF80]  }
0x94: {  	v52 =	vld [tilespmem:$0x1000]  }
0x95: {  	v53 =	vld [tilespmem:$0x1080]  }
0x96: {  	v54 =	vld [tilespmem:$0x1100]  }
0x97: {  	v55 =	vld [tilespmem:$0x1180]  }
0x98: {  	v56 =	vld [tilespmem:$0x1200]  }
0x99: {  	v57 =	vld [tilespmem:$0x1280]  }
0x9a: {  	v58 =	vld [tilespmem:$0x1300]  }
0x9b: {  	v59 =	vld [tilespmem:$0x1380]  }
0x9c: {  	v39 =	vld [tilespmem:$0x1400]  }
0x9d: {  	v60 =	vld [tilespmem:$0x1480]  }
0x9e: {  	v61 =	vld [tilespmem:$0x1500]  }
0x9f: {  	v42 =	vld [tilespmem:$0x1580]  }
0xa0: {  	v43 =	vld [tilespmem:$0x1600]  }
0xa1: {  	v44 =	vld [tilespmem:$0x1680]  }
0xa2: {  	v45 =	vld [tilespmem:$0x1700]  }
0xa3: {  	v46 =	vld [tilespmem:$0x1780]  }
0xa4: {  	v20 =	vld [tilespmem:$0x1900]  }
0xa5: {  	v30 =	vld [tilespmem:$0x1980];
	v0 =	vadd.f32 v1, v0;
	v10 =	vadd.f32 v11, v10  }
0xa6: {  	v31 =	vld [tilespmem:$0x1A00];
	v62 =	vadd.f32 v63, v62;
	v63 =	vadd.f32 v52, v51  }
0xa7: {  	v47 =	vld [tilespmem:$0x1A80];
	v60 =	vadd.f32 v61, v60;
	v0 =	vadd.f32 v2, v0  }
0xa8: {  	v24 =	vld [tilespmem:$0x2080];
	v10 =	vadd.f32 v12, v10;
	v2 =	vadd.f32 v48, v62  }
0xa9: {  	v32 =	vld [tilespmem:$0x2200];
	v12 =	vadd.f32 v53, v63;
	v22 =	vadd.f32 v42, v60  }
0xaa: {  	v33 =	vld [tilespmem:$0x2700];
	v0 =	vadd.f32 v3, v0;
	v10 =	vadd.f32 v13, v10  }
0xab: {  	v34 =	vld [tilespmem:$0x2280];
	v2 =	vadd.f32 v49, v2;
	v12 =	vadd.f32 v54, v12  }
0xac: {  	v1 =	vld [tilespmem:$0x1800];
	v3 =	vadd.f32 v31, v30;
	v0 =	vadd.f32 v4, v0  }
0xad: {  	v48 =	vld [tilespmem:$0x1B00];
	v10 =	vadd.f32 v14, v10;
	v12 =	vadd.f32 v55, v12  }
0xae: {  	v51 =	vld [tilespmem:$0x1C80];
	v2 =	vadd.f32 v50, v2;
	v3 =	vadd.f32 v47, v3  }
0xaf: {  	v49 =	vld [tilespmem:$0x1B80];
	v0 =	vadd.f32 v5, v0;
	v12 =	vadd.f32 v56, v12  }
0xb0: {  	v50 =	vld [tilespmem:$0x1C00];
	v10 =	vadd.f32 v15, v10;
	v2 =	vadd.f32 v25, v2  }
0xb1: {  	v55 =	vld [tilespmem:$0x1E80];
	v25 =	vadd.f32 v43, v22;
	v12 =	vadd.f32 v57, v12  }
0xb2: {  	v56 =	vld [tilespmem:$0x1F00];
	v3 =	vadd.f32 v48, v3;
	v0 =	vadd.f32 v6, v0  }
0xb3: {  	v10 =	vadd.f32 v16, v10;
	v57 =	vld [tilespmem:$0x2380];
	v12 =	vadd.f32 v58, v12  }
0xb4: {  	v2 =	vadd.f32 v26, v2;
	v3 =	vadd.f32 v49, v3;
	v58 =	vld [tilespmem:$0x2400]  }
0xb5: {  	v0 =	vadd.f32 v7, v0;
	v12 =	vadd.f32 v59, v12;
	v59 =	vld [tilespmem:$0x1F80]  }
0xb6: {  	v61 =	vld [tilespmem:$0x2480];
	v10 =	vadd.f32 v17, v10;
	v2 =	vadd.f32 v27, v2  }
0xb7: {  	v62 =	vld [tilespmem:$0x2000];
	v3 =	vadd.f32 v50, v3;
	v0 =	vadd.f32 v8, v0  }
0xb8: {  	v63 =	vld [tilespmem:$0x2500];
	v10 =	vadd.f32 v18, v10;
	v8 =	vadd.f32 v56, v55  }
0xb9: {  	v52 =	vld [tilespmem:$0x1D00];
	v0 =	vadd.f32 v9, v0;
	v9 =	vadd.f32 v58, v57  }
0xba: {  	v26 =	vld [tilespmem:$0x2580];
	v2 =	vadd.f32 v28, v2;
	v8 =	vadd.f32 v59, v8  }
0xbb: {  	v27 =	vld [tilespmem:$0x2100];
	v18 =	vadd.f32 v44, v25;
	v9 =	vadd.f32 v61, v9  }
0xbc: {  	v28 =	vld [tilespmem:$0x2600];
	v3 =	vadd.f32 v51, v3;
	v8 =	vadd.f32 v62, v8  }
0xbd: {  	v2 =	vadd.f32 v29, v2;
	v29 =	vld [tilespmem:$0x2180];
	v9 =	vadd.f32 v63, v9  }
0xbe: {  	v31 =	vld [tilespmem:$0x2680];
	v10 =	vadd.f32 v19, v10;
	v8 =	vadd.f32 v24, v8  }
0xbf: {  	v53 =	vld [tilespmem:$0x1D80];
	v30 =	vadd.f32 v45, v18;
	v9 =	vadd.f32 v26, v9  }
0xc0: {  	v11 =	vld [tilespmem:$0x1880];
	v12 =	vadd.f32 v39, v12;
	v4 =	vadd.f32 v27, v8  }
0xc1: {  	v54 =	vld [tilespmem:$0x1E00];
	v17 =	vadd.f32 v46, v30;
	v9 =	vadd.f32 v28, v9  }
0xc2: {  	v35 =	vld [tilespmem:$0x2780];
	v3 =	vadd.f32 v52, v3;
	v4 =	vadd.f32 v29, v4  }
0xc3: {  	v36 =	vld [tilespmem:$0x2300];
	v1 =	vadd.f32 v1, v17;
	v9 =	vadd.f32 v31, v9  }
0xc4: {  	v37 =	vld [tilespmem:$0x2800];
	v0 =	vmul.f32 $1.000000010e-01, v0;
	v3 =	vadd.f32 v53, v3;
	v4 =	vadd.f32 v32, v4  }
0xc5: {  	v10 =	vmul.f32 $1.000000010e-01, v10;
	v1 =	vadd.f32 v11, v1;
	v8 =	vadd.f32 v33, v9  }
0xc6: {  	v38 =	vmul.f32 $1.000000010e-01, v2;
	[tilespmem:$0x2C80] =	vst v0;
	v3 =	vadd.f32 v54, v3;
	v39 =	vadd.f32 v34, v4  }
0xc7: {  	v40 =	vmul.f32 $1.000000010e-01, v12;
	[tilespmem:$0x2D00] =	vst v10;
	v1 =	vadd.f32 v20, v1;
	v41 =	vadd.f32 v35, v8  }
0xc8: {  	[tilespmem:$0x2D80] =	vst v38;
	v44 =	vmul.f32 $1.000000010e-01, v3;
	v43 =	vadd.f32 v36, v39  }
0xc9: {  	[tilespmem:$0x2E00] =	vst v40;
	v42 =	vmul.f32 $1.000000010e-01, v1;
	v45 =	vadd.f32 v37, v41  }
0xca: {  	[tilespmem:$0x2F00] =	vst v44;
	v46 =	vmul.f32 $1.000000010e-01, v43  }
0xcb: {  	[tilespmem:$0x2E80] =	vst v42;
	v47 =	vmul.f32 $1.000000010e-01, v45  }
0xcc: {  	[tilespmem:$0x2F80] =	vst v46  }
0xcd: {  	[tilespmem:$0x3000] =	vst v47  }
0xce: {  	[tilespmem:s2], [sflag:$0x2] =	stream.linear.gather [hbm4b:s6+s2], $0x50, $0x38;
	[tilespmem:$0x3880] =	vst v63  }
0xcf: {  	_ =	swait.ge [sflag:s10], $0x50  }
0xd0: {  	[sflag:s10] =	ssyncset.done $0x0  }
0xd1: {  	[sflag:s10] =	ssyncadd.s32 $0xFFFFFFB0  }
0xd2: {  	[tilespmem:s12], [sflag:$0x1] =	stream.indirect.gather [hbm4b:s3+s11], $0x80, s2, s11, $0xb8;
	[tilespmem:$0x3880] =	vst v63  }
0xd3: {  	_ =	swait.ge [sflag:s13], $0x2800  }
0xd4: {  	[sflag:s13] =	ssyncset.done $0x0  }
0xd5: {  	[sflag:s13] =	ssyncadd.s32 $0xFFFFD800  }
0xd6: {  	v0 =	vld [tilespmem:$0x80]  }
0xd7: {  	v1 =	vld [tilespmem:$0x100]  }
0xd8: {  	v48 =	vld [tilespmem:$0x180]  }
0xd9: {  	v3 =	vld [tilespmem:$0x200]  }
0xda: {  	v4 =	vld [tilespmem:$0x280]  }
0xdb: {  	v5 =	vld [tilespmem:$0x300]  }
0xdc: {  	v6 =	vld [tilespmem:$0x380]  }
0xdd: {  	v7 =	vld [tilespmem:$0x400]  }
0xde: {  	v8 =	vld [tilespmem:$0x480]  }
0xdf: {  	v9 =	vld [tilespmem:$0x500]  }
0xe0: {  	v49 =	vld [tilespmem:$0x580]  }
0xe1: {  	v50 =	vld [tilespmem:$0x600]  }
0xe2: {  	v51 =	vld [tilespmem:$0x680]  }
0xe3: {  	v13 =	vld [tilespmem:$0x700]  }
0xe4: {  	v14 =	vld [tilespmem:$0x780]  }
0xe5: {  	v15 =	vld [tilespmem:$0x800]  }
0xe6: {  	v16 =	vld [tilespmem:$0x880]  }
0xe7: {  	v17 =	vld [tilespmem:$0x900]  }
0xe8: {  	v18 =	vld [tilespmem:$0x980]  }
0xe9: {  	v19 =	vld [tilespmem:$0xA00]  }
0xea: {  	v52 =	vld [tilespmem:$0xA80]  }
0xeb: {  	v53 =	vld [tilespmem:$0xB00]  }
0xec: {  	v54 =	vld [tilespmem:$0xB80]  }
0xed: {  	v55 =	vld [tilespmem:$0xC00]  }
0xee: {  	v24 =	vld [tilespmem:$0xC80]  }
0xef: {  	v25 =	vld [tilespmem:$0xD00]  }
0xf0: {  	v26 =	vld [tilespmem:$0xD80]  }
0xf1: {  	v27 =	vld [tilespmem:$0xE00]  }
0xf2: {  	v28 =	vld [tilespmem:$0xE80]  }
0xf3: {  	v29 =	vld [tilespmem:$0xF00]  }
0xf4: {  	v56 =	vld [tilespmem:$0xF80]  }
0xf5: {  	v57 =	vld [tilespmem:$0x1000]  }
0xf6: {  	v58 =	vld [tilespmem:$0x1080]  }
0xf7: {  	v59 =	vld [tilespmem:$0x1100]  }
0xf8: {  	v60 =	vld [tilespmem:$0x1180]  }
0xf9: {  	v61 =	vld [tilespmem:$0x1200]  }
0xfa: {  	v62 =	vld [tilespmem:$0x1280]  }
0xfb: {  	v63 =	vld [tilespmem:$0x1300]  }
0xfc: {  	v38 =	vld [tilespmem:$0x1380]  }
0xfd: {  	v39 =	vld [tilespmem:$0x1400]  }
0xfe: {  	v40 =	vld [tilespmem:$0x1480]  }
0xff: {  	v41 =	vld [tilespmem:$0x1500]  }
0x100: {  	v42 =	vld [tilespmem:$0x1580]  }
0x101: {  	v43 =	vld [tilespmem:$0x1600]  }
0x102: {  	v44 =	vld [tilespmem:$0x1680]  }
0x103: {  	v45 =	vld [tilespmem:$0x1700]  }
0x104: {  	v46 =	vld [tilespmem:$0x1780]  }
0x105: {  	v47 =	vld [tilespmem:$0x1880];
	v0 =	vadd.f32 v1, v0;
	v10 =	vadd.f32 v50, v49  }
0x106: {  	v30 =	vld [tilespmem:$0x2080];
	v50 =	vadd.f32 v57, v56  }
0x107: {  	v0 =	vadd.f32 v48, v0;
	v10 =	vadd.f32 v51, v10;
	v51 =	vld [tilespmem:$0x1980]  }
0x108: {  	v48 =	vadd.f32 v53, v52;
	v52 =	vld [tilespmem:$0x1A00]  }
0x109: {  	v32 =	vld [tilespmem:$0x2580];
	v12 =	vadd.f32 v58, v50;
	v0 =	vadd.f32 v3, v0  }
0x10a: {  	v33 =	vld [tilespmem:$0x2100];
	v2 =	vadd.f32 v54, v48;
	v10 =	vadd.f32 v13, v10  }
0x10b: {  	v53 =	vld [tilespmem:$0x1A80];
	v12 =	vadd.f32 v59, v12;
	v0 =	vadd.f32 v4, v0  }
0x10c: {  	v34 =	vld [tilespmem:$0x2600];
	v2 =	vadd.f32 v55, v2;
	v10 =	vadd.f32 v14, v10  }
0x10d: {  	v54 =	vld [tilespmem:$0x1B00];
	v12 =	vadd.f32 v60, v12;
	v3 =	vadd.f32 v52, v51  }
0x10e: {  	v35 =	vld [tilespmem:$0x2180];
	v0 =	vadd.f32 v5, v0;
	v2 =	vadd.f32 v24, v2  }
0x10f: {  	v37 =	vld [tilespmem:$0x2680];
	v10 =	vadd.f32 v15, v10;
	v12 =	vadd.f32 v61, v12  }
0x110: {  	v56 =	vld [tilespmem:$0x1C00];
	v3 =	vadd.f32 v53, v3;
	v0 =	vadd.f32 v6, v0  }
0x111: {  	v55 =	vld [tilespmem:$0x1B80];
	v2 =	vadd.f32 v25, v2;
	v10 =	vadd.f32 v16, v10  }
0x112: {  	v61 =	vld [tilespmem:$0x1E80];
	v12 =	vadd.f32 v62, v12;
	v3 =	vadd.f32 v54, v3  }
0x113: {  	v24 =	vld [tilespmem:$0x2400];
	v0 =	vadd.f32 v7, v0;
	v2 =	vadd.f32 v26, v2  }
0x114: {  	v62 =	vld [tilespmem:$0x1F00];
	v10 =	vadd.f32 v17, v10;
	v12 =	vadd.f32 v63, v12  }
0x115: {  	v63 =	vld [tilespmem:$0x2380];
	v26 =	vadd.f32 v41, v40;
	v2 =	vadd.f32 v27, v2  }
0x116: {  	v25 =	vld [tilespmem:$0x1F80];
	v3 =	vadd.f32 v55, v3;
	v0 =	vadd.f32 v8, v0  }
0x117: {  	v10 =	vadd.f32 v18, v10;
	v27 =	vld [tilespmem:$0x2480];
	v2 =	vadd.f32 v28, v2  }
0x118: {  	v12 =	vadd.f32 v38, v12;
	v22 =	vadd.f32 v42, v26;
	v28 =	vld [tilespmem:$0x2000]  }
0x119: {  	v8 =	vadd.f32 v62, v61;
	v2 =	vadd.f32 v29, v2;
	v29 =	vld [tilespmem:$0x2500]  }
0x11a: {  	v1 =	vld [tilespmem:$0x1800];
	v0 =	vadd.f32 v9, v0;
	v9 =	vadd.f32 v24, v63  }
0x11b: {  	v49 =	vld [tilespmem:$0x1900];
	v3 =	vadd.f32 v56, v3;
	v8 =	vadd.f32 v25, v8  }
0x11c: {  	v57 =	vld [tilespmem:$0x1C80];
	v31 =	vadd.f32 v43, v22;
	v9 =	vadd.f32 v27, v9  }
0x11d: {  	v58 =	vld [tilespmem:$0x1D00];
	v10 =	vadd.f32 v19, v10;
	v8 =	vadd.f32 v28, v8  }
0x11e: {  	v59 =	vld [tilespmem:$0x1D80];
	v18 =	vadd.f32 v44, v31;
	v9 =	vadd.f32 v29, v9  }
0x11f: {  	v60 =	vld [tilespmem:$0x1E00];
	v12 =	vadd.f32 v39, v12;
	v8 =	vadd.f32 v30, v8  }
0x120: {  	v38 =	vld [tilespmem:$0x2200];
	v36 =	vadd.f32 v45, v18;
	v9 =	vadd.f32 v32, v9  }
0x121: {  	v39 =	vld [tilespmem:$0x2700];
	v3 =	vadd.f32 v57, v3;
	v4 =	vadd.f32 v33, v8  }
0x122: {  	v40 =	vld [tilespmem:$0x2280];
	v17 =	vadd.f32 v46, v36;
	v9 =	vadd.f32 v34, v9  }
0x123: {  	v41 =	vld [tilespmem:$0x2780];
	v3 =	vadd.f32 v58, v3;
	v4 =	vadd.f32 v35, v4  }
0x124: {  	v42 =	vld [tilespmem:$0x2300];
	v1 =	vadd.f32 v1, v17;
	v9 =	vadd.f32 v37, v9  }
0x125: {  	v43 =	vld [tilespmem:$0x2800];
	v0 =	vmul.f32 $1.000000010e-01, v0;
	v3 =	vadd.f32 v59, v3;
	v4 =	vadd.f32 v38, v4  }
0x126: {  	v10 =	vmul.f32 $1.000000010e-01, v10;
	v1 =	vadd.f32 v47, v1;
	v8 =	vadd.f32 v39, v9  }
0x127: {  	[tilespmem:$0x3080] =	vst v0;
	v44 =	vmul.f32 $1.000000010e-01, v2;
	v3 =	vadd.f32 v60, v3;
	v45 =	vadd.f32 v40, v4  }
0x128: {  	[tilespmem:$0x3100] =	vst v10;
	v46 =	vmul.f32 $1.000000010e-01, v12;
	v1 =	vadd.f32 v49, v1;
	v47 =	vadd.f32 v41, v8  }
0x129: {  	[tilespmem:$0x3180] =	vst v44;
	v50 =	vmul.f32 $1.000000010e-01, v3;
	v49 =	vadd.f32 v42, v45  }
0x12a: {  	[tilespmem:$0x3200] =	vst v46;
	v48 =	vmul.f32 $1.000000010e-01, v1;
	v51 =	vadd.f32 v43, v47  }
0x12b: {  	[tilespmem:$0x3300] =	vst v50;
	v52 =	vmul.f32 $1.000000010e-01, v49  }
0x12c: {  	[tilespmem:$0x3280] =	vst v48;
	v53 =	vmul.f32 $1.000000010e-01, v51  }
0x12d: {  	[tilespmem:$0x3380] =	vst v52  }
0x12e: {  	[tilespmem:$0x3400] =	vst v53  }
0x12f: {  	[tilespmem:s2], [sflag:$0x2] =	stream.linear.gather [hbm4b:s7+s2], $0x50, $0x38;
	[tilespmem:$0x3880] =	vst v63  }
0x130: {  	_ =	swait.ge [sflag:s10], $0x50  }
0x131: {  	[sflag:s10] =	ssyncset.done $0x0  }
0x132: {  	[sflag:s10] =	ssyncadd.s32 $0xFFFFFFB0  }
0x133: {  	[tilespmem:s12], [sflag:$0x1] =	stream.indirect.gather [hbm4b:s3+s11], $0x80, s2, s11, $0xb8;
	[tilespmem:$0x3880] =	vst v63  }
0x134: {  	_ =	swait.ge [sflag:s13], $0x2800  }
0x135: {  	[sflag:s13] =	ssyncset.done $0x0  }
0x136: {  	[sflag:s13] =	ssyncadd.s32 $0xFFFFD800  }
0x137: {  	v0 =	vld [tilespmem:$0x80]  }
0x138: {  	v54 =	vld [tilespmem:$0x100]  }
0x139: {  	v2 =	vld [tilespmem:$0x180]  }
0x13a: {  	v3 =	vld [tilespmem:$0x200]  }
0x13b: {  	v4 =	vld [tilespmem:$0x280]  }
0x13c: {  	v5 =	vld [tilespmem:$0x300]  }
0x13d: {  	v6 =	vld [tilespmem:$0x380]  }
0x13e: {  	v7 =	vld [tilespmem:$0x400]  }
0x13f: {  	v8 =	vld [tilespmem:$0x480]  }
0x140: {  	v9 =	vld [tilespmem:$0x500]  }
0x141: {  	v10 =	vld [tilespmem:$0x580]  }
0x142: {  	v55 =	vld [tilespmem:$0x600]  }
0x143: {  	v12 =	vld [tilespmem:$0x680]  }
0x144: {  	v13 =	vld [tilespmem:$0x700]  }
0x145: {  	v14 =	vld [tilespmem:$0x780]  }
0x146: {  	v15 =	vld [tilespmem:$0x800]  }
0x147: {  	v16 =	vld [tilespmem:$0x880]  }
0x148: {  	v17 =	vld [tilespmem:$0x900]  }
0x149: {  	v18 =	vld [tilespmem:$0x980]  }
0x14a: {  	v19 =	vld [tilespmem:$0xA00]  }
0x14b: {  	v56 =	vld [tilespmem:$0xA80]  }
0x14c: {  	v57 =	vld [tilespmem:$0xB00]  }
0x14d: {  	v58 =	vld [tilespmem:$0xB80]  }
0x14e: {  	v23 =	vld [tilespmem:$0xC00]  }
0x14f: {  	v24 =	vld [tilespmem:$0xC80]  }
0x150: {  	v25 =	vld [tilespmem:$0xD00]  }
0x151: {  	v26 =	vld [tilespmem:$0xD80]  }
0x152: {  	v27 =	vld [tilespmem:$0xE00]  }
0x153: {  	v28 =	vld [tilespmem:$0xE80]  }
0x154: {  	v29 =	vld [tilespmem:$0xF00]  }
0x155: {  	v59 =	vld [tilespmem:$0xF80]  }
0x156: {  	v60 =	vld [tilespmem:$0x1000]  }
0x157: {  	v61 =	vld [tilespmem:$0x1080]  }
0x158: {  	v62 =	vld [tilespmem:$0x1100]  }
0x159: {  	v63 =	vld [tilespmem:$0x1180]  }
0x15a: {  	v35 =	vld [tilespmem:$0x1200]  }
0x15b: {  	v36 =	vld [tilespmem:$0x1280]  }
0x15c: {  	v37 =	vld [tilespmem:$0x1300]  }
0x15d: {  	v38 =	vld [tilespmem:$0x1380]  }
0x15e: {  	v39 =	vld [tilespmem:$0x1400]  }
0x15f: {  	v40 =	vld [tilespmem:$0x1480]  }
0x160: {  	v48 =	vld [tilespmem:$0x1500]  }
0x161: {  	v49 =	vld [tilespmem:$0x1580]  }
0x162: {  	v50 =	vld [tilespmem:$0x1600]  }
0x163: {  	v51 =	vld [tilespmem:$0x1680]  }
0x164: {  	v52 =	vld [tilespmem:$0x1700]  }
0x165: {  	v53 =	vld [tilespmem:$0x1780]  }
0x166: {  	v11 =	vld [tilespmem:$0x1880]  }
0x167: {  	v20 =	vld [tilespmem:$0x1900];
	v0 =	vadd.f32 v54, v0;
	v10 =	vadd.f32 v55, v10  }
0x168: {  	v30 =	vld [tilespmem:$0x1E80];
	v55 =	vadd.f32 v57, v56;
	v56 =	vadd.f32 v60, v59  }
0x169: {  	v57 =	vld [tilespmem:$0x1980];
	v0 =	vadd.f32 v2, v0;
	v10 =	vadd.f32 v12, v10  }
0x16a: {  	v2 =	vadd.f32 v58, v55;
	v58 =	vld [tilespmem:$0x1A00];
	v12 =	vadd.f32 v61, v56  }
0x16b: {  	v31 =	vld [tilespmem:$0x1F00];
	v0 =	vadd.f32 v3, v0;
	v10 =	vadd.f32 v13, v10  }
0x16c: {  	v32 =	vld [tilespmem:$0x2380];
	v2 =	vadd.f32 v23, v2;
	v12 =	vadd.f32 v62, v12  }
0x16d: {  	v59 =	vld [tilespmem:$0x1A80];
	v0 =	vadd.f32 v4, v0;
	v10 =	vadd.f32 v14, v10  }
0x16e: {  	v33 =	vld [tilespmem:$0x2400];
	v2 =	vadd.f32 v24, v2;
	v12 =	vadd.f32 v63, v12  }
0x16f: {  	v34 =	vld [tilespmem:$0x1F80];
	v3 =	vadd.f32 v58, v57;
	v0 =	vadd.f32 v5, v0  }
0x170: {  	v60 =	vld [tilespmem:$0x1B00];
	v10 =	vadd.f32 v15, v10;
	v2 =	vadd.f32 v25, v2  }
0x171: {  	v41 =	vld [tilespmem:$0x2580];
	v12 =	vadd.f32 v35, v12;
	v35 =	vadd.f32 v48, v40  }
0x172: {  	v43 =	vld [tilespmem:$0x2100];
	v3 =	vadd.f32 v59, v3;
	v0 =	vadd.f32 v6, v0  }
0x173: {  	v61 =	vld [tilespmem:$0x1B80];
	v10 =	vadd.f32 v16, v10;
	v2 =	vadd.f32 v26, v2  }
0x174: {  	v47 =	vld [tilespmem:$0x2600];
	v12 =	vadd.f32 v36, v12;
	v22 =	vadd.f32 v49, v35  }
0x175: {  	v54 =	vld [tilespmem:$0x1800];
	v3 =	vadd.f32 v60, v3;
	v0 =	vadd.f32 v7, v0  }
0x176: {  	v62 =	vld [tilespmem:$0x1C00];
	v10 =	vadd.f32 v17, v10;
	v2 =	vadd.f32 v27, v2  }
0x177: {  	v63 =	vld [tilespmem:$0x1C80];
	v12 =	vadd.f32 v37, v12;
	v40 =	vadd.f32 v50, v22  }
0x178: {  	v36 =	vld [tilespmem:$0x2480];
	v3 =	vadd.f32 v61, v3;
	v0 =	vadd.f32 v8, v0  }
0x179: {  	v37 =	vld [tilespmem:$0x2000];
	v10 =	vadd.f32 v18, v10;
	v12 =	vadd.f32 v38, v12  }
0x17a: {  	v8 =	vadd.f32 v31, v30;
	v38 =	vld [tilespmem:$0x2500];
	v0 =	vadd.f32 v9, v0  }
0x17b: {  	v12 =	vadd.f32 v39, v12;
	v9 =	vadd.f32 v33, v32;
	v39 =	vld [tilespmem:$0x2080]  }
0x17c: {  	v24 =	vld [tilespmem:$0x1D00];
	v2 =	vadd.f32 v28, v2;
	v8 =	vadd.f32 v34, v8  }
0x17d: {  	v25 =	vld [tilespmem:$0x1D80];
	v18 =	vadd.f32 v51, v40;
	v42 =	vadd.f32 v36, v9  }
0x17e: {  	v48 =	vld [tilespmem:$0x2180];
	v3 =	vadd.f32 v62, v3;
	v8 =	vadd.f32 v37, v8  }
0x17f: {  	v26 =	vld [tilespmem:$0x1E00];
	v10 =	vadd.f32 v19, v10;
	v4 =	vadd.f32 v38, v42  }
0x180: {  	v50 =	vld [tilespmem:$0x2680];
	v49 =	vadd.f32 v52, v18;
	v8 =	vadd.f32 v39, v8  }
0x181: {  	v51 =	vld [tilespmem:$0x2200];
	v3 =	vadd.f32 v63, v3;
	v4 =	vadd.f32 v41, v4  }
0x182: {  	v52 =	vld [tilespmem:$0x2700];
	v17 =	vadd.f32 v53, v49;
	v8 =	vadd.f32 v43, v8  }
0x183: {  	v53 =	vld [tilespmem:$0x2280];
	v3 =	vadd.f32 v24, v3;
	v4 =	vadd.f32 v47, v4  }
0x184: {  	v1 =	vadd.f32 v54, v17;
	v54 =	vld [tilespmem:$0x2780];
	v8 =	vadd.f32 v48, v8  }
0x185: {  	v55 =	vld [tilespmem:$0x2300];
	v2 =	vadd.f32 v29, v2;
	v4 =	vadd.f32 v50, v4  }
0x186: {  	v56 =	vld [tilespmem:$0x2800];
	v0 =	vmul.f32 $1.000000010e-01, v0;
	v3 =	vadd.f32 v25, v3;
	v5 =	vadd.f32 v51, v8  }
0x187: {  	v57 =	vmul.f32 $1.000000010e-01, v10;
	v1 =	vadd.f32 v11, v1;
	v4 =	vadd.f32 v52, v4  }
0x188: {  	v2 =	vmul.f32 $1.000000010e-01, v2;
	[tilespmem:$0x3480] =	vst v0;
	v3 =	vadd.f32 v26, v3;
	v59 =	vadd.f32 v53, v5  }
0x189: {  	v60 =	vmul.f32 $1.000000010e-01, v12;
	[tilespmem:$0x3500] =	vst v57;
	v58 =	vadd.f32 v20, v1;
	v4 =	vadd.f32 v54, v4  }
0x18a: {  	[tilespmem:$0x3580] =	vst v2;
	v3 =	vmul.f32 $1.000000010e-01, v3;
	v1 =	vadd.f32 v55, v59  }
0x18b: {  	[tilespmem:$0x3600] =	vst v60;
	v0 =	vmul.f32 $1.000000010e-01, v58;
	v61 =	vadd.f32 v56, v4  }
0x18c: {  	[tilespmem:$0x3700] =	vst v3;
	v62 =	vmul.f32 $1.000000010e-01, v1  }
0x18d: {  	[tilespmem:$0x3680] =	vst v0;
	v63 =	vmul.f32 $1.000000010e-01, v61  }
0x18e: {  	p0 =	sne.s32 s9, $0x1;
	[tilespmem:$0x3780] =	vst v62  }
.Ltmp0:
0x18f: {  	[tilespmem:$0x3800] =	vst v63;
	(pc) =	sbr.rel @p0 .LBB2_1-.Ltmp0, $4  }
0x190: {  	[hbm4b:s8+s2] =	stream.linear.scatter [tilespmem:s14], [sflag:$0x2], $0x1000, $0x38;
	[tilespmem:$0x3880] =	vst v63  }
0x191: {  	_ =	swait.ge [sflag:s10], $0x1000  }
0x192: {  	[sflag:s10] =	ssyncset.done $0x0  }
0x193: {  	s9 =	sadd.s32 $0xFFFFFFFF, s9;
	[sflag:s10] =	ssyncadd.s32 $0xFFFFF000  }
0x194: {  	_ =	sfence.sel $0x180000  }
0x195: {  	[bflag:$0x0] =	sbarrier.arrive $0xFFFF  }
0x196: {  	p0 =	sne.s32 s0, $0x0;
	_ =	strace $0x90000047  }
0x197: {  	s0 =	sadd.s32 @!p0 $0x100000, s1;
	[bflag:$0x2] =	sbarrier.arrive $0xFFFF  }
0x198: {  	[sflag:s0] =	ssyncadd.tile.s32 @!p0 $0x1;
	_ =	shalt  }
.Lfunc_end2:
_tile_overlayer_lowered:
.L_overlay_start_2:
0x199: {  	(tag) =	ssettag $0x2  }
0x19a: {  	s0 =	rddreg [dreg:$0x0];
	s2 =	stileid.u32  }
0x19b: {  	s1 =	rddreg [dreg:$0x1];
	p0 =	sne.s32 s2, $0x0  }
0x19c: {  	s3 =	rddreg [dreg:$0x2];
	[bflag:$0x3] =	sbarrier.arrive $0xFFFF;
	s2 =	simm.s32 @!p0 $0x1C02  }
0x19d: {  	[timem:s3], [sflag:s2] =	dma.local @!p0 [hbm:s0], s1  }
0x19e: {  	s0 =	simm.s32 @!p0 $0x2  }
0x19f: {  	_ =	swait.ge @!p0 [sflag:s0], s1  }
0x1a0: {  	s1 =	ssub.s32 @!p0 $0x0, s1;
	[sflag:s0] =	ssyncset.done @!p0 $0x0  }
0x1a1: {  	[sflag:s0] =	ssyncadd.s32 @!p0 s1  }
0x1a2: {  	[bflag:$0x3] =	sbarrier.arrive $0xFFFF  }
0x1a3: {  	_ =	shalt  }

</sc_bundles>
